<compile_context>
chip_gen: v7x
topology: tpu7x:2x2x1
jax: 0.10.2.dev20260603
libtpu: 0.0.44.dev20260713+nightly
codegen_flags: <defaults>
</compile_context>

<pallas_src>
import jax
import jax.numpy as jnp
from jax import lax
from jax.experimental import pallas as pl
from jax.experimental.pallas import tpu as pltpu
from jax.experimental.pallas import tpu_sc as plsc

DIM = 512
NW = 32
CHUNK = 32
NBUF = 4
NSLOT = 3
PERIOD = 12


def _gather_body(feats_hbm, table_hbm, out_hbm, idx_all,
                 buf0, buf1, buf2, buf3, spm,
                 gs0, gs1, gs2, gs3,
                 xs0, xs1, xs2, xs3,
                 hs0, hs1, hs2):
    cid = lax.axis_index("c")
    sid = lax.axis_index("s")
    wid = sid * 2 + cid
    n = feats_hbm.shape[0]
    per_w = n // NW
    chunks = per_w // CHUNK
    start = wid * per_w

    bufs = (buf0, buf1, buf2, buf3)
    gs = (gs0, gs1, gs2, gs3)
    xs = (xs0, xs1, xs2, xs3)
    hs = (hs0, hs1, hs2)

    def out_slc(i):
        return out_hbm.at[pl.ds(start + i * CHUNK, CHUNK)]

    def idx_slc(i):
        return idx_all.at[pl.ds(i * CHUNK, CHUNK)]

    def slot(s):
        return spm.at[pl.ds((sid * NSLOT + s) * CHUNK, CHUNK)]

    def gather(i, b):
        pltpu.async_copy(table_hbm.at[idx_slc(i)], bufs[b], gs[b])

    def gather_wait(i, b):
        pltpu.make_async_copy(table_hbm.at[idx_slc(i)], bufs[b], gs[b]).wait()

    def xfer(b, s):
        pltpu.async_copy(bufs[b], slot(s), xs[b])

    def xfer_wait(b, s):
        pltpu.make_async_copy(bufs[b], slot(s), xs[b]).wait()

    def hstore(i, s):
        pltpu.async_copy(slot(s), out_slc(i), hs[s])

    def hstore_wait(i, s):
        pltpu.make_async_copy(slot(s), out_slc(i), hs[s]).wait()

    pltpu.sync_copy(feats_hbm.at[pl.ds(start, per_w)], idx_all)

    gather(0, 0)
    gather(1, 1)
    gather(2, 2)

    gather_wait(0, 0)
    xfer(0, 0)
    gather(3, 3)
    gather_wait(1, 1)
    xfer(1, 1)
    xfer_wait(0, 0)
    hstore(0, 0)
    gather(4, 0)
    gather_wait(2, 2)
    xfer(2, 2)
    xfer_wait(1, 1)
    hstore(1, 1)
    gather(5, 1)

    def body(k, p):
        b = p % NBUF
        s = p % NSLOT
        gather_wait(k, b)
        hstore_wait(k - NSLOT, s)
        xfer(b, s)
        xfer_wait((p - 1) % NBUF, (p - 1) % NSLOT)
        hstore(k - 1, (p - 1) % NSLOT)
        gather(k + 3, (p + 3) % NBUF)

    def step(j, carry):
        k = PERIOD * j + 3
        for t in range(PERIOD):
            body(k + t, (3 + t) % PERIOD)
        return carry

    q = (chunks - 6) // PERIOD
    lax.fori_loop(0, q, step, 0)
    for k in range(3 + PERIOD * q, chunks - 3):
        body(k, k % PERIOD)

    for k in range(chunks - 3, chunks):
        gather_wait(k, k % NBUF)
        hstore_wait(k - NSLOT, k % NSLOT)
        xfer(k % NBUF, k % NSLOT)
        xfer_wait((k - 1) % NBUF, (k - 1) % NSLOT)
        hstore(k - 1, (k - 1) % NSLOT)
    xfer_wait((chunks - 1) % NBUF, (chunks - 1) % NSLOT)
    hstore(chunks - 1, (chunks - 1) % NSLOT)
    for k in range(chunks - NSLOT, chunks):
        hstore_wait(k, k % NSLOT)


def kernel(feats, table):
    B, T = feats.shape
    flat = feats.reshape(B * T)
    per_w = (B * T) // NW
    mesh = plsc.VectorSubcoreMesh(core_axis_name="c", subcore_axis_name="s")
    out = pl.kernel(
        _gather_body,
        mesh=mesh,
        out_type=jax.ShapeDtypeStruct((B * T, DIM), jnp.float32),
        scratch_types=(
            [pltpu.VMEM((per_w,), jnp.int32)]
            + [pltpu.VMEM((CHUNK, DIM), jnp.float32)] * NBUF
            + [pltpu.VMEM_SHARED((16 * NSLOT * CHUNK, DIM), jnp.float32)]
            + [pltpu.SemaphoreType.DMA] * (NBUF + NBUF + NSLOT)
        ),
    )(flat, table)
    return out.reshape(B, T, DIM)

# --- scband reference (transcript-rebuilt; emitter-appended) ---
"""Pipeline reference for scband-viusual-token-embedding-62405874811678 (READ-ONLY COPY).

The authoritative reference and input builder live on the scoring server;
editing this copy changes nothing except your own understanding.
"""

import jax, jax.numpy as jnp
import numpy as np

DIM = 512
VOCAB = 8192
B = 256
T = 576

def setup_inputs(seed: int = 0) -> dict:
    key = jax.random.key(seed)
    k1, k2 = jax.random.split(key)
    feats = jax.random.randint(k1, (B, T), 0, VOCAB, dtype=jnp.int32)
    table = jax.random.normal(k2, (VOCAB, DIM), dtype=jnp.float32) * 0.02
    return {"feats": feats, "table": table}

def reference(feats, table):
    # ViusualTokenEmbedding.forward with embeddings_act/norm/dropout/pos = None:
    # feats -> long -> nn.Embedding lookup -> return embeddings
    embeddings = jnp.take(table, feats, axis=0)
    return embeddings

if __name__ == "__main__":
    import jax
    _d = setup_inputs()
    print(jax.jit(kernel)(*tuple(_d.values())))

</pallas_src>

<mosaic_0001>
#map = affine_map<(d0, d1) -> (0)>
#map1 = affine_map<(d0, d1) -> (0, 0)>
module attributes {stable_mosaic.version = 14 : i64} {
  func.func @_gather_body(%arg0: i32, %arg1: i32, %arg2: memref<147456xi32, #tpu.memory_space<hbm>>, %arg3: memref<8192x512xf32, #tpu.memory_space<hbm>>, %arg4: memref<147456x512xf32, #tpu.memory_space<hbm>>, %arg5: memref<4608xi32, #tpu.memory_space<vmem>>, %arg6: memref<32x512xf32, #tpu.memory_space<vmem>>, %arg7: memref<32x512xf32, #tpu.memory_space<vmem>>, %arg8: memref<32x512xf32, #tpu.memory_space<vmem>>, %arg9: memref<32x512xf32, #tpu.memory_space<vmem>>, %arg10: memref<1536x512xf32, #tpu.memory_space<vmem_shared>>, %arg11: memref<!tpu.dma_semaphore, #tpu.memory_space<semaphore_mem>>, %arg12: memref<!tpu.dma_semaphore, #tpu.memory_space<semaphore_mem>>, %arg13: memref<!tpu.dma_semaphore, #tpu.memory_space<semaphore_mem>>, %arg14: memref<!tpu.dma_semaphore, #tpu.memory_space<semaphore_mem>>, %arg15: memref<!tpu.dma_semaphore, #tpu.memory_space<semaphore_mem>>, %arg16: memref<!tpu.dma_semaphore, #tpu.memory_space<semaphore_mem>>, %arg17: memref<!tpu.dma_semaphore, #tpu.memory_space<semaphore_mem>>, %arg18: memref<!tpu.dma_semaphore, #tpu.memory_space<semaphore_mem>>, %arg19: memref<!tpu.dma_semaphore, #tpu.memory_space<semaphore_mem>>, %arg20: memref<!tpu.dma_semaphore, #tpu.memory_space<semaphore_mem>>, %arg21: memref<!tpu.dma_semaphore, #tpu.memory_space<semaphore_mem>>) attributes {dimension_semantics = [#tpu.dimension_semantics<core_parallel>, #tpu.dimension_semantics<subcore_parallel>], iteration_bounds = array<i64: 2, 16>, scalar_prefetch = 0 : i64, scratch_operands = 17 : i64, tpu.core_type = #tpu.core_type<sc_vector_subcore>, window_params = [{transform_indices = #map}, {transform_indices = #map1}, {transform_indices = #map1}]} {
    %mul3A = arith.constant 2 : i32
    %mul3A_0 = arith.muli %arg1, %mul3A : i32
    %add3A = arith.addi %mul3A_0, %arg0 : i32
    %mul3A_1 = arith.constant 4608 : i32
    %mul3A_2 = arith.muli %add3A, %mul3A_1 : i32
    "tpu.region"() ({
      %run_scoped3A = tpu.sem_alloc : memref<!tpu.dma_semaphore, #tpu.memory_space<semaphore_mem>>
      %dma_start3A_654 = tpu.memref_slice %arg2[%mul3A_2] : memref<147456xi32, #tpu.memory_space<hbm>> -> memref<4608xi32, #tpu.memory_space<hbm>>
      %dma_start3A_655 = tpu.memref_slice %arg2[%mul3A_2] : memref<147456xi32, #tpu.memory_space<hbm>> -> memref<4608xi32, #tpu.memory_space<hbm>>
      tpu.enqueue_dma source(%dma_start3A_655 : memref<4608xi32, #tpu.memory_space<hbm>>) target(%arg5 : memref<4608xi32, #tpu.memory_space<vmem>>) target_semaphore(%run_scoped3A : memref<!tpu.dma_semaphore, #tpu.memory_space<semaphore_mem>>)
      %dma_wait3A_656 = tpu.memref_slice %arg2[%mul3A_2] : memref<147456xi32, #tpu.memory_space<hbm>> -> memref<4608xi32, #tpu.memory_space<hbm>>
      %dma_wait3A_657 = tpu.memref_slice %arg2[%mul3A_2] : memref<147456xi32, #tpu.memory_space<hbm>> -> memref<4608xi32, #tpu.memory_space<hbm>>
      tpu.wait_dma2 semaphore(%run_scoped3A : memref<!tpu.dma_semaphore, #tpu.memory_space<semaphore_mem>>) src(%dma_wait3A_657 : memref<4608xi32, #tpu.memory_space<hbm>>) dst(%arg5 : memref<4608xi32, #tpu.memory_space<vmem>>)
      tpu.yield
    }) : () -> ()
    %dma_start3A = arith.constant 0 : i32
    %dma_start3A_3 = tpu.memref_slice %arg5[%dma_start3A] : memref<4608xi32, #tpu.memory_space<vmem>> -> memref<32xi32, #tpu.memory_space<vmem>>
    %dma_start3A_4 = arith.constant 0 : i32
    %dma_start3A_5 = arith.constant 0 : i32
    %dma_start3A_6 = tpu.memref_slice %arg3[%dma_start3A_4, %dma_start3A_5] : memref<8192x512xf32, #tpu.memory_space<hbm>> -> memref<8192x512xf32, #tpu.memory_space<hbm>>
    tpu.enqueue_indirect_dma source(%dma_start3A_6 : memref<8192x512xf32, #tpu.memory_space<hbm>>) target(%arg6 : memref<32x512xf32, #tpu.memory_space<vmem>>) offsets(%dma_start3A_3 : memref<32xi32, #tpu.memory_space<vmem>>) semaphore(%arg11 : memref<!tpu.dma_semaphore, #tpu.memory_space<semaphore_mem>>)
    %dma_start3A_7 = arith.constant 32 : i32
    %dma_start3A_8 = tpu.memref_slice %arg5[%dma_start3A_7] : memref<4608xi32, #tpu.memory_space<vmem>> -> memref<32xi32, #tpu.memory_space<vmem>>
    %dma_start3A_9 = arith.constant 0 : i32
    %dma_start3A_10 = arith.constant 0 : i32
    %dma_start3A_11 = tpu.memref_slice %arg3[%dma_start3A_9, %dma_start3A_10] : memref<8192x512xf32, #tpu.memory_space<hbm>> -> memref<8192x512xf32, #tpu.memory_space<hbm>>
    tpu.enqueue_indirect_dma source(%dma_start3A_11 : memref<8192x512xf32, #tpu.memory_space<hbm>>) target(%arg7 : memref<32x512xf32, #tpu.memory_space<vmem>>) offsets(%dma_start3A_8 : memref<32xi32, #tpu.memory_space<vmem>>) semaphore(%arg12 : memref<!tpu.dma_semaphore, #tpu.memory_space<semaphore_mem>>)
    %dma_start3A_12 = arith.constant 64 : i32
    %dma_start3A_13 = tpu.memref_slice %arg5[%dma_start3A_12] : memref<4608xi32, #tpu.memory_space<vmem>> -> memref<32xi32, #tpu.memory_space<vmem>>
    %dma_start3A_14 = arith.constant 0 : i32
    %dma_start3A_15 = arith.constant 0 : i32
    %dma_start3A_16 = tpu.memref_slice %arg3[%dma_start3A_14, %dma_start3A_15] : memref<8192x512xf32, #tpu.memory_space<hbm>> -> memref<8192x512xf32, #tpu.memory_space<hbm>>
    tpu.enqueue_indirect_dma source(%dma_start3A_16 : memref<8192x512xf32, #tpu.memory_space<hbm>>) target(%arg8 : memref<32x512xf32, #tpu.memory_space<vmem>>) offsets(%dma_start3A_13 : memref<32xi32, #tpu.memory_space<vmem>>) semaphore(%arg13 : memref<!tpu.dma_semaphore, #tpu.memory_space<semaphore_mem>>)
    %dma_wait3A = arith.constant 0 : i32
    %dma_wait3A_17 = tpu.memref_slice %arg5[%dma_wait3A] : memref<4608xi32, #tpu.memory_space<vmem>> -> memref<32xi32, #tpu.memory_space<vmem>>
    %dma_wait3A_18 = arith.constant 0 : i32
    %dma_wait3A_19 = arith.constant 0 : i32
    %dma_wait3A_20 = tpu.memref_slice %arg3[%dma_wait3A_18, %dma_wait3A_19] : memref<8192x512xf32, #tpu.memory_space<hbm>> -> memref<8192x512xf32, #tpu.memory_space<hbm>>
    tpu.wait_indirect_dma semaphore(%arg11 : memref<!tpu.dma_semaphore, #tpu.memory_space<semaphore_mem>>) src(%dma_wait3A_20 : memref<8192x512xf32, #tpu.memory_space<hbm>>) dst(%arg6 : memref<32x512xf32, #tpu.memory_space<vmem>>)
    %mul3A_21 = arith.constant 3 : i32
    %mul3A_22 = arith.muli %arg1, %mul3A_21 : i32
    %add3A_23 = arith.constant 0 : i32
    %add3A_24 = arith.addi %mul3A_22, %add3A_23 : i32
    %mul3A_25 = arith.constant 32 : i32
    %mul3A_26 = arith.muli %add3A_24, %mul3A_25 : i32
    %dma_start3A_27 = arith.constant 0 : i32
    %dma_start3A_28 = tpu.memref_slice %arg10[%mul3A_26, %dma_start3A_27] : memref<1536x512xf32, #tpu.memory_space<vmem_shared>> -> memref<32x512xf32, #tpu.memory_space<vmem_shared>>
    %dma_start3A_29 = arith.constant 0 : i32
    %dma_start3A_30 = tpu.memref_slice %arg10[%mul3A_26, %dma_start3A_29] : memref<1536x512xf32, #tpu.memory_space<vmem_shared>> -> memref<32x512xf32, #tpu.memory_space<vmem_shared>>
    tpu.enqueue_dma source(%arg6 : memref<32x512xf32, #tpu.memory_space<vmem>>) target(%dma_start3A_30 : memref<32x512xf32, #tpu.memory_space<vmem_shared>>) target_semaphore(%arg15 : memref<!tpu.dma_semaphore, #tpu.memory_space<semaphore_mem>>)
    %dma_start3A_31 = arith.constant 96 : i32
    %dma_start3A_32 = tpu.memref_slice %arg5[%dma_start3A_31] : memref<4608xi32, #tpu.memory_space<vmem>> -> memref<32xi32, #tpu.memory_space<vmem>>
    %dma_start3A_33 = arith.constant 0 : i32
    %dma_start3A_34 = arith.constant 0 : i32
    %dma_start3A_35 = tpu.memref_slice %arg3[%dma_start3A_33, %dma_start3A_34] : memref<8192x512xf32, #tpu.memory_space<hbm>> -> memref<8192x512xf32, #tpu.memory_space<hbm>>
    tpu.enqueue_indirect_dma source(%dma_start3A_35 : memref<8192x512xf32, #tpu.memory_space<hbm>>) target(%arg9 : memref<32x512xf32, #tpu.memory_space<vmem>>) offsets(%dma_start3A_32 : memref<32xi32, #tpu.memory_space<vmem>>) semaphore(%arg14 : memref<!tpu.dma_semaphore, #tpu.memory_space<semaphore_mem>>)
    %dma_wait3A_36 = arith.constant 32 : i32
    %dma_wait3A_37 = tpu.memref_slice %arg5[%dma_wait3A_36] : memref<4608xi32, #tpu.memory_space<vmem>> -> memref<32xi32, #tpu.memory_space<vmem>>
    %dma_wait3A_38 = arith.constant 0 : i32
    %dma_wait3A_39 = arith.constant 0 : i32
    %dma_wait3A_40 = tpu.memref_slice %arg3[%dma_wait3A_38, %dma_wait3A_39] : memref<8192x512xf32, #tpu.memory_space<hbm>> -> memref<8192x512xf32, #tpu.memory_space<hbm>>
    tpu.wait_indirect_dma semaphore(%arg12 : memref<!tpu.dma_semaphore, #tpu.memory_space<semaphore_mem>>) src(%dma_wait3A_40 : memref<8192x512xf32, #tpu.memory_space<hbm>>) dst(%arg7 : memref<32x512xf32, #tpu.memory_space<vmem>>)
    %mul3A_41 = arith.constant 3 : i32
    %mul3A_42 = arith.muli %arg1, %mul3A_41 : i32
    %add3A_43 = arith.constant 1 : i32
    %add3A_44 = arith.addi %mul3A_42, %add3A_43 : i32
    %mul3A_45 = arith.constant 32 : i32
    %mul3A_46 = arith.muli %add3A_44, %mul3A_45 : i32
    %dma_start3A_47 = arith.constant 0 : i32
    %dma_start3A_48 = tpu.memref_slice %arg10[%mul3A_46, %dma_start3A_47] : memref<1536x512xf32, #tpu.memory_space<vmem_shared>> -> memref<32x512xf32, #tpu.memory_space<vmem_shared>>
    %dma_start3A_49 = arith.constant 0 : i32
    %dma_start3A_50 = tpu.memref_slice %arg10[%mul3A_46, %dma_start3A_49] : memref<1536x512xf32, #tpu.memory_space<vmem_shared>> -> memref<32x512xf32, #tpu.memory_space<vmem_shared>>
    tpu.enqueue_dma source(%arg7 : memref<32x512xf32, #tpu.memory_space<vmem>>) target(%dma_start3A_50 : memref<32x512xf32, #tpu.memory_space<vmem_shared>>) target_semaphore(%arg16 : memref<!tpu.dma_semaphore, #tpu.memory_space<semaphore_mem>>)
    %mul3A_51 = arith.constant 3 : i32
    %mul3A_52 = arith.muli %arg1, %mul3A_51 : i32
    %add3A_53 = arith.constant 0 : i32
    %add3A_54 = arith.addi %mul3A_52, %add3A_53 : i32
    %mul3A_55 = arith.constant 32 : i32
    %mul3A_56 = arith.muli %add3A_54, %mul3A_55 : i32
    %dma_wait3A_57 = arith.constant 0 : i32
    %dma_wait3A_58 = tpu.memref_slice %arg10[%mul3A_56, %dma_wait3A_57] : memref<1536x512xf32, #tpu.memory_space<vmem_shared>> -> memref<32x512xf32, #tpu.memory_space<vmem_shared>>
    %dma_wait3A_59 = arith.constant 0 : i32
    %dma_wait3A_60 = tpu.memref_slice %arg10[%mul3A_56, %dma_wait3A_59] : memref<1536x512xf32, #tpu.memory_space<vmem_shared>> -> memref<32x512xf32, #tpu.memory_space<vmem_shared>>
    tpu.wait_dma2 semaphore(%arg15 : memref<!tpu.dma_semaphore, #tpu.memory_space<semaphore_mem>>) src(%arg6 : memref<32x512xf32, #tpu.memory_space<vmem>>) dst(%dma_wait3A_60 : memref<32x512xf32, #tpu.memory_space<vmem_shared>>)
    %mul3A_61 = arith.constant 3 : i32
    %mul3A_62 = arith.muli %arg1, %mul3A_61 : i32
    %add3A_63 = arith.constant 0 : i32
    %add3A_64 = arith.addi %mul3A_62, %add3A_63 : i32
    %mul3A_65 = arith.constant 32 : i32
    %mul3A_66 = arith.muli %add3A_64, %mul3A_65 : i32
    %add3A_67 = arith.constant 0 : i32
    %add3A_68 = arith.addi %mul3A_2, %add3A_67 : i32
    %dma_start3A_69 = arith.constant 0 : i32
    %dma_start3A_70 = tpu.memref_slice %arg4[%add3A_68, %dma_start3A_69] : memref<147456x512xf32, #tpu.memory_space<hbm>> -> memref<32x512xf32, #tpu.memory_space<hbm>>
    %dma_start3A_71 = arith.constant 0 : i32
    %dma_start3A_72 = tpu.memref_slice %arg10[%mul3A_66, %dma_start3A_71] : memref<1536x512xf32, #tpu.memory_space<vmem_shared>> -> memref<32x512xf32, #tpu.memory_space<vmem_shared>>
    tpu.enqueue_dma source(%dma_start3A_72 : memref<32x512xf32, #tpu.memory_space<vmem_shared>>) target(%dma_start3A_70 : memref<32x512xf32, #tpu.memory_space<hbm>>) target_semaphore(%arg19 : memref<!tpu.dma_semaphore, #tpu.memory_space<semaphore_mem>>)
    %dma_start3A_73 = arith.constant 128 : i32
    %dma_start3A_74 = tpu.memref_slice %arg5[%dma_start3A_73] : memref<4608xi32, #tpu.memory_space<vmem>> -> memref<32xi32, #tpu.memory_space<vmem>>
    %dma_start3A_75 = arith.constant 0 : i32
    %dma_start3A_76 = arith.constant 0 : i32
    %dma_start3A_77 = tpu.memref_slice %arg3[%dma_start3A_75, %dma_start3A_76] : memref<8192x512xf32, #tpu.memory_space<hbm>> -> memref<8192x512xf32, #tpu.memory_space<hbm>>
    tpu.enqueue_indirect_dma source(%dma_start3A_77 : memref<8192x512xf32, #tpu.memory_space<hbm>>) target(%arg6 : memref<32x512xf32, #tpu.memory_space<vmem>>) offsets(%dma_start3A_74 : memref<32xi32, #tpu.memory_space<vmem>>) semaphore(%arg11 : memref<!tpu.dma_semaphore, #tpu.memory_space<semaphore_mem>>)
    %dma_wait3A_78 = arith.constant 64 : i32
    %dma_wait3A_79 = tpu.memref_slice %arg5[%dma_wait3A_78] : memref<4608xi32, #tpu.memory_space<vmem>> -> memref<32xi32, #tpu.memory_space<vmem>>
    %dma_wait3A_80 = arith.constant 0 : i32
    %dma_wait3A_81 = arith.constant 0 : i32
    %dma_wait3A_82 = tpu.memref_slice %arg3[%dma_wait3A_80, %dma_wait3A_81] : memref<8192x512xf32, #tpu.memory_space<hbm>> -> memref<8192x512xf32, #tpu.memory_space<hbm>>
    tpu.wait_indirect_dma semaphore(%arg13 : memref<!tpu.dma_semaphore, #tpu.memory_space<semaphore_mem>>) src(%dma_wait3A_82 : memref<8192x512xf32, #tpu.memory_space<hbm>>) dst(%arg8 : memref<32x512xf32, #tpu.memory_space<vmem>>)
    %mul3A_83 = arith.constant 3 : i32
    %mul3A_84 = arith.muli %arg1, %mul3A_83 : i32
    %add3A_85 = arith.constant 2 : i32
    %add3A_86 = arith.addi %mul3A_84, %add3A_85 : i32
    %mul3A_87 = arith.constant 32 : i32
    %mul3A_88 = arith.muli %add3A_86, %mul3A_87 : i32
    %dma_start3A_89 = arith.constant 0 : i32
    %dma_start3A_90 = tpu.memref_slice %arg10[%mul3A_88, %dma_start3A_89] : memref<1536x512xf32, #tpu.memory_space<vmem_shared>> -> memref<32x512xf32, #tpu.memory_space<vmem_shared>>
    %dma_start3A_91 = arith.constant 0 : i32
    %dma_start3A_92 = tpu.memref_slice %arg10[%mul3A_88, %dma_start3A_91] : memref<1536x512xf32, #tpu.memory_space<vmem_shared>> -> memref<32x512xf32, #tpu.memory_space<vmem_shared>>
    tpu.enqueue_dma source(%arg8 : memref<32x512xf32, #tpu.memory_space<vmem>>) target(%dma_start3A_92 : memref<32x512xf32, #tpu.memory_space<vmem_shared>>) target_semaphore(%arg17 : memref<!tpu.dma_semaphore, #tpu.memory_space<semaphore_mem>>)
    %mul3A_93 = arith.constant 3 : i32
    %mul3A_94 = arith.muli %arg1, %mul3A_93 : i32
    %add3A_95 = arith.constant 1 : i32
    %add3A_96 = arith.addi %mul3A_94, %add3A_95 : i32
    %mul3A_97 = arith.constant 32 : i32
    %mul3A_98 = arith.muli %add3A_96, %mul3A_97 : i32
    %dma_wait3A_99 = arith.constant 0 : i32
    %dma_wait3A_100 = tpu.memref_slice %arg10[%mul3A_98, %dma_wait3A_99] : memref<1536x512xf32, #tpu.memory_space<vmem_shared>> -> memref<32x512xf32, #tpu.memory_space<vmem_shared>>
    %dma_wait3A_101 = arith.constant 0 : i32
    %dma_wait3A_102 = tpu.memref_slice %arg10[%mul3A_98, %dma_wait3A_101] : memref<1536x512xf32, #tpu.memory_space<vmem_shared>> -> memref<32x512xf32, #tpu.memory_space<vmem_shared>>
    tpu.wait_dma2 semaphore(%arg16 : memref<!tpu.dma_semaphore, #tpu.memory_space<semaphore_mem>>) src(%arg7 : memref<32x512xf32, #tpu.memory_space<vmem>>) dst(%dma_wait3A_102 : memref<32x512xf32, #tpu.memory_space<vmem_shared>>)
    %mul3A_103 = arith.constant 3 : i32
    %mul3A_104 = arith.muli %arg1, %mul3A_103 : i32
    %add3A_105 = arith.constant 1 : i32
    %add3A_106 = arith.addi %mul3A_104, %add3A_105 : i32
    %mul3A_107 = arith.constant 32 : i32
    %mul3A_108 = arith.muli %add3A_106, %mul3A_107 : i32
    %add3A_109 = arith.constant 32 : i32
    %add3A_110 = arith.addi %mul3A_2, %add3A_109 : i32
    %dma_start3A_111 = arith.constant 0 : i32
    %dma_start3A_112 = tpu.memref_slice %arg4[%add3A_110, %dma_start3A_111] : memref<147456x512xf32, #tpu.memory_space<hbm>> -> memref<32x512xf32, #tpu.memory_space<hbm>>
    %dma_start3A_113 = arith.constant 0 : i32
    %dma_start3A_114 = tpu.memref_slice %arg10[%mul3A_108, %dma_start3A_113] : memref<1536x512xf32, #tpu.memory_space<vmem_shared>> -> memref<32x512xf32, #tpu.memory_space<vmem_shared>>
    tpu.enqueue_dma source(%dma_start3A_114 : memref<32x512xf32, #tpu.memory_space<vmem_shared>>) target(%dma_start3A_112 : memref<32x512xf32, #tpu.memory_space<hbm>>) target_semaphore(%arg20 : memref<!tpu.dma_semaphore, #tpu.memory_space<semaphore_mem>>)
    %dma_start3A_115 = arith.constant 160 : i32
    %dma_start3A_116 = tpu.memref_slice %arg5[%dma_start3A_115] : memref<4608xi32, #tpu.memory_space<vmem>> -> memref<32xi32, #tpu.memory_space<vmem>>
    %dma_start3A_117 = arith.constant 0 : i32
    %dma_start3A_118 = arith.constant 0 : i32
    %dma_start3A_119 = tpu.memref_slice %arg3[%dma_start3A_117, %dma_start3A_118] : memref<8192x512xf32, #tpu.memory_space<hbm>> -> memref<8192x512xf32, #tpu.memory_space<hbm>>
    tpu.enqueue_indirect_dma source(%dma_start3A_119 : memref<8192x512xf32, #tpu.memory_space<hbm>>) target(%arg7 : memref<32x512xf32, #tpu.memory_space<vmem>>) offsets(%dma_start3A_116 : memref<32xi32, #tpu.memory_space<vmem>>) semaphore(%arg12 : memref<!tpu.dma_semaphore, #tpu.memory_space<semaphore_mem>>)
    %scan3A = arith.constant 0 : i32
    %scan3A_120 = arith.constant 0 : i32
    %scan3A_121 = arith.constant 11 : i32
    %scan3A_122 = arith.addi %scan3A_120, %scan3A_121 : i32
    %scan3A_123 = arith.constant 1 : i32
    scf.for %scan3A_654 = %scan3A_120 to %scan3A_122 step %scan3A_123  : i32 {
      %mul3A_655 = arith.constant 12 : i32
      %mul3A_656 = arith.muli %mul3A_655, %scan3A_654 : i32
      %add3A_657 = arith.constant 3 : i32
      %add3A_658 = arith.addi %mul3A_656, %add3A_657 : i32
      %add3A_659 = arith.constant 0 : i32
      %add3A_660 = arith.addi %add3A_658, %add3A_659 : i32
      %mul3A_661 = arith.constant 32 : i32
      %mul3A_662 = arith.muli %add3A_660, %mul3A_661 : i32
      %dma_wait3A_663 = tpu.memref_slice %arg5[%mul3A_662] : memref<4608xi32, #tpu.memory_space<vmem>> -> memref<32xi32, #tpu.memory_space<vmem>>
      %dma_wait3A_664 = arith.constant 0 : i32
      %dma_wait3A_665 = arith.constant 0 : i32
      %dma_wait3A_666 = tpu.memref_slice %arg3[%dma_wait3A_664, %dma_wait3A_665] : memref<8192x512xf32, #tpu.memory_space<hbm>> -> memref<8192x512xf32, #tpu.memory_space<hbm>>
      tpu.wait_indirect_dma semaphore(%arg14 : memref<!tpu.dma_semaphore, #tpu.memory_space<semaphore_mem>>) src(%dma_wait3A_666 : memref<8192x512xf32, #tpu.memory_space<hbm>>) dst(%arg9 : memref<32x512xf32, #tpu.memory_space<vmem>>)
      %sub3A = arith.constant 3 : i32
      %sub3A_667 = arith.subi %add3A_660, %sub3A : i32
      %mul3A_668 = arith.constant 3 : i32
      %mul3A_669 = arith.muli %arg1, %mul3A_668 : i32
      %add3A_670 = arith.constant 0 : i32
      %add3A_671 = arith.addi %mul3A_669, %add3A_670 : i32
      %mul3A_672 = arith.constant 32 : i32
      %mul3A_673 = arith.muli %add3A_671, %mul3A_672 : i32
      %mul3A_674 = arith.constant 32 : i32
      %mul3A_675 = arith.muli %sub3A_667, %mul3A_674 : i32
      %add3A_676 = arith.addi %mul3A_2, %mul3A_675 : i32
      %dma_wait3A_677 = arith.constant 0 : i32
      %dma_wait3A_678 = tpu.memref_slice %arg4[%add3A_676, %dma_wait3A_677] : memref<147456x512xf32, #tpu.memory_space<hbm>> -> memref<32x512xf32, #tpu.memory_space<hbm>>
      %dma_wait3A_679 = arith.constant 0 : i32
      %dma_wait3A_680 = tpu.memref_slice %arg10[%mul3A_673, %dma_wait3A_679] : memref<1536x512xf32, #tpu.memory_space<vmem_shared>> -> memref<32x512xf32, #tpu.memory_space<vmem_shared>>
      tpu.wait_dma2 semaphore(%arg19 : memref<!tpu.dma_semaphore, #tpu.memory_space<semaphore_mem>>) src(%dma_wait3A_680 : memref<32x512xf32, #tpu.memory_space<vmem_shared>>) dst(%dma_wait3A_678 : memref<32x512xf32, #tpu.memory_space<hbm>>)
      %mul3A_681 = arith.constant 3 : i32
      %mul3A_682 = arith.muli %arg1, %mul3A_681 : i32
      %add3A_683 = arith.constant 0 : i32
      %add3A_684 = arith.addi %mul3A_682, %add3A_683 : i32
      %mul3A_685 = arith.constant 32 : i32
      %mul3A_686 = arith.muli %add3A_684, %mul3A_685 : i32
      %dma_start3A_687 = arith.constant 0 : i32
      %dma_start3A_688 = tpu.memref_slice %arg10[%mul3A_686, %dma_start3A_687] : memref<1536x512xf32, #tpu.memory_space<vmem_shared>> -> memref<32x512xf32, #tpu.memory_space<vmem_shared>>
      %dma_start3A_689 = arith.constant 0 : i32
      %dma_start3A_690 = tpu.memref_slice %arg10[%mul3A_686, %dma_start3A_689] : memref<1536x512xf32, #tpu.memory_space<vmem_shared>> -> memref<32x512xf32, #tpu.memory_space<vmem_shared>>
      tpu.enqueue_dma source(%arg9 : memref<32x512xf32, #tpu.memory_space<vmem>>) target(%dma_start3A_690 : memref<32x512xf32, #tpu.memory_space<vmem_shared>>) target_semaphore(%arg18 : memref<!tpu.dma_semaphore, #tpu.memory_space<semaphore_mem>>)
      %mul3A_691 = arith.constant 3 : i32
      %mul3A_692 = arith.muli %arg1, %mul3A_691 : i32
      %add3A_693 = arith.constant 2 : i32
      %add3A_694 = arith.addi %mul3A_692, %add3A_693 : i32
      %mul3A_695 = arith.constant 32 : i32
      %mul3A_696 = arith.muli %add3A_694, %mul3A_695 : i32
      %dma_wait3A_697 = arith.constant 0 : i32
      %dma_wait3A_698 = tpu.memref_slice %arg10[%mul3A_696, %dma_wait3A_697] : memref<1536x512xf32, #tpu.memory_space<vmem_shared>> -> memref<32x512xf32, #tpu.memory_space<vmem_shared>>
      %dma_wait3A_699 = arith.constant 0 : i32
      %dma_wait3A_700 = tpu.memref_slice %arg10[%mul3A_696, %dma_wait3A_699] : memref<1536x512xf32, #tpu.memory_space<vmem_shared>> -> memref<32x512xf32, #tpu.memory_space<vmem_shared>>
      tpu.wait_dma2 semaphore(%arg17 : memref<!tpu.dma_semaphore, #tpu.memory_space<semaphore_mem>>) src(%arg8 : memref<32x512xf32, #tpu.memory_space<vmem>>) dst(%dma_wait3A_700 : memref<32x512xf32, #tpu.memory_space<vmem_shared>>)
      %sub3A_701 = arith.constant 1 : i32
      %sub3A_702 = arith.subi %add3A_660, %sub3A_701 : i32
      %mul3A_703 = arith.constant 3 : i32
      %mul3A_704 = arith.muli %arg1, %mul3A_703 : i32
      %add3A_705 = arith.constant 2 : i32
      %add3A_706 = arith.addi %mul3A_704, %add3A_705 : i32
      %mul3A_707 = arith.constant 32 : i32
      %mul3A_708 = arith.muli %add3A_706, %mul3A_707 : i32
      %mul3A_709 = arith.constant 32 : i32
      %mul3A_710 = arith.muli %sub3A_702, %mul3A_709 : i32
      %add3A_711 = arith.addi %mul3A_2, %mul3A_710 : i32
      %dma_start3A_712 = arith.constant 0 : i32
      %dma_start3A_713 = tpu.memref_slice %arg4[%add3A_711, %dma_start3A_712] : memref<147456x512xf32, #tpu.memory_space<hbm>> -> memref<32x512xf32, #tpu.memory_space<hbm>>
      %dma_start3A_714 = arith.constant 0 : i32
      %dma_start3A_715 = tpu.memref_slice %arg10[%mul3A_708, %dma_start3A_714] : memref<1536x512xf32, #tpu.memory_space<vmem_shared>> -> memref<32x512xf32, #tpu.memory_space<vmem_shared>>
      tpu.enqueue_dma source(%dma_start3A_715 : memref<32x512xf32, #tpu.memory_space<vmem_shared>>) target(%dma_start3A_713 : memref<32x512xf32, #tpu.memory_space<hbm>>) target_semaphore(%arg21 : memref<!tpu.dma_semaphore, #tpu.memory_space<semaphore_mem>>)
      %add3A_716 = arith.constant 3 : i32
      %add3A_717 = arith.addi %add3A_660, %add3A_716 : i32
      %mul3A_718 = arith.constant 32 : i32
      %mul3A_719 = arith.muli %add3A_717, %mul3A_718 : i32
      %dma_start3A_720 = tpu.memref_slice %arg5[%mul3A_719] : memref<4608xi32, #tpu.memory_space<vmem>> -> memref<32xi32, #tpu.memory_space<vmem>>
      %dma_start3A_721 = arith.constant 0 : i32
      %dma_start3A_722 = arith.constant 0 : i32
      %dma_start3A_723 = tpu.memref_slice %arg3[%dma_start3A_721, %dma_start3A_722] : memref<8192x512xf32, #tpu.memory_space<hbm>> -> memref<8192x512xf32, #tpu.memory_space<hbm>>
      tpu.enqueue_indirect_dma source(%dma_start3A_723 : memref<8192x512xf32, #tpu.memory_space<hbm>>) target(%arg8 : memref<32x512xf32, #tpu.memory_space<vmem>>) offsets(%dma_start3A_720 : memref<32xi32, #tpu.memory_space<vmem>>) semaphore(%arg13 : memref<!tpu.dma_semaphore, #tpu.memory_space<semaphore_mem>>)
      %add3A_724 = arith.constant 1 : i32
      %add3A_725 = arith.addi %add3A_658, %add3A_724 : i32
      %mul3A_726 = arith.constant 32 : i32
      %mul3A_727 = arith.muli %add3A_725, %mul3A_726 : i32
      %dma_wait3A_728 = tpu.memref_slice %arg5[%mul3A_727] : memref<4608xi32, #tpu.memory_space<vmem>> -> memref<32xi32, #tpu.memory_space<vmem>>
      %dma_wait3A_729 = arith.constant 0 : i32
      %dma_wait3A_730 = arith.constant 0 : i32
      %dma_wait3A_731 = tpu.memref_slice %arg3[%dma_wait3A_729, %dma_wait3A_730] : memref<8192x512xf32, #tpu.memory_space<hbm>> -> memref<8192x512xf32, #tpu.memory_space<hbm>>
      tpu.wait_indirect_dma semaphore(%arg11 : memref<!tpu.dma_semaphore, #tpu.memory_space<semaphore_mem>>) src(%dma_wait3A_731 : memref<8192x512xf32, #tpu.memory_space<hbm>>) dst(%arg6 : memref<32x512xf32, #tpu.memory_space<vmem>>)
      %sub3A_732 = arith.constant 3 : i32
      %sub3A_733 = arith.subi %add3A_725, %sub3A_732 : i32
      %mul3A_734 = arith.constant 3 : i32
      %mul3A_735 = arith.muli %arg1, %mul3A_734 : i32
      %add3A_736 = arith.constant 1 : i32
      %add3A_737 = arith.addi %mul3A_735, %add3A_736 : i32
      %mul3A_738 = arith.constant 32 : i32
      %mul3A_739 = arith.muli %add3A_737, %mul3A_738 : i32
      %mul3A_740 = arith.constant 32 : i32
      %mul3A_741 = arith.muli %sub3A_733, %mul3A_740 : i32
      %add3A_742 = arith.addi %mul3A_2, %mul3A_741 : i32
      %dma_wait3A_743 = arith.constant 0 : i32
      %dma_wait3A_744 = tpu.memref_slice %arg4[%add3A_742, %dma_wait3A_743] : memref<147456x512xf32, #tpu.memory_space<hbm>> -> memref<32x512xf32, #tpu.memory_space<hbm>>
      %dma_wait3A_745 = arith.constant 0 : i32
      %dma_wait3A_746 = tpu.memref_slice %arg10[%mul3A_739, %dma_wait3A_745] : memref<1536x512xf32, #tpu.memory_space<vmem_shared>> -> memref<32x512xf32, #tpu.memory_space<vmem_shared>>
      tpu.wait_dma2 semaphore(%arg20 : memref<!tpu.dma_semaphore, #tpu.memory_space<semaphore_mem>>) src(%dma_wait3A_746 : memref<32x512xf32, #tpu.memory_space<vmem_shared>>) dst(%dma_wait3A_744 : memref<32x512xf32, #tpu.memory_space<hbm>>)
      %mul3A_747 = arith.constant 3 : i32
      %mul3A_748 = arith.muli %arg1, %mul3A_747 : i32
      %add3A_749 = arith.constant 1 : i32
      %add3A_750 = arith.addi %mul3A_748, %add3A_749 : i32
      %mul3A_751 = arith.constant 32 : i32
      %mul3A_752 = arith.muli %add3A_750, %mul3A_751 : i32
      %dma_start3A_753 = arith.constant 0 : i32
      %dma_start3A_754 = tpu.memref_slice %arg10[%mul3A_752, %dma_start3A_753] : memref<1536x512xf32, #tpu.memory_space<vmem_shared>> -> memref<32x512xf32, #tpu.memory_space<vmem_shared>>
      %dma_start3A_755 = arith.constant 0 : i32
      %dma_start3A_756 = tpu.memref_slice %arg10[%mul3A_752, %dma_start3A_755] : memref<1536x512xf32, #tpu.memory_space<vmem_shared>> -> memref<32x512xf32, #tpu.memory_space<vmem_shared>>
      tpu.enqueue_dma source(%arg6 : memref<32x512xf32, #tpu.memory_space<vmem>>) target(%dma_start3A_756 : memref<32x512xf32, #tpu.memory_space<vmem_shared>>) target_semaphore(%arg15 : memref<!tpu.dma_semaphore, #tpu.memory_space<semaphore_mem>>)
      %mul3A_757 = arith.constant 3 : i32
      %mul3A_758 = arith.muli %arg1, %mul3A_757 : i32
      %add3A_759 = arith.constant 0 : i32
      %add3A_760 = arith.addi %mul3A_758, %add3A_759 : i32
      %mul3A_761 = arith.constant 32 : i32
      %mul3A_762 = arith.muli %add3A_760, %mul3A_761 : i32
      %dma_wait3A_763 = arith.constant 0 : i32
      %dma_wait3A_764 = tpu.memref_slice %arg10[%mul3A_762, %dma_wait3A_763] : memref<1536x512xf32, #tpu.memory_space<vmem_shared>> -> memref<32x512xf32, #tpu.memory_space<vmem_shared>>
      %dma_wait3A_765 = arith.constant 0 : i32
      %dma_wait3A_766 = tpu.memref_slice %arg10[%mul3A_762, %dma_wait3A_765] : memref<1536x512xf32, #tpu.memory_space<vmem_shared>> -> memref<32x512xf32, #tpu.memory_space<vmem_shared>>
      tpu.wait_dma2 semaphore(%arg18 : memref<!tpu.dma_semaphore, #tpu.memory_space<semaphore_mem>>) src(%arg9 : memref<32x512xf32, #tpu.memory_space<vmem>>) dst(%dma_wait3A_766 : memref<32x512xf32, #tpu.memory_space<vmem_shared>>)
      %sub3A_767 = arith.constant 1 : i32
      %sub3A_768 = arith.subi %add3A_725, %sub3A_767 : i32
      %mul3A_769 = arith.constant 3 : i32
      %mul3A_770 = arith.muli %arg1, %mul3A_769 : i32
      %add3A_771 = arith.constant 0 : i32
      %add3A_772 = arith.addi %mul3A_770, %add3A_771 : i32
      %mul3A_773 = arith.constant 32 : i32
      %mul3A_774 = arith.muli %add3A_772, %mul3A_773 : i32
      %mul3A_775 = arith.constant 32 : i32
      %mul3A_776 = arith.muli %sub3A_768, %mul3A_775 : i32
      %add3A_777 = arith.addi %mul3A_2, %mul3A_776 : i32
      %dma_start3A_778 = arith.constant 0 : i32
      %dma_start3A_779 = tpu.memref_slice %arg4[%add3A_777, %dma_start3A_778] : memref<147456x512xf32, #tpu.memory_space<hbm>> -> memref<32x512xf32, #tpu.memory_space<hbm>>
      %dma_start3A_780 = arith.constant 0 : i32
      %dma_start3A_781 = tpu.memref_slice %arg10[%mul3A_774, %dma_start3A_780] : memref<1536x512xf32, #tpu.memory_space<vmem_shared>> -> memref<32x512xf32, #tpu.memory_space<vmem_shared>>
      tpu.enqueue_dma source(%dma_start3A_781 : memref<32x512xf32, #tpu.memory_space<vmem_shared>>) target(%dma_start3A_779 : memref<32x512xf32, #tpu.memory_space<hbm>>) target_semaphore(%arg19 : memref<!tpu.dma_semaphore, #tpu.memory_space<semaphore_mem>>)
      %add3A_782 = arith.constant 3 : i32
      %add3A_783 = arith.addi %add3A_725, %add3A_782 : i32
      %mul3A_784 = arith.constant 32 : i32
      %mul3A_785 = arith.muli %add3A_783, %mul3A_784 : i32
      %dma_start3A_786 = tpu.memref_slice %arg5[%mul3A_785] : memref<4608xi32, #tpu.memory_space<vmem>> -> memref<32xi32, #tpu.memory_space<vmem>>
      %dma_start3A_787 = arith.constant 0 : i32
      %dma_start3A_788 = arith.constant 0 : i32
      %dma_start3A_789 = tpu.memref_slice %arg3[%dma_start3A_787, %dma_start3A_788] : memref<8192x512xf32, #tpu.memory_space<hbm>> -> memref<8192x512xf32, #tpu.memory_space<hbm>>
      tpu.enqueue_indirect_dma source(%dma_start3A_789 : memref<8192x512xf32, #tpu.memory_space<hbm>>) target(%arg9 : memref<32x512xf32, #tpu.memory_space<vmem>>) offsets(%dma_start3A_786 : memref<32xi32, #tpu.memory_space<vmem>>) semaphore(%arg14 : memref<!tpu.dma_semaphore, #tpu.memory_space<semaphore_mem>>)
      %add3A_790 = arith.constant 2 : i32
      %add3A_791 = arith.addi %add3A_658, %add3A_790 : i32
      %mul3A_792 = arith.constant 32 : i32
      %mul3A_793 = arith.muli %add3A_791, %mul3A_792 : i32
      %dma_wait3A_794 = tpu.memref_slice %arg5[%mul3A_793] : memref<4608xi32, #tpu.memory_space<vmem>> -> memref<32xi32, #tpu.memory_space<vmem>>
      %dma_wait3A_795 = arith.constant 0 : i32
      %dma_wait3A_796 = arith.constant 0 : i32
      %dma_wait3A_797 = tpu.memref_slice %arg3[%dma_wait3A_795, %dma_wait3A_796] : memref<8192x512xf32, #tpu.memory_space<hbm>> -> memref<8192x512xf32, #tpu.memory_space<hbm>>
      tpu.wait_indirect_dma semaphore(%arg12 : memref<!tpu.dma_semaphore, #tpu.memory_space<semaphore_mem>>) src(%dma_wait3A_797 : memref<8192x512xf32, #tpu.memory_space<hbm>>) dst(%arg7 : memref<32x512xf32, #tpu.memory_space<vmem>>)
      %sub3A_798 = arith.constant 3 : i32
      %sub3A_799 = arith.subi %add3A_791, %sub3A_798 : i32
      %mul3A_800 = arith.constant 3 : i32
      %mul3A_801 = arith.muli %arg1, %mul3A_800 : i32
      %add3A_802 = arith.constant 2 : i32
      %add3A_803 = arith.addi %mul3A_801, %add3A_802 : i32
      %mul3A_804 = arith.constant 32 : i32
      %mul3A_805 = arith.muli %add3A_803, %mul3A_804 : i32
      %mul3A_806 = arith.constant 32 : i32
      %mul3A_807 = arith.muli %sub3A_799, %mul3A_806 : i32
      %add3A_808 = arith.addi %mul3A_2, %mul3A_807 : i32
      %dma_wait3A_809 = arith.constant 0 : i32
      %dma_wait3A_810 = tpu.memref_slice %arg4[%add3A_808, %dma_wait3A_809] : memref<147456x512xf32, #tpu.memory_space<hbm>> -> memref<32x512xf32, #tpu.memory_space<hbm>>
      %dma_wait3A_811 = arith.constant 0 : i32
      %dma_wait3A_812 = tpu.memref_slice %arg10[%mul3A_805, %dma_wait3A_811] : memref<1536x512xf32, #tpu.memory_space<vmem_shared>> -> memref<32x512xf32, #tpu.memory_space<vmem_shared>>
      tpu.wait_dma2 semaphore(%arg21 : memref<!tpu.dma_semaphore, #tpu.memory_space<semaphore_mem>>) src(%dma_wait3A_812 : memref<32x512xf32, #tpu.memory_space<vmem_shared>>) dst(%dma_wait3A_810 : memref<32x512xf32, #tpu.memory_space<hbm>>)
      %mul3A_813 = arith.constant 3 : i32
      %mul3A_814 = arith.muli %arg1, %mul3A_813 : i32
      %add3A_815 = arith.constant 2 : i32
      %add3A_816 = arith.addi %mul3A_814, %add3A_815 : i32
      %mul3A_817 = arith.constant 32 : i32
      %mul3A_818 = arith.muli %add3A_816, %mul3A_817 : i32
      %dma_start3A_819 = arith.constant 0 : i32
      %dma_start3A_820 = tpu.memref_slice %arg10[%mul3A_818, %dma_start3A_819] : memref<1536x512xf32, #tpu.memory_space<vmem_shared>> -> memref<32x512xf32, #tpu.memory_space<vmem_shared>>
      %dma_start3A_821 = arith.constant 0 : i32
      %dma_start3A_822 = tpu.memref_slice %arg10[%mul3A_818, %dma_start3A_821] : memref<1536x512xf32, #tpu.memory_space<vmem_shared>> -> memref<32x512xf32, #tpu.memory_space<vmem_shared>>
      tpu.enqueue_dma source(%arg7 : memref<32x512xf32, #tpu.memory_space<vmem>>) target(%dma_start3A_822 : memref<32x512xf32, #tpu.memory_space<vmem_shared>>) target_semaphore(%arg16 : memref<!tpu.dma_semaphore, #tpu.memory_space<semaphore_mem>>)
      %mul3A_823 = arith.constant 3 : i32
      %mul3A_824 = arith.muli %arg1, %mul3A_823 : i32
      %add3A_825 = arith.constant 1 : i32
      %add3A_826 = arith.addi %mul3A_824, %add3A_825 : i32
      %mul3A_827 = arith.constant 32 : i32
      %mul3A_828 = arith.muli %add3A_826, %mul3A_827 : i32
      %dma_wait3A_829 = arith.constant 0 : i32
      %dma_wait3A_830 = tpu.memref_slice %arg10[%mul3A_828, %dma_wait3A_829] : memref<1536x512xf32, #tpu.memory_space<vmem_shared>> -> memref<32x512xf32, #tpu.memory_space<vmem_shared>>
      %dma_wait3A_831 = arith.constant 0 : i32
      %dma_wait3A_832 = tpu.memref_slice %arg10[%mul3A_828, %dma_wait3A_831] : memref<1536x512xf32, #tpu.memory_space<vmem_shared>> -> memref<32x512xf32, #tpu.memory_space<vmem_shared>>
      tpu.wait_dma2 semaphore(%arg15 : memref<!tpu.dma_semaphore, #tpu.memory_space<semaphore_mem>>) src(%arg6 : memref<32x512xf32, #tpu.memory_space<vmem>>) dst(%dma_wait3A_832 : memref<32x512xf32, #tpu.memory_space<vmem_shared>>)
      %sub3A_833 = arith.constant 1 : i32
      %sub3A_834 = arith.subi %add3A_791, %sub3A_833 : i32
      %mul3A_835 = arith.constant 3 : i32
      %mul3A_836 = arith.muli %arg1, %mul3A_835 : i32
      %add3A_837 = arith.constant 1 : i32
      %add3A_838 = arith.addi %mul3A_836, %add3A_837 : i32
      %mul3A_839 = arith.constant 32 : i32
      %mul3A_840 = arith.muli %add3A_838, %mul3A_839 : i32
      %mul3A_841 = arith.constant 32 : i32
      %mul3A_842 = arith.muli %sub3A_834, %mul3A_841 : i32
      %add3A_843 = arith.addi %mul3A_2, %mul3A_842 : i32
      %dma_start3A_844 = arith.constant 0 : i32
      %dma_start3A_845 = tpu.memref_slice %arg4[%add3A_843, %dma_start3A_844] : memref<147456x512xf32, #tpu.memory_space<hbm>> -> memref<32x512xf32, #tpu.memory_space<hbm>>
      %dma_start3A_846 = arith.constant 0 : i32
      %dma_start3A_847 = tpu.memref_slice %arg10[%mul3A_840, %dma_start3A_846] : memref<1536x512xf32, #tpu.memory_space<vmem_shared>> -> memref<32x512xf32, #tpu.memory_space<vmem_shared>>
      tpu.enqueue_dma source(%dma_start3A_847 : memref<32x512xf32, #tpu.memory_space<vmem_shared>>) target(%dma_start3A_845 : memref<32x512xf32, #tpu.memory_space<hbm>>) target_semaphore(%arg20 : memref<!tpu.dma_semaphore, #tpu.memory_space<semaphore_mem>>)
      %add3A_848 = arith.constant 3 : i32
      %add3A_849 = arith.addi %add3A_791, %add3A_848 : i32
      %mul3A_850 = arith.constant 32 : i32
      %mul3A_851 = arith.muli %add3A_849, %mul3A_850 : i32
      %dma_start3A_852 = tpu.memref_slice %arg5[%mul3A_851] : memref<4608xi32, #tpu.memory_space<vmem>> -> memref<32xi32, #tpu.memory_space<vmem>>
      %dma_start3A_853 = arith.constant 0 : i32
      %dma_start3A_854 = arith.constant 0 : i32
      %dma_start3A_855 = tpu.memref_slice %arg3[%dma_start3A_853, %dma_start3A_854] : memref<8192x512xf32, #tpu.memory_space<hbm>> -> memref<8192x512xf32, #tpu.memory_space<hbm>>
      tpu.enqueue_indirect_dma source(%dma_start3A_855 : memref<8192x512xf32, #tpu.memory_space<hbm>>) target(%arg6 : memref<32x512xf32, #tpu.memory_space<vmem>>) offsets(%dma_start3A_852 : memref<32xi32, #tpu.memory_space<vmem>>) semaphore(%arg11 : memref<!tpu.dma_semaphore, #tpu.memory_space<semaphore_mem>>)
      %add3A_856 = arith.constant 3 : i32
      %add3A_857 = arith.addi %add3A_658, %add3A_856 : i32
      %mul3A_858 = arith.constant 32 : i32
      %mul3A_859 = arith.muli %add3A_857, %mul3A_858 : i32
      %dma_wait3A_860 = tpu.memref_slice %arg5[%mul3A_859] : memref<4608xi32, #tpu.memory_space<vmem>> -> memref<32xi32, #tpu.memory_space<vmem>>
      %dma_wait3A_861 = arith.constant 0 : i32
      %dma_wait3A_862 = arith.constant 0 : i32
      %dma_wait3A_863 = tpu.memref_slice %arg3[%dma_wait3A_861, %dma_wait3A_862] : memref<8192x512xf32, #tpu.memory_space<hbm>> -> memref<8192x512xf32, #tpu.memory_space<hbm>>
      tpu.wait_indirect_dma semaphore(%arg13 : memref<!tpu.dma_semaphore, #tpu.memory_space<semaphore_mem>>) src(%dma_wait3A_863 : memref<8192x512xf32, #tpu.memory_space<hbm>>) dst(%arg8 : memref<32x512xf32, #tpu.memory_space<vmem>>)
      %sub3A_864 = arith.constant 3 : i32
      %sub3A_865 = arith.subi %add3A_857, %sub3A_864 : i32
      %mul3A_866 = arith.constant 3 : i32
      %mul3A_867 = arith.muli %arg1, %mul3A_866 : i32
      %add3A_868 = arith.constant 0 : i32
      %add3A_869 = arith.addi %mul3A_867, %add3A_868 : i32
      %mul3A_870 = arith.constant 32 : i32
      %mul3A_871 = arith.muli %add3A_869, %mul3A_870 : i32
      %mul3A_872 = arith.constant 32 : i32
      %mul3A_873 = arith.muli %sub3A_865, %mul3A_872 : i32
      %add3A_874 = arith.addi %mul3A_2, %mul3A_873 : i32
      %dma_wait3A_875 = arith.constant 0 : i32
      %dma_wait3A_876 = tpu.memref_slice %arg4[%add3A_874, %dma_wait3A_875] : memref<147456x512xf32, #tpu.memory_space<hbm>> -> memref<32x512xf32, #tpu.memory_space<hbm>>
      %dma_wait3A_877 = arith.constant 0 : i32
      %dma_wait3A_878 = tpu.memref_slice %arg10[%mul3A_871, %dma_wait3A_877] : memref<1536x512xf32, #tpu.memory_space<vmem_shared>> -> memref<32x512xf32, #tpu.memory_space<vmem_shared>>
      tpu.wait_dma2 semaphore(%arg19 : memref<!tpu.dma_semaphore, #tpu.memory_space<semaphore_mem>>) src(%dma_wait3A_878 : memref<32x512xf32, #tpu.memory_space<vmem_shared>>) dst(%dma_wait3A_876 : memref<32x512xf32, #tpu.memory_space<hbm>>)
      %mul3A_879 = arith.constant 3 : i32
      %mul3A_880 = arith.muli %arg1, %mul3A_879 : i32
      %add3A_881 = arith.constant 0 : i32
      %add3A_882 = arith.addi %mul3A_880, %add3A_881 : i32
      %mul3A_883 = arith.constant 32 : i32
      %mul3A_884 = arith.muli %add3A_882, %mul3A_883 : i32
      %dma_start3A_885 = arith.constant 0 : i32
      %dma_start3A_886 = tpu.memref_slice %arg10[%mul3A_884, %dma_start3A_885] : memref<1536x512xf32, #tpu.memory_space<vmem_shared>> -> memref<32x512xf32, #tpu.memory_space<vmem_shared>>
      %dma_start3A_887 = arith.constant 0 : i32
      %dma_start3A_888 = tpu.memref_slice %arg10[%mul3A_884, %dma_start3A_887] : memref<1536x512xf32, #tpu.memory_space<vmem_shared>> -> memref<32x512xf32, #tpu.memory_space<vmem_shared>>
      tpu.enqueue_dma source(%arg8 : memref<32x512xf32, #tpu.memory_space<vmem>>) target(%dma_start3A_888 : memref<32x512xf32, #tpu.memory_space<vmem_shared>>) target_semaphore(%arg17 : memref<!tpu.dma_semaphore, #tpu.memory_space<semaphore_mem>>)
      %mul3A_889 = arith.constant 3 : i32
      %mul3A_890 = arith.muli %arg1, %mul3A_889 : i32
      %add3A_891 = arith.constant 2 : i32
      %add3A_892 = arith.addi %mul3A_890, %add3A_891 : i32
      %mul3A_893 = arith.constant 32 : i32
      %mul3A_894 = arith.muli %add3A_892, %mul3A_893 : i32
      %dma_wait3A_895 = arith.constant 0 : i32
      %dma_wait3A_896 = tpu.memref_slice %arg10[%mul3A_894, %dma_wait3A_895] : memref<1536x512xf32, #tpu.memory_space<vmem_shared>> -> memref<32x512xf32, #tpu.memory_space<vmem_shared>>
      %dma_wait3A_897 = arith.constant 0 : i32
      %dma_wait3A_898 = tpu.memref_slice %arg10[%mul3A_894, %dma_wait3A_897] : memref<1536x512xf32, #tpu.memory_space<vmem_shared>> -> memref<32x512xf32, #tpu.memory_space<vmem_shared>>
      tpu.wait_dma2 semaphore(%arg16 : memref<!tpu.dma_semaphore, #tpu.memory_space<semaphore_mem>>) src(%arg7 : memref<32x512xf32, #tpu.memory_space<vmem>>) dst(%dma_wait3A_898 : memref<32x512xf32, #tpu.memory_space<vmem_shared>>)
      %sub3A_899 = arith.constant 1 : i32
      %sub3A_900 = arith.subi %add3A_857, %sub3A_899 : i32
      %mul3A_901 = arith.constant 3 : i32
      %mul3A_902 = arith.muli %arg1, %mul3A_901 : i32
      %add3A_903 = arith.constant 2 : i32
      %add3A_904 = arith.addi %mul3A_902, %add3A_903 : i32
      %mul3A_905 = arith.constant 32 : i32
      %mul3A_906 = arith.muli %add3A_904, %mul3A_905 : i32
      %mul3A_907 = arith.constant 32 : i32
      %mul3A_908 = arith.muli %sub3A_900, %mul3A_907 : i32
      %add3A_909 = arith.addi %mul3A_2, %mul3A_908 : i32
      %dma_start3A_910 = arith.constant 0 : i32
      %dma_start3A_911 = tpu.memref_slice %arg4[%add3A_909, %dma_start3A_910] : memref<147456x512xf32, #tpu.memory_space<hbm>> -> memref<32x512xf32, #tpu.memory_space<hbm>>
      %dma_start3A_912 = arith.constant 0 : i32
      %dma_start3A_913 = tpu.memref_slice %arg10[%mul3A_906, %dma_start3A_912] : memref<1536x512xf32, #tpu.memory_space<vmem_shared>> -> memref<32x512xf32, #tpu.memory_space<vmem_shared>>
      tpu.enqueue_dma source(%dma_start3A_913 : memref<32x512xf32, #tpu.memory_space<vmem_shared>>) target(%dma_start3A_911 : memref<32x512xf32, #tpu.memory_space<hbm>>) target_semaphore(%arg21 : memref<!tpu.dma_semaphore, #tpu.memory_space<semaphore_mem>>)
      %add3A_914 = arith.constant 3 : i32
      %add3A_915 = arith.addi %add3A_857, %add3A_914 : i32
      %mul3A_916 = arith.constant 32 : i32
      %mul3A_917 = arith.muli %add3A_915, %mul3A_916 : i32
      %dma_start3A_918 = tpu.memref_slice %arg5[%mul3A_917] : memref<4608xi32, #tpu.memory_space<vmem>> -> memref<32xi32, #tpu.memory_space<vmem>>
      %dma_start3A_919 = arith.constant 0 : i32
      %dma_start3A_920 = arith.constant 0 : i32
      %dma_start3A_921 = tpu.memref_slice %arg3[%dma_start3A_919, %dma_start3A_920] : memref<8192x512xf32, #tpu.memory_space<hbm>> -> memref<8192x512xf32, #tpu.memory_space<hbm>>
      tpu.enqueue_indirect_dma source(%dma_start3A_921 : memref<8192x512xf32, #tpu.memory_space<hbm>>) target(%arg7 : memref<32x512xf32, #tpu.memory_space<vmem>>) offsets(%dma_start3A_918 : memref<32xi32, #tpu.memory_space<vmem>>) semaphore(%arg12 : memref<!tpu.dma_semaphore, #tpu.memory_space<semaphore_mem>>)
      %add3A_922 = arith.constant 4 : i32
      %add3A_923 = arith.addi %add3A_658, %add3A_922 : i32
      %mul3A_924 = arith.constant 32 : i32
      %mul3A_925 = arith.muli %add3A_923, %mul3A_924 : i32
      %dma_wait3A_926 = tpu.memref_slice %arg5[%mul3A_925] : memref<4608xi32, #tpu.memory_space<vmem>> -> memref<32xi32, #tpu.memory_space<vmem>>
      %dma_wait3A_927 = arith.constant 0 : i32
      %dma_wait3A_928 = arith.constant 0 : i32
      %dma_wait3A_929 = tpu.memref_slice %arg3[%dma_wait3A_927, %dma_wait3A_928] : memref<8192x512xf32, #tpu.memory_space<hbm>> -> memref<8192x512xf32, #tpu.memory_space<hbm>>
      tpu.wait_indirect_dma semaphore(%arg14 : memref<!tpu.dma_semaphore, #tpu.memory_space<semaphore_mem>>) src(%dma_wait3A_929 : memref<8192x512xf32, #tpu.memory_space<hbm>>) dst(%arg9 : memref<32x512xf32, #tpu.memory_space<vmem>>)
      %sub3A_930 = arith.constant 3 : i32
      %sub3A_931 = arith.subi %add3A_923, %sub3A_930 : i32
      %mul3A_932 = arith.constant 3 : i32
      %mul3A_933 = arith.muli %arg1, %mul3A_932 : i32
      %add3A_934 = arith.constant 1 : i32
      %add3A_935 = arith.addi %mul3A_933, %add3A_934 : i32
      %mul3A_936 = arith.constant 32 : i32
      %mul3A_937 = arith.muli %add3A_935, %mul3A_936 : i32
      %mul3A_938 = arith.constant 32 : i32
      %mul3A_939 = arith.muli %sub3A_931, %mul3A_938 : i32
      %add3A_940 = arith.addi %mul3A_2, %mul3A_939 : i32
      %dma_wait3A_941 = arith.constant 0 : i32
      %dma_wait3A_942 = tpu.memref_slice %arg4[%add3A_940, %dma_wait3A_941] : memref<147456x512xf32, #tpu.memory_space<hbm>> -> memref<32x512xf32, #tpu.memory_space<hbm>>
      %dma_wait3A_943 = arith.constant 0 : i32
      %dma_wait3A_944 = tpu.memref_slice %arg10[%mul3A_937, %dma_wait3A_943] : memref<1536x512xf32, #tpu.memory_space<vmem_shared>> -> memref<32x512xf32, #tpu.memory_space<vmem_shared>>
      tpu.wait_dma2 semaphore(%arg20 : memref<!tpu.dma_semaphore, #tpu.memory_space<semaphore_mem>>) src(%dma_wait3A_944 : memref<32x512xf32, #tpu.memory_space<vmem_shared>>) dst(%dma_wait3A_942 : memref<32x512xf32, #tpu.memory_space<hbm>>)
      %mul3A_945 = arith.constant 3 : i32
      %mul3A_946 = arith.muli %arg1, %mul3A_945 : i32
      %add3A_947 = arith.constant 1 : i32
      %add3A_948 = arith.addi %mul3A_946, %add3A_947 : i32
      %mul3A_949 = arith.constant 32 : i32
      %mul3A_950 = arith.muli %add3A_948, %mul3A_949 : i32
      %dma_start3A_951 = arith.constant 0 : i32
      %dma_start3A_952 = tpu.memref_slice %arg10[%mul3A_950, %dma_start3A_951] : memref<1536x512xf32, #tpu.memory_space<vmem_shared>> -> memref<32x512xf32, #tpu.memory_space<vmem_shared>>
      %dma_start3A_953 = arith.constant 0 : i32
      %dma_start3A_954 = tpu.memref_slice %arg10[%mul3A_950, %dma_start3A_953] : memref<1536x512xf32, #tpu.memory_space<vmem_shared>> -> memref<32x512xf32, #tpu.memory_space<vmem_shared>>
      tpu.enqueue_dma source(%arg9 : memref<32x512xf32, #tpu.memory_space<vmem>>) target(%dma_start3A_954 : memref<32x512xf32, #tpu.memory_space<vmem_shared>>) target_semaphore(%arg18 : memref<!tpu.dma_semaphore, #tpu.memory_space<semaphore_mem>>)
      %mul3A_955 = arith.constant 3 : i32
      %mul3A_956 = arith.muli %arg1, %mul3A_955 : i32
      %add3A_957 = arith.constant 0 : i32
      %add3A_958 = arith.addi %mul3A_956, %add3A_957 : i32
      %mul3A_959 = arith.constant 32 : i32
      %mul3A_960 = arith.muli %add3A_958, %mul3A_959 : i32
      %dma_wait3A_961 = arith.constant 0 : i32
      %dma_wait3A_962 = tpu.memref_slice %arg10[%mul3A_960, %dma_wait3A_961] : memref<1536x512xf32, #tpu.memory_space<vmem_shared>> -> memref<32x512xf32, #tpu.memory_space<vmem_shared>>
      %dma_wait3A_963 = arith.constant 0 : i32
      %dma_wait3A_964 = tpu.memref_slice %arg10[%mul3A_960, %dma_wait3A_963] : memref<1536x512xf32, #tpu.memory_space<vmem_shared>> -> memref<32x512xf32, #tpu.memory_space<vmem_shared>>
      tpu.wait_dma2 semaphore(%arg17 : memref<!tpu.dma_semaphore, #tpu.memory_space<semaphore_mem>>) src(%arg8 : memref<32x512xf32, #tpu.memory_space<vmem>>) dst(%dma_wait3A_964 : memref<32x512xf32, #tpu.memory_space<vmem_shared>>)
      %sub3A_965 = arith.constant 1 : i32
      %sub3A_966 = arith.subi %add3A_923, %sub3A_965 : i32
      %mul3A_967 = arith.constant 3 : i32
      %mul3A_968 = arith.muli %arg1, %mul3A_967 : i32
      %add3A_969 = arith.constant 0 : i32
      %add3A_970 = arith.addi %mul3A_968, %add3A_969 : i32
      %mul3A_971 = arith.constant 32 : i32
      %mul3A_972 = arith.muli %add3A_970, %mul3A_971 : i32
      %mul3A_973 = arith.constant 32 : i32
      %mul3A_974 = arith.muli %sub3A_966, %mul3A_973 : i32
      %add3A_975 = arith.addi %mul3A_2, %mul3A_974 : i32
      %dma_start3A_976 = arith.constant 0 : i32
      %dma_start3A_977 = tpu.memref_slice %arg4[%add3A_975, %dma_start3A_976] : memref<147456x512xf32, #tpu.memory_space<hbm>> -> memref<32x512xf32, #tpu.memory_space<hbm>>
      %dma_start3A_978 = arith.constant 0 : i32
      %dma_start3A_979 = tpu.memref_slice %arg10[%mul3A_972, %dma_start3A_978] : memref<1536x512xf32, #tpu.memory_space<vmem_shared>> -> memref<32x512xf32, #tpu.memory_space<vmem_shared>>
      tpu.enqueue_dma source(%dma_start3A_979 : memref<32x512xf32, #tpu.memory_space<vmem_shared>>) target(%dma_start3A_977 : memref<32x512xf32, #tpu.memory_space<hbm>>) target_semaphore(%arg19 : memref<!tpu.dma_semaphore, #tpu.memory_space<semaphore_mem>>)
      %add3A_980 = arith.constant 3 : i32
      %add3A_981 = arith.addi %add3A_923, %add3A_980 : i32
      %mul3A_982 = arith.constant 32 : i32
      %mul3A_983 = arith.muli %add3A_981, %mul3A_982 : i32
      %dma_start3A_984 = tpu.memref_slice %arg5[%mul3A_983] : memref<4608xi32, #tpu.memory_space<vmem>> -> memref<32xi32, #tpu.memory_space<vmem>>
      %dma_start3A_985 = arith.constant 0 : i32
      %dma_start3A_986 = arith.constant 0 : i32
      %dma_start3A_987 = tpu.memref_slice %arg3[%dma_start3A_985, %dma_start3A_986] : memref<8192x512xf32, #tpu.memory_space<hbm>> -> memref<8192x512xf32, #tpu.memory_space<hbm>>
      tpu.enqueue_indirect_dma source(%dma_start3A_987 : memref<8192x512xf32, #tpu.memory_space<hbm>>) target(%arg8 : memref<32x512xf32, #tpu.memory_space<vmem>>) offsets(%dma_start3A_984 : memref<32xi32, #tpu.memory_space<vmem>>) semaphore(%arg13 : memref<!tpu.dma_semaphore, #tpu.memory_space<semaphore_mem>>)
      %add3A_988 = arith.constant 5 : i32
      %add3A_989 = arith.addi %add3A_658, %add3A_988 : i32
      %mul3A_990 = arith.constant 32 : i32
      %mul3A_991 = arith.muli %add3A_989, %mul3A_990 : i32
      %dma_wait3A_992 = tpu.memref_slice %arg5[%mul3A_991] : memref<4608xi32, #tpu.memory_space<vmem>> -> memref<32xi32, #tpu.memory_space<vmem>>
      %dma_wait3A_993 = arith.constant 0 : i32
      %dma_wait3A_994 = arith.constant 0 : i32
      %dma_wait3A_995 = tpu.memref_slice %arg3[%dma_wait3A_993, %dma_wait3A_994] : memref<8192x512xf32, #tpu.memory_space<hbm>> -> memref<8192x512xf32, #tpu.memory_space<hbm>>
      tpu.wait_indirect_dma semaphore(%arg11 : memref<!tpu.dma_semaphore, #tpu.memory_space<semaphore_mem>>) src(%dma_wait3A_995 : memref<8192x512xf32, #tpu.memory_space<hbm>>) dst(%arg6 : memref<32x512xf32, #tpu.memory_space<vmem>>)
      %sub3A_996 = arith.constant 3 : i32
      %sub3A_997 = arith.subi %add3A_989, %sub3A_996 : i32
      %mul3A_998 = arith.constant 3 : i32
      %mul3A_999 = arith.muli %arg1, %mul3A_998 : i32
      %add3A_1000 = arith.constant 2 : i32
      %add3A_1001 = arith.addi %mul3A_999, %add3A_1000 : i32
      %mul3A_1002 = arith.constant 32 : i32
      %mul3A_1003 = arith.muli %add3A_1001, %mul3A_1002 : i32
      %mul3A_1004 = arith.constant 32 : i32
      %mul3A_1005 = arith.muli %sub3A_997, %mul3A_1004 : i32
      %add3A_1006 = arith.addi %mul3A_2, %mul3A_1005 : i32
      %dma_wait3A_1007 = arith.constant 0 : i32
      %dma_wait3A_1008 = tpu.memref_slice %arg4[%add3A_1006, %dma_wait3A_1007] : memref<147456x512xf32, #tpu.memory_space<hbm>> -> memref<32x512xf32, #tpu.memory_space<hbm>>
      %dma_wait3A_1009 = arith.constant 0 : i32
      %dma_wait3A_1010 = tpu.memref_slice %arg10[%mul3A_1003, %dma_wait3A_1009] : memref<1536x512xf32, #tpu.memory_space<vmem_shared>> -> memref<32x512xf32, #tpu.memory_space<vmem_shared>>
      tpu.wait_dma2 semaphore(%arg21 : memref<!tpu.dma_semaphore, #tpu.memory_space<semaphore_mem>>) src(%dma_wait3A_1010 : memref<32x512xf32, #tpu.memory_space<vmem_shared>>) dst(%dma_wait3A_1008 : memref<32x512xf32, #tpu.memory_space<hbm>>)
      %mul3A_1011 = arith.constant 3 : i32
      %mul3A_1012 = arith.muli %arg1, %mul3A_1011 : i32
      %add3A_1013 = arith.constant 2 : i32
      %add3A_1014 = arith.addi %mul3A_1012, %add3A_1013 : i32
      %mul3A_1015 = arith.constant 32 : i32
      %mul3A_1016 = arith.muli %add3A_1014, %mul3A_1015 : i32
      %dma_start3A_1017 = arith.constant 0 : i32
      %dma_start3A_1018 = tpu.memref_slice %arg10[%mul3A_1016, %dma_start3A_1017] : memref<1536x512xf32, #tpu.memory_space<vmem_shared>> -> memref<32x512xf32, #tpu.memory_space<vmem_shared>>
      %dma_start3A_1019 = arith.constant 0 : i32
      %dma_start3A_1020 = tpu.memref_slice %arg10[%mul3A_1016, %dma_start3A_1019] : memref<1536x512xf32, #tpu.memory_space<vmem_shared>> -> memref<32x512xf32, #tpu.memory_space<vmem_shared>>
      tpu.enqueue_dma source(%arg6 : memref<32x512xf32, #tpu.memory_space<vmem>>) target(%dma_start3A_1020 : memref<32x512xf32, #tpu.memory_space<vmem_shared>>) target_semaphore(%arg15 : memref<!tpu.dma_semaphore, #tpu.memory_space<semaphore_mem>>)
      %mul3A_1021 = arith.constant 3 : i32
      %mul3A_1022 = arith.muli %arg1, %mul3A_1021 : i32
      %add3A_1023 = arith.constant 1 : i32
      %add3A_1024 = arith.addi %mul3A_1022, %add3A_1023 : i32
      %mul3A_1025 = arith.constant 32 : i32
      %mul3A_1026 = arith.muli %add3A_1024, %mul3A_1025 : i32
      %dma_wait3A_1027 = arith.constant 0 : i32
      %dma_wait3A_1028 = tpu.memref_slice %arg10[%mul3A_1026, %dma_wait3A_1027] : memref<1536x512xf32, #tpu.memory_space<vmem_shared>> -> memref<32x512xf32, #tpu.memory_space<vmem_shared>>
      %dma_wait3A_1029 = arith.constant 0 : i32
      %dma_wait3A_1030 = tpu.memref_slice %arg10[%mul3A_1026, %dma_wait3A_1029] : memref<1536x512xf32, #tpu.memory_space<vmem_shared>> -> memref<32x512xf32, #tpu.memory_space<vmem_shared>>
      tpu.wait_dma2 semaphore(%arg18 : memref<!tpu.dma_semaphore, #tpu.memory_space<semaphore_mem>>) src(%arg9 : memref<32x512xf32, #tpu.memory_space<vmem>>) dst(%dma_wait3A_1030 : memref<32x512xf32, #tpu.memory_space<vmem_shared>>)
      %sub3A_1031 = arith.constant 1 : i32
      %sub3A_1032 = arith.subi %add3A_989, %sub3A_1031 : i32
      %mul3A_1033 = arith.constant 3 : i32
      %mul3A_1034 = arith.muli %arg1, %mul3A_1033 : i32
      %add3A_1035 = arith.constant 1 : i32
      %add3A_1036 = arith.addi %mul3A_1034, %add3A_1035 : i32
      %mul3A_1037 = arith.constant 32 : i32
      %mul3A_1038 = arith.muli %add3A_1036, %mul3A_1037 : i32
      %mul3A_1039 = arith.constant 32 : i32
      %mul3A_1040 = arith.muli %sub3A_1032, %mul3A_1039 : i32
      %add3A_1041 = arith.addi %mul3A_2, %mul3A_1040 : i32
      %dma_start3A_1042 = arith.constant 0 : i32
      %dma_start3A_1043 = tpu.memref_slice %arg4[%add3A_1041, %dma_start3A_1042] : memref<147456x512xf32, #tpu.memory_space<hbm>> -> memref<32x512xf32, #tpu.memory_space<hbm>>
      %dma_start3A_1044 = arith.constant 0 : i32
      %dma_start3A_1045 = tpu.memref_slice %arg10[%mul3A_1038, %dma_start3A_1044] : memref<1536x512xf32, #tpu.memory_space<vmem_shared>> -> memref<32x512xf32, #tpu.memory_space<vmem_shared>>
      tpu.enqueue_dma source(%dma_start3A_1045 : memref<32x512xf32, #tpu.memory_space<vmem_shared>>) target(%dma_start3A_1043 : memref<32x512xf32, #tpu.memory_space<hbm>>) target_semaphore(%arg20 : memref<!tpu.dma_semaphore, #tpu.memory_space<semaphore_mem>>)
      %add3A_1046 = arith.constant 3 : i32
      %add3A_1047 = arith.addi %add3A_989, %add3A_1046 : i32
      %mul3A_1048 = arith.constant 32 : i32
      %mul3A_1049 = arith.muli %add3A_1047, %mul3A_1048 : i32
      %dma_start3A_1050 = tpu.memref_slice %arg5[%mul3A_1049] : memref<4608xi32, #tpu.memory_space<vmem>> -> memref<32xi32, #tpu.memory_space<vmem>>
      %dma_start3A_1051 = arith.constant 0 : i32
      %dma_start3A_1052 = arith.constant 0 : i32
      %dma_start3A_1053 = tpu.memref_slice %arg3[%dma_start3A_1051, %dma_start3A_1052] : memref<8192x512xf32, #tpu.memory_space<hbm>> -> memref<8192x512xf32, #tpu.memory_space<hbm>>
      tpu.enqueue_indirect_dma source(%dma_start3A_1053 : memref<8192x512xf32, #tpu.memory_space<hbm>>) target(%arg9 : memref<32x512xf32, #tpu.memory_space<vmem>>) offsets(%dma_start3A_1050 : memref<32xi32, #tpu.memory_space<vmem>>) semaphore(%arg14 : memref<!tpu.dma_semaphore, #tpu.memory_space<semaphore_mem>>)
      %add3A_1054 = arith.constant 6 : i32
      %add3A_1055 = arith.addi %add3A_658, %add3A_1054 : i32
      %mul3A_1056 = arith.constant 32 : i32
      %mul3A_1057 = arith.muli %add3A_1055, %mul3A_1056 : i32
      %dma_wait3A_1058 = tpu.memref_slice %arg5[%mul3A_1057] : memref<4608xi32, #tpu.memory_space<vmem>> -> memref<32xi32, #tpu.memory_space<vmem>>
      %dma_wait3A_1059 = arith.constant 0 : i32
      %dma_wait3A_1060 = arith.constant 0 : i32
      %dma_wait3A_1061 = tpu.memref_slice %arg3[%dma_wait3A_1059, %dma_wait3A_1060] : memref<8192x512xf32, #tpu.memory_space<hbm>> -> memref<8192x512xf32, #tpu.memory_space<hbm>>
      tpu.wait_indirect_dma semaphore(%arg12 : memref<!tpu.dma_semaphore, #tpu.memory_space<semaphore_mem>>) src(%dma_wait3A_1061 : memref<8192x512xf32, #tpu.memory_space<hbm>>) dst(%arg7 : memref<32x512xf32, #tpu.memory_space<vmem>>)
      %sub3A_1062 = arith.constant 3 : i32
      %sub3A_1063 = arith.subi %add3A_1055, %sub3A_1062 : i32
      %mul3A_1064 = arith.constant 3 : i32
      %mul3A_1065 = arith.muli %arg1, %mul3A_1064 : i32
      %add3A_1066 = arith.constant 0 : i32
      %add3A_1067 = arith.addi %mul3A_1065, %add3A_1066 : i32
      %mul3A_1068 = arith.constant 32 : i32
      %mul3A_1069 = arith.muli %add3A_1067, %mul3A_1068 : i32
      %mul3A_1070 = arith.constant 32 : i32
      %mul3A_1071 = arith.muli %sub3A_1063, %mul3A_1070 : i32
      %add3A_1072 = arith.addi %mul3A_2, %mul3A_1071 : i32
      %dma_wait3A_1073 = arith.constant 0 : i32
      %dma_wait3A_1074 = tpu.memref_slice %arg4[%add3A_1072, %dma_wait3A_1073] : memref<147456x512xf32, #tpu.memory_space<hbm>> -> memref<32x512xf32, #tpu.memory_space<hbm>>
      %dma_wait3A_1075 = arith.constant 0 : i32
      %dma_wait3A_1076 = tpu.memref_slice %arg10[%mul3A_1069, %dma_wait3A_1075] : memref<1536x512xf32, #tpu.memory_space<vmem_shared>> -> memref<32x512xf32, #tpu.memory_space<vmem_shared>>
      tpu.wait_dma2 semaphore(%arg19 : memref<!tpu.dma_semaphore, #tpu.memory_space<semaphore_mem>>) src(%dma_wait3A_1076 : memref<32x512xf32, #tpu.memory_space<vmem_shared>>) dst(%dma_wait3A_1074 : memref<32x512xf32, #tpu.memory_space<hbm>>)
      %mul3A_1077 = arith.constant 3 : i32
      %mul3A_1078 = arith.muli %arg1, %mul3A_1077 : i32
      %add3A_1079 = arith.constant 0 : i32
      %add3A_1080 = arith.addi %mul3A_1078, %add3A_1079 : i32
      %mul3A_1081 = arith.constant 32 : i32
      %mul3A_1082 = arith.muli %add3A_1080, %mul3A_1081 : i32
      %dma_start3A_1083 = arith.constant 0 : i32
      %dma_start3A_1084 = tpu.memref_slice %arg10[%mul3A_1082, %dma_start3A_1083] : memref<1536x512xf32, #tpu.memory_space<vmem_shared>> -> memref<32x512xf32, #tpu.memory_space<vmem_shared>>
      %dma_start3A_1085 = arith.constant 0 : i32
      %dma_start3A_1086 = tpu.memref_slice %arg10[%mul3A_1082, %dma_start3A_1085] : memref<1536x512xf32, #tpu.memory_space<vmem_shared>> -> memref<32x512xf32, #tpu.memory_space<vmem_shared>>
      tpu.enqueue_dma source(%arg7 : memref<32x512xf32, #tpu.memory_space<vmem>>) target(%dma_start3A_1086 : memref<32x512xf32, #tpu.memory_space<vmem_shared>>) target_semaphore(%arg16 : memref<!tpu.dma_semaphore, #tpu.memory_space<semaphore_mem>>)
      %mul3A_1087 = arith.constant 3 : i32
      %mul3A_1088 = arith.muli %arg1, %mul3A_1087 : i32
      %add3A_1089 = arith.constant 2 : i32
      %add3A_1090 = arith.addi %mul3A_1088, %add3A_1089 : i32
      %mul3A_1091 = arith.constant 32 : i32
      %mul3A_1092 = arith.muli %add3A_1090, %mul3A_1091 : i32
      %dma_wait3A_1093 = arith.constant 0 : i32
      %dma_wait3A_1094 = tpu.memref_slice %arg10[%mul3A_1092, %dma_wait3A_1093] : memref<1536x512xf32, #tpu.memory_space<vmem_shared>> -> memref<32x512xf32, #tpu.memory_space<vmem_shared>>
      %dma_wait3A_1095 = arith.constant 0 : i32
      %dma_wait3A_1096 = tpu.memref_slice %arg10[%mul3A_1092, %dma_wait3A_1095] : memref<1536x512xf32, #tpu.memory_space<vmem_shared>> -> memref<32x512xf32, #tpu.memory_space<vmem_shared>>
      tpu.wait_dma2 semaphore(%arg15 : memref<!tpu.dma_semaphore, #tpu.memory_space<semaphore_mem>>) src(%arg6 : memref<32x512xf32, #tpu.memory_space<vmem>>) dst(%dma_wait3A_1096 : memref<32x512xf32, #tpu.memory_space<vmem_shared>>)
      %sub3A_1097 = arith.constant 1 : i32
      %sub3A_1098 = arith.subi %add3A_1055, %sub3A_1097 : i32
      %mul3A_1099 = arith.constant 3 : i32
      %mul3A_1100 = arith.muli %arg1, %mul3A_1099 : i32
      %add3A_1101 = arith.constant 2 : i32
      %add3A_1102 = arith.addi %mul3A_1100, %add3A_1101 : i32
      %mul3A_1103 = arith.constant 32 : i32
      %mul3A_1104 = arith.muli %add3A_1102, %mul3A_1103 : i32
      %mul3A_1105 = arith.constant 32 : i32
      %mul3A_1106 = arith.muli %sub3A_1098, %mul3A_1105 : i32
      %add3A_1107 = arith.addi %mul3A_2, %mul3A_1106 : i32
      %dma_start3A_1108 = arith.constant 0 : i32
      %dma_start3A_1109 = tpu.memref_slice %arg4[%add3A_1107, %dma_start3A_1108] : memref<147456x512xf32, #tpu.memory_space<hbm>> -> memref<32x512xf32, #tpu.memory_space<hbm>>
      %dma_start3A_1110 = arith.constant 0 : i32
      %dma_start3A_1111 = tpu.memref_slice %arg10[%mul3A_1104, %dma_start3A_1110] : memref<1536x512xf32, #tpu.memory_space<vmem_shared>> -> memref<32x512xf32, #tpu.memory_space<vmem_shared>>
      tpu.enqueue_dma source(%dma_start3A_1111 : memref<32x512xf32, #tpu.memory_space<vmem_shared>>) target(%dma_start3A_1109 : memref<32x512xf32, #tpu.memory_space<hbm>>) target_semaphore(%arg21 : memref<!tpu.dma_semaphore, #tpu.memory_space<semaphore_mem>>)
      %add3A_1112 = arith.constant 3 : i32
      %add3A_1113 = arith.addi %add3A_1055, %add3A_1112 : i32
      %mul3A_1114 = arith.constant 32 : i32
      %mul3A_1115 = arith.muli %add3A_1113, %mul3A_1114 : i32
      %dma_start3A_1116 = tpu.memref_slice %arg5[%mul3A_1115] : memref<4608xi32, #tpu.memory_space<vmem>> -> memref<32xi32, #tpu.memory_space<vmem>>
      %dma_start3A_1117 = arith.constant 0 : i32
      %dma_start3A_1118 = arith.constant 0 : i32
      %dma_start3A_1119 = tpu.memref_slice %arg3[%dma_start3A_1117, %dma_start3A_1118] : memref<8192x512xf32, #tpu.memory_space<hbm>> -> memref<8192x512xf32, #tpu.memory_space<hbm>>
      tpu.enqueue_indirect_dma source(%dma_start3A_1119 : memref<8192x512xf32, #tpu.memory_space<hbm>>) target(%arg6 : memref<32x512xf32, #tpu.memory_space<vmem>>) offsets(%dma_start3A_1116 : memref<32xi32, #tpu.memory_space<vmem>>) semaphore(%arg11 : memref<!tpu.dma_semaphore, #tpu.memory_space<semaphore_mem>>)
      %add3A_1120 = arith.constant 7 : i32
      %add3A_1121 = arith.addi %add3A_658, %add3A_1120 : i32
      %mul3A_1122 = arith.constant 32 : i32
      %mul3A_1123 = arith.muli %add3A_1121, %mul3A_1122 : i32
      %dma_wait3A_1124 = tpu.memref_slice %arg5[%mul3A_1123] : memref<4608xi32, #tpu.memory_space<vmem>> -> memref<32xi32, #tpu.memory_space<vmem>>
      %dma_wait3A_1125 = arith.constant 0 : i32
      %dma_wait3A_1126 = arith.constant 0 : i32
      %dma_wait3A_1127 = tpu.memref_slice %arg3[%dma_wait3A_1125, %dma_wait3A_1126] : memref<8192x512xf32, #tpu.memory_space<hbm>> -> memref<8192x512xf32, #tpu.memory_space<hbm>>
      tpu.wait_indirect_dma semaphore(%arg13 : memref<!tpu.dma_semaphore, #tpu.memory_space<semaphore_mem>>) src(%dma_wait3A_1127 : memref<8192x512xf32, #tpu.memory_space<hbm>>) dst(%arg8 : memref<32x512xf32, #tpu.memory_space<vmem>>)
      %sub3A_1128 = arith.constant 3 : i32
      %sub3A_1129 = arith.subi %add3A_1121, %sub3A_1128 : i32
      %mul3A_1130 = arith.constant 3 : i32
      %mul3A_1131 = arith.muli %arg1, %mul3A_1130 : i32
      %add3A_1132 = arith.constant 1 : i32
      %add3A_1133 = arith.addi %mul3A_1131, %add3A_1132 : i32
      %mul3A_1134 = arith.constant 32 : i32
      %mul3A_1135 = arith.muli %add3A_1133, %mul3A_1134 : i32
      %mul3A_1136 = arith.constant 32 : i32
      %mul3A_1137 = arith.muli %sub3A_1129, %mul3A_1136 : i32
      %add3A_1138 = arith.addi %mul3A_2, %mul3A_1137 : i32
      %dma_wait3A_1139 = arith.constant 0 : i32
      %dma_wait3A_1140 = tpu.memref_slice %arg4[%add3A_1138, %dma_wait3A_1139] : memref<147456x512xf32, #tpu.memory_space<hbm>> -> memref<32x512xf32, #tpu.memory_space<hbm>>
      %dma_wait3A_1141 = arith.constant 0 : i32
      %dma_wait3A_1142 = tpu.memref_slice %arg10[%mul3A_1135, %dma_wait3A_1141] : memref<1536x512xf32, #tpu.memory_space<vmem_shared>> -> memref<32x512xf32, #tpu.memory_space<vmem_shared>>
      tpu.wait_dma2 semaphore(%arg20 : memref<!tpu.dma_semaphore, #tpu.memory_space<semaphore_mem>>) src(%dma_wait3A_1142 : memref<32x512xf32, #tpu.memory_space<vmem_shared>>) dst(%dma_wait3A_1140 : memref<32x512xf32, #tpu.memory_space<hbm>>)
      %mul3A_1143 = arith.constant 3 : i32
      %mul3A_1144 = arith.muli %arg1, %mul3A_1143 : i32
      %add3A_1145 = arith.constant 1 : i32
      %add3A_1146 = arith.addi %mul3A_1144, %add3A_1145 : i32
      %mul3A_1147 = arith.constant 32 : i32
      %mul3A_1148 = arith.muli %add3A_1146, %mul3A_1147 : i32
      %dma_start3A_1149 = arith.constant 0 : i32
      %dma_start3A_1150 = tpu.memref_slice %arg10[%mul3A_1148, %dma_start3A_1149] : memref<1536x512xf32, #tpu.memory_space<vmem_shared>> -> memref<32x512xf32, #tpu.memory_space<vmem_shared>>
      %dma_start3A_1151 = arith.constant 0 : i32
      %dma_start3A_1152 = tpu.memref_slice %arg10[%mul3A_1148, %dma_start3A_1151] : memref<1536x512xf32, #tpu.memory_space<vmem_shared>> -> memref<32x512xf32, #tpu.memory_space<vmem_shared>>
      tpu.enqueue_dma source(%arg8 : memref<32x512xf32, #tpu.memory_space<vmem>>) target(%dma_start3A_1152 : memref<32x512xf32, #tpu.memory_space<vmem_shared>>) target_semaphore(%arg17 : memref<!tpu.dma_semaphore, #tpu.memory_space<semaphore_mem>>)
      %mul3A_1153 = arith.constant 3 : i32
      %mul3A_1154 = arith.muli %arg1, %mul3A_1153 : i32
      %add3A_1155 = arith.constant 0 : i32
      %add3A_1156 = arith.addi %mul3A_1154, %add3A_1155 : i32
      %mul3A_1157 = arith.constant 32 : i32
      %mul3A_1158 = arith.muli %add3A_1156, %mul3A_1157 : i32
      %dma_wait3A_1159 = arith.constant 0 : i32
      %dma_wait3A_1160 = tpu.memref_slice %arg10[%mul3A_1158, %dma_wait3A_1159] : memref<1536x512xf32, #tpu.memory_space<vmem_shared>> -> memref<32x512xf32, #tpu.memory_space<vmem_shared>>
      %dma_wait3A_1161 = arith.constant 0 : i32
      %dma_wait3A_1162 = tpu.memref_slice %arg10[%mul3A_1158, %dma_wait3A_1161] : memref<1536x512xf32, #tpu.memory_space<vmem_shared>> -> memref<32x512xf32, #tpu.memory_space<vmem_shared>>
      tpu.wait_dma2 semaphore(%arg16 : memref<!tpu.dma_semaphore, #tpu.memory_space<semaphore_mem>>) src(%arg7 : memref<32x512xf32, #tpu.memory_space<vmem>>) dst(%dma_wait3A_1162 : memref<32x512xf32, #tpu.memory_space<vmem_shared>>)
      %sub3A_1163 = arith.constant 1 : i32
      %sub3A_1164 = arith.subi %add3A_1121, %sub3A_1163 : i32
      %mul3A_1165 = arith.constant 3 : i32
      %mul3A_1166 = arith.muli %arg1, %mul3A_1165 : i32
      %add3A_1167 = arith.constant 0 : i32
      %add3A_1168 = arith.addi %mul3A_1166, %add3A_1167 : i32
      %mul3A_1169 = arith.constant 32 : i32
      %mul3A_1170 = arith.muli %add3A_1168, %mul3A_1169 : i32
      %mul3A_1171 = arith.constant 32 : i32
      %mul3A_1172 = arith.muli %sub3A_1164, %mul3A_1171 : i32
      %add3A_1173 = arith.addi %mul3A_2, %mul3A_1172 : i32
      %dma_start3A_1174 = arith.constant 0 : i32
      %dma_start3A_1175 = tpu.memref_slice %arg4[%add3A_1173, %dma_start3A_1174] : memref<147456x512xf32, #tpu.memory_space<hbm>> -> memref<32x512xf32, #tpu.memory_space<hbm>>
      %dma_start3A_1176 = arith.constant 0 : i32
      %dma_start3A_1177 = tpu.memref_slice %arg10[%mul3A_1170, %dma_start3A_1176] : memref<1536x512xf32, #tpu.memory_space<vmem_shared>> -> memref<32x512xf32, #tpu.memory_space<vmem_shared>>
      tpu.enqueue_dma source(%dma_start3A_1177 : memref<32x512xf32, #tpu.memory_space<vmem_shared>>) target(%dma_start3A_1175 : memref<32x512xf32, #tpu.memory_space<hbm>>) target_semaphore(%arg19 : memref<!tpu.dma_semaphore, #tpu.memory_space<semaphore_mem>>)
      %add3A_1178 = arith.constant 3 : i32
      %add3A_1179 = arith.addi %add3A_1121, %add3A_1178 : i32
      %mul3A_1180 = arith.constant 32 : i32
      %mul3A_1181 = arith.muli %add3A_1179, %mul3A_1180 : i32
      %dma_start3A_1182 = tpu.memref_slice %arg5[%mul3A_1181] : memref<4608xi32, #tpu.memory_space<vmem>> -> memref<32xi32, #tpu.memory_space<vmem>>
      %dma_start3A_1183 = arith.constant 0 : i32
      %dma_start3A_1184 = arith.constant 0 : i32
      %dma_start3A_1185 = tpu.memref_slice %arg3[%dma_start3A_1183, %dma_start3A_1184] : memref<8192x512xf32, #tpu.memory_space<hbm>> -> memref<8192x512xf32, #tpu.memory_space<hbm>>
      tpu.enqueue_indirect_dma source(%dma_start3A_1185 : memref<8192x512xf32, #tpu.memory_space<hbm>>) target(%arg7 : memref<32x512xf32, #tpu.memory_space<vmem>>) offsets(%dma_start3A_1182 : memref<32xi32, #tpu.memory_space<vmem>>) semaphore(%arg12 : memref<!tpu.dma_semaphore, #tpu.memory_space<semaphore_mem>>)
      %add3A_1186 = arith.constant 8 : i32
      %add3A_1187 = arith.addi %add3A_658, %add3A_1186 : i32
      %mul3A_1188 = arith.constant 32 : i32
      %mul3A_1189 = arith.muli %add3A_1187, %mul3A_1188 : i32
      %dma_wait3A_1190 = tpu.memref_slice %arg5[%mul3A_1189] : memref<4608xi32, #tpu.memory_space<vmem>> -> memref<32xi32, #tpu.memory_space<vmem>>
      %dma_wait3A_1191 = arith.constant 0 : i32
      %dma_wait3A_1192 = arith.constant 0 : i32
      %dma_wait3A_1193 = tpu.memref_slice %arg3[%dma_wait3A_1191, %dma_wait3A_1192] : memref<8192x512xf32, #tpu.memory_space<hbm>> -> memref<8192x512xf32, #tpu.memory_space<hbm>>
      tpu.wait_indirect_dma semaphore(%arg14 : memref<!tpu.dma_semaphore, #tpu.memory_space<semaphore_mem>>) src(%dma_wait3A_1193 : memref<8192x512xf32, #tpu.memory_space<hbm>>) dst(%arg9 : memref<32x512xf32, #tpu.memory_space<vmem>>)
      %sub3A_1194 = arith.constant 3 : i32
      %sub3A_1195 = arith.subi %add3A_1187, %sub3A_1194 : i32
      %mul3A_1196 = arith.constant 3 : i32
      %mul3A_1197 = arith.muli %arg1, %mul3A_1196 : i32
      %add3A_1198 = arith.constant 2 : i32
      %add3A_1199 = arith.addi %mul3A_1197, %add3A_1198 : i32
      %mul3A_1200 = arith.constant 32 : i32
      %mul3A_1201 = arith.muli %add3A_1199, %mul3A_1200 : i32
      %mul3A_1202 = arith.constant 32 : i32
      %mul3A_1203 = arith.muli %sub3A_1195, %mul3A_1202 : i32
      %add3A_1204 = arith.addi %mul3A_2, %mul3A_1203 : i32
      %dma_wait3A_1205 = arith.constant 0 : i32
      %dma_wait3A_1206 = tpu.memref_slice %arg4[%add3A_1204, %dma_wait3A_1205] : memref<147456x512xf32, #tpu.memory_space<hbm>> -> memref<32x512xf32, #tpu.memory_space<hbm>>
      %dma_wait3A_1207 = arith.constant 0 : i32
      %dma_wait3A_1208 = tpu.memref_slice %arg10[%mul3A_1201, %dma_wait3A_1207] : memref<1536x512xf32, #tpu.memory_space<vmem_shared>> -> memref<32x512xf32, #tpu.memory_space<vmem_shared>>
      tpu.wait_dma2 semaphore(%arg21 : memref<!tpu.dma_semaphore, #tpu.memory_space<semaphore_mem>>) src(%dma_wait3A_1208 : memref<32x512xf32, #tpu.memory_space<vmem_shared>>) dst(%dma_wait3A_1206 : memref<32x512xf32, #tpu.memory_space<hbm>>)
      %mul3A_1209 = arith.constant 3 : i32
      %mul3A_1210 = arith.muli %arg1, %mul3A_1209 : i32
      %add3A_1211 = arith.constant 2 : i32
      %add3A_1212 = arith.addi %mul3A_1210, %add3A_1211 : i32
      %mul3A_1213 = arith.constant 32 : i32
      %mul3A_1214 = arith.muli %add3A_1212, %mul3A_1213 : i32
      %dma_start3A_1215 = arith.constant 0 : i32
      %dma_start3A_1216 = tpu.memref_slice %arg10[%mul3A_1214, %dma_start3A_1215] : memref<1536x512xf32, #tpu.memory_space<vmem_shared>> -> memref<32x512xf32, #tpu.memory_space<vmem_shared>>
      %dma_start3A_1217 = arith.constant 0 : i32
      %dma_start3A_1218 = tpu.memref_slice %arg10[%mul3A_1214, %dma_start3A_1217] : memref<1536x512xf32, #tpu.memory_space<vmem_shared>> -> memref<32x512xf32, #tpu.memory_space<vmem_shared>>
      tpu.enqueue_dma source(%arg9 : memref<32x512xf32, #tpu.memory_space<vmem>>) target(%dma_start3A_1218 : memref<32x512xf32, #tpu.memory_space<vmem_shared>>) target_semaphore(%arg18 : memref<!tpu.dma_semaphore, #tpu.memory_space<semaphore_mem>>)
      %mul3A_1219 = arith.constant 3 : i32
      %mul3A_1220 = arith.muli %arg1, %mul3A_1219 : i32
      %add3A_1221 = arith.constant 1 : i32
      %add3A_1222 = arith.addi %mul3A_1220, %add3A_1221 : i32
      %mul3A_1223 = arith.constant 32 : i32
      %mul3A_1224 = arith.muli %add3A_1222, %mul3A_1223 : i32
      %dma_wait3A_1225 = arith.constant 0 : i32
      %dma_wait3A_1226 = tpu.memref_slice %arg10[%mul3A_1224, %dma_wait3A_1225] : memref<1536x512xf32, #tpu.memory_space<vmem_shared>> -> memref<32x512xf32, #tpu.memory_space<vmem_shared>>
      %dma_wait3A_1227 = arith.constant 0 : i32
      %dma_wait3A_1228 = tpu.memref_slice %arg10[%mul3A_1224, %dma_wait3A_1227] : memref<1536x512xf32, #tpu.memory_space<vmem_shared>> -> memref<32x512xf32, #tpu.memory_space<vmem_shared>>
      tpu.wait_dma2 semaphore(%arg17 : memref<!tpu.dma_semaphore, #tpu.memory_space<semaphore_mem>>) src(%arg8 : memref<32x512xf32, #tpu.memory_space<vmem>>) dst(%dma_wait3A_1228 : memref<32x512xf32, #tpu.memory_space<vmem_shared>>)
      %sub3A_1229 = arith.constant 1 : i32
      %sub3A_1230 = arith.subi %add3A_1187, %sub3A_1229 : i32
      %mul3A_1231 = arith.constant 3 : i32
      %mul3A_1232 = arith.muli %arg1, %mul3A_1231 : i32
      %add3A_1233 = arith.constant 1 : i32
      %add3A_1234 = arith.addi %mul3A_1232, %add3A_1233 : i32
      %mul3A_1235 = arith.constant 32 : i32
      %mul3A_1236 = arith.muli %add3A_1234, %mul3A_1235 : i32
      %mul3A_1237 = arith.constant 32 : i32
      %mul3A_1238 = arith.muli %sub3A_1230, %mul3A_1237 : i32
      %add3A_1239 = arith.addi %mul3A_2, %mul3A_1238 : i32
      %dma_start3A_1240 = arith.constant 0 : i32
      %dma_start3A_1241 = tpu.memref_slice %arg4[%add3A_1239, %dma_start3A_1240] : memref<147456x512xf32, #tpu.memory_space<hbm>> -> memref<32x512xf32, #tpu.memory_space<hbm>>
      %dma_start3A_1242 = arith.constant 0 : i32
      %dma_start3A_1243 = tpu.memref_slice %arg10[%mul3A_1236, %dma_start3A_1242] : memref<1536x512xf32, #tpu.memory_space<vmem_shared>> -> memref<32x512xf32, #tpu.memory_space<vmem_shared>>
      tpu.enqueue_dma source(%dma_start3A_1243 : memref<32x512xf32, #tpu.memory_space<vmem_shared>>) target(%dma_start3A_1241 : memref<32x512xf32, #tpu.memory_space<hbm>>) target_semaphore(%arg20 : memref<!tpu.dma_semaphore, #tpu.memory_space<semaphore_mem>>)
      %add3A_1244 = arith.constant 3 : i32
      %add3A_1245 = arith.addi %add3A_1187, %add3A_1244 : i32
      %mul3A_1246 = arith.constant 32 : i32
      %mul3A_1247 = arith.muli %add3A_1245, %mul3A_1246 : i32
      %dma_start3A_1248 = tpu.memref_slice %arg5[%mul3A_1247] : memref<4608xi32, #tpu.memory_space<vmem>> -> memref<32xi32, #tpu.memory_space<vmem>>
      %dma_start3A_1249 = arith.constant 0 : i32
      %dma_start3A_1250 = arith.constant 0 : i32
      %dma_start3A_1251 = tpu.memref_slice %arg3[%dma_start3A_1249, %dma_start3A_1250] : memref<8192x512xf32, #tpu.memory_space<hbm>> -> memref<8192x512xf32, #tpu.memory_space<hbm>>
      tpu.enqueue_indirect_dma source(%dma_start3A_1251 : memref<8192x512xf32, #tpu.memory_space<hbm>>) target(%arg8 : memref<32x512xf32, #tpu.memory_space<vmem>>) offsets(%dma_start3A_1248 : memref<32xi32, #tpu.memory_space<vmem>>) semaphore(%arg13 : memref<!tpu.dma_semaphore, #tpu.memory_space<semaphore_mem>>)
      %add3A_1252 = arith.constant 9 : i32
      %add3A_1253 = arith.addi %add3A_658, %add3A_1252 : i32
      %mul3A_1254 = arith.constant 32 : i32
      %mul3A_1255 = arith.muli %add3A_1253, %mul3A_1254 : i32
      %dma_wait3A_1256 = tpu.memref_slice %arg5[%mul3A_1255] : memref<4608xi32, #tpu.memory_space<vmem>> -> memref<32xi32, #tpu.memory_space<vmem>>
      %dma_wait3A_1257 = arith.constant 0 : i32
      %dma_wait3A_1258 = arith.constant 0 : i32
      %dma_wait3A_1259 = tpu.memref_slice %arg3[%dma_wait3A_1257, %dma_wait3A_1258] : memref<8192x512xf32, #tpu.memory_space<hbm>> -> memref<8192x512xf32, #tpu.memory_space<hbm>>
      tpu.wait_indirect_dma semaphore(%arg11 : memref<!tpu.dma_semaphore, #tpu.memory_space<semaphore_mem>>) src(%dma_wait3A_1259 : memref<8192x512xf32, #tpu.memory_space<hbm>>) dst(%arg6 : memref<32x512xf32, #tpu.memory_space<vmem>>)
      %sub3A_1260 = arith.constant 3 : i32
      %sub3A_1261 = arith.subi %add3A_1253, %sub3A_1260 : i32
      %mul3A_1262 = arith.constant 3 : i32
      %mul3A_1263 = arith.muli %arg1, %mul3A_1262 : i32
      %add3A_1264 = arith.constant 0 : i32
      %add3A_1265 = arith.addi %mul3A_1263, %add3A_1264 : i32
      %mul3A_1266 = arith.constant 32 : i32
      %mul3A_1267 = arith.muli %add3A_1265, %mul3A_1266 : i32
      %mul3A_1268 = arith.constant 32 : i32
      %mul3A_1269 = arith.muli %sub3A_1261, %mul3A_1268 : i32
      %add3A_1270 = arith.addi %mul3A_2, %mul3A_1269 : i32
      %dma_wait3A_1271 = arith.constant 0 : i32
      %dma_wait3A_1272 = tpu.memref_slice %arg4[%add3A_1270, %dma_wait3A_1271] : memref<147456x512xf32, #tpu.memory_space<hbm>> -> memref<32x512xf32, #tpu.memory_space<hbm>>
      %dma_wait3A_1273 = arith.constant 0 : i32
      %dma_wait3A_1274 = tpu.memref_slice %arg10[%mul3A_1267, %dma_wait3A_1273] : memref<1536x512xf32, #tpu.memory_space<vmem_shared>> -> memref<32x512xf32, #tpu.memory_space<vmem_shared>>
      tpu.wait_dma2 semaphore(%arg19 : memref<!tpu.dma_semaphore, #tpu.memory_space<semaphore_mem>>) src(%dma_wait3A_1274 : memref<32x512xf32, #tpu.memory_space<vmem_shared>>) dst(%dma_wait3A_1272 : memref<32x512xf32, #tpu.memory_space<hbm>>)
      %mul3A_1275 = arith.constant 3 : i32
      %mul3A_1276 = arith.muli %arg1, %mul3A_1275 : i32
      %add3A_1277 = arith.constant 0 : i32
      %add3A_1278 = arith.addi %mul3A_1276, %add3A_1277 : i32
      %mul3A_1279 = arith.constant 32 : i32
      %mul3A_1280 = arith.muli %add3A_1278, %mul3A_1279 : i32
      %dma_start3A_1281 = arith.constant 0 : i32
      %dma_start3A_1282 = tpu.memref_slice %arg10[%mul3A_1280, %dma_start3A_1281] : memref<1536x512xf32, #tpu.memory_space<vmem_shared>> -> memref<32x512xf32, #tpu.memory_space<vmem_shared>>
      %dma_start3A_1283 = arith.constant 0 : i32
      %dma_start3A_1284 = tpu.memref_slice %arg10[%mul3A_1280, %dma_start3A_1283] : memref<1536x512xf32, #tpu.memory_space<vmem_shared>> -> memref<32x512xf32, #tpu.memory_space<vmem_shared>>
      tpu.enqueue_dma source(%arg6 : memref<32x512xf32, #tpu.memory_space<vmem>>) target(%dma_start3A_1284 : memref<32x512xf32, #tpu.memory_space<vmem_shared>>) target_semaphore(%arg15 : memref<!tpu.dma_semaphore, #tpu.memory_space<semaphore_mem>>)
      %mul3A_1285 = arith.constant 3 : i32
      %mul3A_1286 = arith.muli %arg1, %mul3A_1285 : i32
      %add3A_1287 = arith.constant 2 : i32
      %add3A_1288 = arith.addi %mul3A_1286, %add3A_1287 : i32
      %mul3A_1289 = arith.constant 32 : i32
      %mul3A_1290 = arith.muli %add3A_1288, %mul3A_1289 : i32
      %dma_wait3A_1291 = arith.constant 0 : i32
      %dma_wait3A_1292 = tpu.memref_slice %arg10[%mul3A_1290, %dma_wait3A_1291] : memref<1536x512xf32, #tpu.memory_space<vmem_shared>> -> memref<32x512xf32, #tpu.memory_space<vmem_shared>>
      %dma_wait3A_1293 = arith.constant 0 : i32
      %dma_wait3A_1294 = tpu.memref_slice %arg10[%mul3A_1290, %dma_wait3A_1293] : memref<1536x512xf32, #tpu.memory_space<vmem_shared>> -> memref<32x512xf32, #tpu.memory_space<vmem_shared>>
      tpu.wait_dma2 semaphore(%arg18 : memref<!tpu.dma_semaphore, #tpu.memory_space<semaphore_mem>>) src(%arg9 : memref<32x512xf32, #tpu.memory_space<vmem>>) dst(%dma_wait3A_1294 : memref<32x512xf32, #tpu.memory_space<vmem_shared>>)
      %sub3A_1295 = arith.constant 1 : i32
      %sub3A_1296 = arith.subi %add3A_1253, %sub3A_1295 : i32
      %mul3A_1297 = arith.constant 3 : i32
      %mul3A_1298 = arith.muli %arg1, %mul3A_1297 : i32
      %add3A_1299 = arith.constant 2 : i32
      %add3A_1300 = arith.addi %mul3A_1298, %add3A_1299 : i32
      %mul3A_1301 = arith.constant 32 : i32
      %mul3A_1302 = arith.muli %add3A_1300, %mul3A_1301 : i32
      %mul3A_1303 = arith.constant 32 : i32
      %mul3A_1304 = arith.muli %sub3A_1296, %mul3A_1303 : i32
      %add3A_1305 = arith.addi %mul3A_2, %mul3A_1304 : i32
      %dma_start3A_1306 = arith.constant 0 : i32
      %dma_start3A_1307 = tpu.memref_slice %arg4[%add3A_1305, %dma_start3A_1306] : memref<147456x512xf32, #tpu.memory_space<hbm>> -> memref<32x512xf32, #tpu.memory_space<hbm>>
      %dma_start3A_1308 = arith.constant 0 : i32
      %dma_start3A_1309 = tpu.memref_slice %arg10[%mul3A_1302, %dma_start3A_1308] : memref<1536x512xf32, #tpu.memory_space<vmem_shared>> -> memref<32x512xf32, #tpu.memory_space<vmem_shared>>
      tpu.enqueue_dma source(%dma_start3A_1309 : memref<32x512xf32, #tpu.memory_space<vmem_shared>>) target(%dma_start3A_1307 : memref<32x512xf32, #tpu.memory_space<hbm>>) target_semaphore(%arg21 : memref<!tpu.dma_semaphore, #tpu.memory_space<semaphore_mem>>)
      %add3A_1310 = arith.constant 3 : i32
      %add3A_1311 = arith.addi %add3A_1253, %add3A_1310 : i32
      %mul3A_1312 = arith.constant 32 : i32
      %mul3A_1313 = arith.muli %add3A_1311, %mul3A_1312 : i32
      %dma_start3A_1314 = tpu.memref_slice %arg5[%mul3A_1313] : memref<4608xi32, #tpu.memory_space<vmem>> -> memref<32xi32, #tpu.memory_space<vmem>>
      %dma_start3A_1315 = arith.constant 0 : i32
      %dma_start3A_1316 = arith.constant 0 : i32
      %dma_start3A_1317 = tpu.memref_slice %arg3[%dma_start3A_1315, %dma_start3A_1316] : memref<8192x512xf32, #tpu.memory_space<hbm>> -> memref<8192x512xf32, #tpu.memory_space<hbm>>
      tpu.enqueue_indirect_dma source(%dma_start3A_1317 : memref<8192x512xf32, #tpu.memory_space<hbm>>) target(%arg9 : memref<32x512xf32, #tpu.memory_space<vmem>>) offsets(%dma_start3A_1314 : memref<32xi32, #tpu.memory_space<vmem>>) semaphore(%arg14 : memref<!tpu.dma_semaphore, #tpu.memory_space<semaphore_mem>>)
      %add3A_1318 = arith.constant 10 : i32
      %add3A_1319 = arith.addi %add3A_658, %add3A_1318 : i32
      %mul3A_1320 = arith.constant 32 : i32
      %mul3A_1321 = arith.muli %add3A_1319, %mul3A_1320 : i32
      %dma_wait3A_1322 = tpu.memref_slice %arg5[%mul3A_1321] : memref<4608xi32, #tpu.memory_space<vmem>> -> memref<32xi32, #tpu.memory_space<vmem>>
      %dma_wait3A_1323 = arith.constant 0 : i32
      %dma_wait3A_1324 = arith.constant 0 : i32
      %dma_wait3A_1325 = tpu.memref_slice %arg3[%dma_wait3A_1323, %dma_wait3A_1324] : memref<8192x512xf32, #tpu.memory_space<hbm>> -> memref<8192x512xf32, #tpu.memory_space<hbm>>
      tpu.wait_indirect_dma semaphore(%arg12 : memref<!tpu.dma_semaphore, #tpu.memory_space<semaphore_mem>>) src(%dma_wait3A_1325 : memref<8192x512xf32, #tpu.memory_space<hbm>>) dst(%arg7 : memref<32x512xf32, #tpu.memory_space<vmem>>)
      %sub3A_1326 = arith.constant 3 : i32
      %sub3A_1327 = arith.subi %add3A_1319, %sub3A_1326 : i32
      %mul3A_1328 = arith.constant 3 : i32
      %mul3A_1329 = arith.muli %arg1, %mul3A_1328 : i32
      %add3A_1330 = arith.constant 1 : i32
      %add3A_1331 = arith.addi %mul3A_1329, %add3A_1330 : i32
      %mul3A_1332 = arith.constant 32 : i32
      %mul3A_1333 = arith.muli %add3A_1331, %mul3A_1332 : i32
      %mul3A_1334 = arith.constant 32 : i32
      %mul3A_1335 = arith.muli %sub3A_1327, %mul3A_1334 : i32
      %add3A_1336 = arith.addi %mul3A_2, %mul3A_1335 : i32
      %dma_wait3A_1337 = arith.constant 0 : i32
      %dma_wait3A_1338 = tpu.memref_slice %arg4[%add3A_1336, %dma_wait3A_1337] : memref<147456x512xf32, #tpu.memory_space<hbm>> -> memref<32x512xf32, #tpu.memory_space<hbm>>
      %dma_wait3A_1339 = arith.constant 0 : i32
      %dma_wait3A_1340 = tpu.memref_slice %arg10[%mul3A_1333, %dma_wait3A_1339] : memref<1536x512xf32, #tpu.memory_space<vmem_shared>> -> memref<32x512xf32, #tpu.memory_space<vmem_shared>>
      tpu.wait_dma2 semaphore(%arg20 : memref<!tpu.dma_semaphore, #tpu.memory_space<semaphore_mem>>) src(%dma_wait3A_1340 : memref<32x512xf32, #tpu.memory_space<vmem_shared>>) dst(%dma_wait3A_1338 : memref<32x512xf32, #tpu.memory_space<hbm>>)
      %mul3A_1341 = arith.constant 3 : i32
      %mul3A_1342 = arith.muli %arg1, %mul3A_1341 : i32
      %add3A_1343 = arith.constant 1 : i32
      %add3A_1344 = arith.addi %mul3A_1342, %add3A_1343 : i32
      %mul3A_1345 = arith.constant 32 : i32
      %mul3A_1346 = arith.muli %add3A_1344, %mul3A_1345 : i32
      %dma_start3A_1347 = arith.constant 0 : i32
      %dma_start3A_1348 = tpu.memref_slice %arg10[%mul3A_1346, %dma_start3A_1347] : memref<1536x512xf32, #tpu.memory_space<vmem_shared>> -> memref<32x512xf32, #tpu.memory_space<vmem_shared>>
      %dma_start3A_1349 = arith.constant 0 : i32
      %dma_start3A_1350 = tpu.memref_slice %arg10[%mul3A_1346, %dma_start3A_1349] : memref<1536x512xf32, #tpu.memory_space<vmem_shared>> -> memref<32x512xf32, #tpu.memory_space<vmem_shared>>
      tpu.enqueue_dma source(%arg7 : memref<32x512xf32, #tpu.memory_space<vmem>>) target(%dma_start3A_1350 : memref<32x512xf32, #tpu.memory_space<vmem_shared>>) target_semaphore(%arg16 : memref<!tpu.dma_semaphore, #tpu.memory_space<semaphore_mem>>)
      %mul3A_1351 = arith.constant 3 : i32
      %mul3A_1352 = arith.muli %arg1, %mul3A_1351 : i32
      %add3A_1353 = arith.constant 0 : i32
      %add3A_1354 = arith.addi %mul3A_1352, %add3A_1353 : i32
      %mul3A_1355 = arith.constant 32 : i32
      %mul3A_1356 = arith.muli %add3A_1354, %mul3A_1355 : i32
      %dma_wait3A_1357 = arith.constant 0 : i32
      %dma_wait3A_1358 = tpu.memref_slice %arg10[%mul3A_1356, %dma_wait3A_1357] : memref<1536x512xf32, #tpu.memory_space<vmem_shared>> -> memref<32x512xf32, #tpu.memory_space<vmem_shared>>
      %dma_wait3A_1359 = arith.constant 0 : i32
      %dma_wait3A_1360 = tpu.memref_slice %arg10[%mul3A_1356, %dma_wait3A_1359] : memref<1536x512xf32, #tpu.memory_space<vmem_shared>> -> memref<32x512xf32, #tpu.memory_space<vmem_shared>>
      tpu.wait_dma2 semaphore(%arg15 : memref<!tpu.dma_semaphore, #tpu.memory_space<semaphore_mem>>) src(%arg6 : memref<32x512xf32, #tpu.memory_space<vmem>>) dst(%dma_wait3A_1360 : memref<32x512xf32, #tpu.memory_space<vmem_shared>>)
      %sub3A_1361 = arith.constant 1 : i32
      %sub3A_1362 = arith.subi %add3A_1319, %sub3A_1361 : i32
      %mul3A_1363 = arith.constant 3 : i32
      %mul3A_1364 = arith.muli %arg1, %mul3A_1363 : i32
      %add3A_1365 = arith.constant 0 : i32
      %add3A_1366 = arith.addi %mul3A_1364, %add3A_1365 : i32
      %mul3A_1367 = arith.constant 32 : i32
      %mul3A_1368 = arith.muli %add3A_1366, %mul3A_1367 : i32
      %mul3A_1369 = arith.constant 32 : i32
      %mul3A_1370 = arith.muli %sub3A_1362, %mul3A_1369 : i32
      %add3A_1371 = arith.addi %mul3A_2, %mul3A_1370 : i32
      %dma_start3A_1372 = arith.constant 0 : i32
      %dma_start3A_1373 = tpu.memref_slice %arg4[%add3A_1371, %dma_start3A_1372] : memref<147456x512xf32, #tpu.memory_space<hbm>> -> memref<32x512xf32, #tpu.memory_space<hbm>>
      %dma_start3A_1374 = arith.constant 0 : i32
      %dma_start3A_1375 = tpu.memref_slice %arg10[%mul3A_1368, %dma_start3A_1374] : memref<1536x512xf32, #tpu.memory_space<vmem_shared>> -> memref<32x512xf32, #tpu.memory_space<vmem_shared>>
      tpu.enqueue_dma source(%dma_start3A_1375 : memref<32x512xf32, #tpu.memory_space<vmem_shared>>) target(%dma_start3A_1373 : memref<32x512xf32, #tpu.memory_space<hbm>>) target_semaphore(%arg19 : memref<!tpu.dma_semaphore, #tpu.memory_space<semaphore_mem>>)
      %add3A_1376 = arith.constant 3 : i32
      %add3A_1377 = arith.addi %add3A_1319, %add3A_1376 : i32
      %mul3A_1378 = arith.constant 32 : i32
      %mul3A_1379 = arith.muli %add3A_1377, %mul3A_1378 : i32
      %dma_start3A_1380 = tpu.memref_slice %arg5[%mul3A_1379] : memref<4608xi32, #tpu.memory_space<vmem>> -> memref<32xi32, #tpu.memory_space<vmem>>
      %dma_start3A_1381 = arith.constant 0 : i32
      %dma_start3A_1382 = arith.constant 0 : i32
      %dma_start3A_1383 = tpu.memref_slice %arg3[%dma_start3A_1381, %dma_start3A_1382] : memref<8192x512xf32, #tpu.memory_space<hbm>> -> memref<8192x512xf32, #tpu.memory_space<hbm>>
      tpu.enqueue_indirect_dma source(%dma_start3A_1383 : memref<8192x512xf32, #tpu.memory_space<hbm>>) target(%arg6 : memref<32x512xf32, #tpu.memory_space<vmem>>) offsets(%dma_start3A_1380 : memref<32xi32, #tpu.memory_space<vmem>>) semaphore(%arg11 : memref<!tpu.dma_semaphore, #tpu.memory_space<semaphore_mem>>)
      %add3A_1384 = arith.constant 11 : i32
      %add3A_1385 = arith.addi %add3A_658, %add3A_1384 : i32
      %mul3A_1386 = arith.constant 32 : i32
      %mul3A_1387 = arith.muli %add3A_1385, %mul3A_1386 : i32
      %dma_wait3A_1388 = tpu.memref_slice %arg5[%mul3A_1387] : memref<4608xi32, #tpu.memory_space<vmem>> -> memref<32xi32, #tpu.memory_space<vmem>>
      %dma_wait3A_1389 = arith.constant 0 : i32
      %dma_wait3A_1390 = arith.constant 0 : i32
      %dma_wait3A_1391 = tpu.memref_slice %arg3[%dma_wait3A_1389, %dma_wait3A_1390] : memref<8192x512xf32, #tpu.memory_space<hbm>> -> memref<8192x512xf32, #tpu.memory_space<hbm>>
      tpu.wait_indirect_dma semaphore(%arg13 : memref<!tpu.dma_semaphore, #tpu.memory_space<semaphore_mem>>) src(%dma_wait3A_1391 : memref<8192x512xf32, #tpu.memory_space<hbm>>) dst(%arg8 : memref<32x512xf32, #tpu.memory_space<vmem>>)
      %sub3A_1392 = arith.constant 3 : i32
      %sub3A_1393 = arith.subi %add3A_1385, %sub3A_1392 : i32
      %mul3A_1394 = arith.constant 3 : i32
      %mul3A_1395 = arith.muli %arg1, %mul3A_1394 : i32
      %add3A_1396 = arith.constant 2 : i32
      %add3A_1397 = arith.addi %mul3A_1395, %add3A_1396 : i32
      %mul3A_1398 = arith.constant 32 : i32
      %mul3A_1399 = arith.muli %add3A_1397, %mul3A_1398 : i32
      %mul3A_1400 = arith.constant 32 : i32
      %mul3A_1401 = arith.muli %sub3A_1393, %mul3A_1400 : i32
      %add3A_1402 = arith.addi %mul3A_2, %mul3A_1401 : i32
      %dma_wait3A_1403 = arith.constant 0 : i32
      %dma_wait3A_1404 = tpu.memref_slice %arg4[%add3A_1402, %dma_wait3A_1403] : memref<147456x512xf32, #tpu.memory_space<hbm>> -> memref<32x512xf32, #tpu.memory_space<hbm>>
      %dma_wait3A_1405 = arith.constant 0 : i32
      %dma_wait3A_1406 = tpu.memref_slice %arg10[%mul3A_1399, %dma_wait3A_1405] : memref<1536x512xf32, #tpu.memory_space<vmem_shared>> -> memref<32x512xf32, #tpu.memory_space<vmem_shared>>
      tpu.wait_dma2 semaphore(%arg21 : memref<!tpu.dma_semaphore, #tpu.memory_space<semaphore_mem>>) src(%dma_wait3A_1406 : memref<32x512xf32, #tpu.memory_space<vmem_shared>>) dst(%dma_wait3A_1404 : memref<32x512xf32, #tpu.memory_space<hbm>>)
      %mul3A_1407 = arith.constant 3 : i32
      %mul3A_1408 = arith.muli %arg1, %mul3A_1407 : i32
      %add3A_1409 = arith.constant 2 : i32
      %add3A_1410 = arith.addi %mul3A_1408, %add3A_1409 : i32
      %mul3A_1411 = arith.constant 32 : i32
      %mul3A_1412 = arith.muli %add3A_1410, %mul3A_1411 : i32
      %dma_start3A_1413 = arith.constant 0 : i32
      %dma_start3A_1414 = tpu.memref_slice %arg10[%mul3A_1412, %dma_start3A_1413] : memref<1536x512xf32, #tpu.memory_space<vmem_shared>> -> memref<32x512xf32, #tpu.memory_space<vmem_shared>>
      %dma_start3A_1415 = arith.constant 0 : i32
      %dma_start3A_1416 = tpu.memref_slice %arg10[%mul3A_1412, %dma_start3A_1415] : memref<1536x512xf32, #tpu.memory_space<vmem_shared>> -> memref<32x512xf32, #tpu.memory_space<vmem_shared>>
      tpu.enqueue_dma source(%arg8 : memref<32x512xf32, #tpu.memory_space<vmem>>) target(%dma_start3A_1416 : memref<32x512xf32, #tpu.memory_space<vmem_shared>>) target_semaphore(%arg17 : memref<!tpu.dma_semaphore, #tpu.memory_space<semaphore_mem>>)
      %mul3A_1417 = arith.constant 3 : i32
      %mul3A_1418 = arith.muli %arg1, %mul3A_1417 : i32
      %add3A_1419 = arith.constant 1 : i32
      %add3A_1420 = arith.addi %mul3A_1418, %add3A_1419 : i32
      %mul3A_1421 = arith.constant 32 : i32
      %mul3A_1422 = arith.muli %add3A_1420, %mul3A_1421 : i32
      %dma_wait3A_1423 = arith.constant 0 : i32
      %dma_wait3A_1424 = tpu.memref_slice %arg10[%mul3A_1422, %dma_wait3A_1423] : memref<1536x512xf32, #tpu.memory_space<vmem_shared>> -> memref<32x512xf32, #tpu.memory_space<vmem_shared>>
      %dma_wait3A_1425 = arith.constant 0 : i32
      %dma_wait3A_1426 = tpu.memref_slice %arg10[%mul3A_1422, %dma_wait3A_1425] : memref<1536x512xf32, #tpu.memory_space<vmem_shared>> -> memref<32x512xf32, #tpu.memory_space<vmem_shared>>
      tpu.wait_dma2 semaphore(%arg16 : memref<!tpu.dma_semaphore, #tpu.memory_space<semaphore_mem>>) src(%arg7 : memref<32x512xf32, #tpu.memory_space<vmem>>) dst(%dma_wait3A_1426 : memref<32x512xf32, #tpu.memory_space<vmem_shared>>)
      %sub3A_1427 = arith.constant 1 : i32
      %sub3A_1428 = arith.subi %add3A_1385, %sub3A_1427 : i32
      %mul3A_1429 = arith.constant 3 : i32
      %mul3A_1430 = arith.muli %arg1, %mul3A_1429 : i32
      %add3A_1431 = arith.constant 1 : i32
      %add3A_1432 = arith.addi %mul3A_1430, %add3A_1431 : i32
      %mul3A_1433 = arith.constant 32 : i32
      %mul3A_1434 = arith.muli %add3A_1432, %mul3A_1433 : i32
      %mul3A_1435 = arith.constant 32 : i32
      %mul3A_1436 = arith.muli %sub3A_1428, %mul3A_1435 : i32
      %add3A_1437 = arith.addi %mul3A_2, %mul3A_1436 : i32
      %dma_start3A_1438 = arith.constant 0 : i32
      %dma_start3A_1439 = tpu.memref_slice %arg4[%add3A_1437, %dma_start3A_1438] : memref<147456x512xf32, #tpu.memory_space<hbm>> -> memref<32x512xf32, #tpu.memory_space<hbm>>
      %dma_start3A_1440 = arith.constant 0 : i32
      %dma_start3A_1441 = tpu.memref_slice %arg10[%mul3A_1434, %dma_start3A_1440] : memref<1536x512xf32, #tpu.memory_space<vmem_shared>> -> memref<32x512xf32, #tpu.memory_space<vmem_shared>>
      tpu.enqueue_dma source(%dma_start3A_1441 : memref<32x512xf32, #tpu.memory_space<vmem_shared>>) target(%dma_start3A_1439 : memref<32x512xf32, #tpu.memory_space<hbm>>) target_semaphore(%arg20 : memref<!tpu.dma_semaphore, #tpu.memory_space<semaphore_mem>>)
      %add3A_1442 = arith.constant 3 : i32
      %add3A_1443 = arith.addi %add3A_1385, %add3A_1442 : i32
      %mul3A_1444 = arith.constant 32 : i32
      %mul3A_1445 = arith.muli %add3A_1443, %mul3A_1444 : i32
      %dma_start3A_1446 = tpu.memref_slice %arg5[%mul3A_1445] : memref<4608xi32, #tpu.memory_space<vmem>> -> memref<32xi32, #tpu.memory_space<vmem>>
      %dma_start3A_1447 = arith.constant 0 : i32
      %dma_start3A_1448 = arith.constant 0 : i32
      %dma_start3A_1449 = tpu.memref_slice %arg3[%dma_start3A_1447, %dma_start3A_1448] : memref<8192x512xf32, #tpu.memory_space<hbm>> -> memref<8192x512xf32, #tpu.memory_space<hbm>>
      tpu.enqueue_indirect_dma source(%dma_start3A_1449 : memref<8192x512xf32, #tpu.memory_space<hbm>>) target(%arg7 : memref<32x512xf32, #tpu.memory_space<vmem>>) offsets(%dma_start3A_1446 : memref<32xi32, #tpu.memory_space<vmem>>) semaphore(%arg12 : memref<!tpu.dma_semaphore, #tpu.memory_space<semaphore_mem>>)
    }
    %scan3A_124 = arith.constant 11 : i32
    %dma_wait3A_125 = arith.constant 4320 : i32
    %dma_wait3A_126 = tpu.memref_slice %arg5[%dma_wait3A_125] : memref<4608xi32, #tpu.memory_space<vmem>> -> memref<32xi32, #tpu.memory_space<vmem>>
    %dma_wait3A_127 = arith.constant 0 : i32
    %dma_wait3A_128 = arith.constant 0 : i32
    %dma_wait3A_129 = tpu.memref_slice %arg3[%dma_wait3A_127, %dma_wait3A_128] : memref<8192x512xf32, #tpu.memory_space<hbm>> -> memref<8192x512xf32, #tpu.memory_space<hbm>>
    tpu.wait_indirect_dma semaphore(%arg14 : memref<!tpu.dma_semaphore, #tpu.memory_space<semaphore_mem>>) src(%dma_wait3A_129 : memref<8192x512xf32, #tpu.memory_space<hbm>>) dst(%arg9 : memref<32x512xf32, #tpu.memory_space<vmem>>)
    %mul3A_130 = arith.constant 3 : i32
    %mul3A_131 = arith.muli %arg1, %mul3A_130 : i32
    %add3A_132 = arith.constant 0 : i32
    %add3A_133 = arith.addi %mul3A_131, %add3A_132 : i32
    %mul3A_134 = arith.constant 32 : i32
    %mul3A_135 = arith.muli %add3A_133, %mul3A_134 : i32
    %add3A_136 = arith.constant 4224 : i32
    %add3A_137 = arith.addi %mul3A_2, %add3A_136 : i32
    %dma_wait3A_138 = arith.constant 0 : i32
    %dma_wait3A_139 = tpu.memref_slice %arg4[%add3A_137, %dma_wait3A_138] : memref<147456x512xf32, #tpu.memory_space<hbm>> -> memref<32x512xf32, #tpu.memory_space<hbm>>
    %dma_wait3A_140 = arith.constant 0 : i32
    %dma_wait3A_141 = tpu.memref_slice %arg10[%mul3A_135, %dma_wait3A_140] : memref<1536x512xf32, #tpu.memory_space<vmem_shared>> -> memref<32x512xf32, #tpu.memory_space<vmem_shared>>
    tpu.wait_dma2 semaphore(%arg19 : memref<!tpu.dma_semaphore, #tpu.memory_space<semaphore_mem>>) src(%dma_wait3A_141 : memref<32x512xf32, #tpu.memory_space<vmem_shared>>) dst(%dma_wait3A_139 : memref<32x512xf32, #tpu.memory_space<hbm>>)
    %mul3A_142 = arith.constant 3 : i32
    %mul3A_143 = arith.muli %arg1, %mul3A_142 : i32
    %add3A_144 = arith.constant 0 : i32
    %add3A_145 = arith.addi %mul3A_143, %add3A_144 : i32
    %mul3A_146 = arith.constant 32 : i32
    %mul3A_147 = arith.muli %add3A_145, %mul3A_146 : i32
    %dma_start3A_148 = arith.constant 0 : i32
    %dma_start3A_149 = tpu.memref_slice %arg10[%mul3A_147, %dma_start3A_148] : memref<1536x512xf32, #tpu.memory_space<vmem_shared>> -> memref<32x512xf32, #tpu.memory_space<vmem_shared>>
    %dma_start3A_150 = arith.constant 0 : i32
    %dma_start3A_151 = tpu.memref_slice %arg10[%mul3A_147, %dma_start3A_150] : memref<1536x512xf32, #tpu.memory_space<vmem_shared>> -> memref<32x512xf32, #tpu.memory_space<vmem_shared>>
    tpu.enqueue_dma source(%arg9 : memref<32x512xf32, #tpu.memory_space<vmem>>) target(%dma_start3A_151 : memref<32x512xf32, #tpu.memory_space<vmem_shared>>) target_semaphore(%arg18 : memref<!tpu.dma_semaphore, #tpu.memory_space<semaphore_mem>>)
    %mul3A_152 = arith.constant 3 : i32
    %mul3A_153 = arith.muli %arg1, %mul3A_152 : i32
    %add3A_154 = arith.constant 2 : i32
    %add3A_155 = arith.addi %mul3A_153, %add3A_154 : i32
    %mul3A_156 = arith.constant 32 : i32
    %mul3A_157 = arith.muli %add3A_155, %mul3A_156 : i32
    %dma_wait3A_158 = arith.constant 0 : i32
    %dma_wait3A_159 = tpu.memref_slice %arg10[%mul3A_157, %dma_wait3A_158] : memref<1536x512xf32, #tpu.memory_space<vmem_shared>> -> memref<32x512xf32, #tpu.memory_space<vmem_shared>>
    %dma_wait3A_160 = arith.constant 0 : i32
    %dma_wait3A_161 = tpu.memref_slice %arg10[%mul3A_157, %dma_wait3A_160] : memref<1536x512xf32, #tpu.memory_space<vmem_shared>> -> memref<32x512xf32, #tpu.memory_space<vmem_shared>>
    tpu.wait_dma2 semaphore(%arg17 : memref<!tpu.dma_semaphore, #tpu.memory_space<semaphore_mem>>) src(%arg8 : memref<32x512xf32, #tpu.memory_space<vmem>>) dst(%dma_wait3A_161 : memref<32x512xf32, #tpu.memory_space<vmem_shared>>)
    %mul3A_162 = arith.constant 3 : i32
    %mul3A_163 = arith.muli %arg1, %mul3A_162 : i32
    %add3A_164 = arith.constant 2 : i32
    %add3A_165 = arith.addi %mul3A_163, %add3A_164 : i32
    %mul3A_166 = arith.constant 32 : i32
    %mul3A_167 = arith.muli %add3A_165, %mul3A_166 : i32
    %add3A_168 = arith.constant 4288 : i32
    %add3A_169 = arith.addi %mul3A_2, %add3A_168 : i32
    %dma_start3A_170 = arith.constant 0 : i32
    %dma_start3A_171 = tpu.memref_slice %arg4[%add3A_169, %dma_start3A_170] : memref<147456x512xf32, #tpu.memory_space<hbm>> -> memref<32x512xf32, #tpu.memory_space<hbm>>
    %dma_start3A_172 = arith.constant 0 : i32
    %dma_start3A_173 = tpu.memref_slice %arg10[%mul3A_167, %dma_start3A_172] : memref<1536x512xf32, #tpu.memory_space<vmem_shared>> -> memref<32x512xf32, #tpu.memory_space<vmem_shared>>
    tpu.enqueue_dma source(%dma_start3A_173 : memref<32x512xf32, #tpu.memory_space<vmem_shared>>) target(%dma_start3A_171 : memref<32x512xf32, #tpu.memory_space<hbm>>) target_semaphore(%arg21 : memref<!tpu.dma_semaphore, #tpu.memory_space<semaphore_mem>>)
    %dma_start3A_174 = arith.constant 4416 : i32
    %dma_start3A_175 = tpu.memref_slice %arg5[%dma_start3A_174] : memref<4608xi32, #tpu.memory_space<vmem>> -> memref<32xi32, #tpu.memory_space<vmem>>
    %dma_start3A_176 = arith.constant 0 : i32
    %dma_start3A_177 = arith.constant 0 : i32
    %dma_start3A_178 = tpu.memref_slice %arg3[%dma_start3A_176, %dma_start3A_177] : memref<8192x512xf32, #tpu.memory_space<hbm>> -> memref<8192x512xf32, #tpu.memory_space<hbm>>
    tpu.enqueue_indirect_dma source(%dma_start3A_178 : memref<8192x512xf32, #tpu.memory_space<hbm>>) target(%arg8 : memref<32x512xf32, #tpu.memory_space<vmem>>) offsets(%dma_start3A_175 : memref<32xi32, #tpu.memory_space<vmem>>) semaphore(%arg13 : memref<!tpu.dma_semaphore, #tpu.memory_space<semaphore_mem>>)
    %dma_wait3A_179 = arith.constant 4352 : i32
    %dma_wait3A_180 = tpu.memref_slice %arg5[%dma_wait3A_179] : memref<4608xi32, #tpu.memory_space<vmem>> -> memref<32xi32, #tpu.memory_space<vmem>>
    %dma_wait3A_181 = arith.constant 0 : i32
    %dma_wait3A_182 = arith.constant 0 : i32
    %dma_wait3A_183 = tpu.memref_slice %arg3[%dma_wait3A_181, %dma_wait3A_182] : memref<8192x512xf32, #tpu.memory_space<hbm>> -> memref<8192x512xf32, #tpu.memory_space<hbm>>
    tpu.wait_indirect_dma semaphore(%arg11 : memref<!tpu.dma_semaphore, #tpu.memory_space<semaphore_mem>>) src(%dma_wait3A_183 : memref<8192x512xf32, #tpu.memory_space<hbm>>) dst(%arg6 : memref<32x512xf32, #tpu.memory_space<vmem>>)
    %mul3A_184 = arith.constant 3 : i32
    %mul3A_185 = arith.muli %arg1, %mul3A_184 : i32
    %add3A_186 = arith.constant 1 : i32
    %add3A_187 = arith.addi %mul3A_185, %add3A_186 : i32
    %mul3A_188 = arith.constant 32 : i32
    %mul3A_189 = arith.muli %add3A_187, %mul3A_188 : i32
    %add3A_190 = arith.constant 4256 : i32
    %add3A_191 = arith.addi %mul3A_2, %add3A_190 : i32
    %dma_wait3A_192 = arith.constant 0 : i32
    %dma_wait3A_193 = tpu.memref_slice %arg4[%add3A_191, %dma_wait3A_192] : memref<147456x512xf32, #tpu.memory_space<hbm>> -> memref<32x512xf32, #tpu.memory_space<hbm>>
    %dma_wait3A_194 = arith.constant 0 : i32
    %dma_wait3A_195 = tpu.memref_slice %arg10[%mul3A_189, %dma_wait3A_194] : memref<1536x512xf32, #tpu.memory_space<vmem_shared>> -> memref<32x512xf32, #tpu.memory_space<vmem_shared>>
    tpu.wait_dma2 semaphore(%arg20 : memref<!tpu.dma_semaphore, #tpu.memory_space<semaphore_mem>>) src(%dma_wait3A_195 : memref<32x512xf32, #tpu.memory_space<vmem_shared>>) dst(%dma_wait3A_193 : memref<32x512xf32, #tpu.memory_space<hbm>>)
    %mul3A_196 = arith.constant 3 : i32
    %mul3A_197 = arith.muli %arg1, %mul3A_196 : i32
    %add3A_198 = arith.constant 1 : i32
    %add3A_199 = arith.addi %mul3A_197, %add3A_198 : i32
    %mul3A_200 = arith.constant 32 : i32
    %mul3A_201 = arith.muli %add3A_199, %mul3A_200 : i32
    %dma_start3A_202 = arith.constant 0 : i32
    %dma_start3A_203 = tpu.memref_slice %arg10[%mul3A_201, %dma_start3A_202] : memref<1536x512xf32, #tpu.memory_space<vmem_shared>> -> memref<32x512xf32, #tpu.memory_space<vmem_shared>>
    %dma_start3A_204 = arith.constant 0 : i32
    %dma_start3A_205 = tpu.memref_slice %arg10[%mul3A_201, %dma_start3A_204] : memref<1536x512xf32, #tpu.memory_space<vmem_shared>> -> memref<32x512xf32, #tpu.memory_space<vmem_shared>>
    tpu.enqueue_dma source(%arg6 : memref<32x512xf32, #tpu.memory_space<vmem>>) target(%dma_start3A_205 : memref<32x512xf32, #tpu.memory_space<vmem_shared>>) target_semaphore(%arg15 : memref<!tpu.dma_semaphore, #tpu.memory_space<semaphore_mem>>)
    %mul3A_206 = arith.constant 3 : i32
    %mul3A_207 = arith.muli %arg1, %mul3A_206 : i32
    %add3A_208 = arith.constant 0 : i32
    %add3A_209 = arith.addi %mul3A_207, %add3A_208 : i32
    %mul3A_210 = arith.constant 32 : i32
    %mul3A_211 = arith.muli %add3A_209, %mul3A_210 : i32
    %dma_wait3A_212 = arith.constant 0 : i32
    %dma_wait3A_213 = tpu.memref_slice %arg10[%mul3A_211, %dma_wait3A_212] : memref<1536x512xf32, #tpu.memory_space<vmem_shared>> -> memref<32x512xf32, #tpu.memory_space<vmem_shared>>
    %dma_wait3A_214 = arith.constant 0 : i32
    %dma_wait3A_215 = tpu.memref_slice %arg10[%mul3A_211, %dma_wait3A_214] : memref<1536x512xf32, #tpu.memory_space<vmem_shared>> -> memref<32x512xf32, #tpu.memory_space<vmem_shared>>
    tpu.wait_dma2 semaphore(%arg18 : memref<!tpu.dma_semaphore, #tpu.memory_space<semaphore_mem>>) src(%arg9 : memref<32x512xf32, #tpu.memory_space<vmem>>) dst(%dma_wait3A_215 : memref<32x512xf32, #tpu.memory_space<vmem_shared>>)
    %mul3A_216 = arith.constant 3 : i32
    %mul3A_217 = arith.muli %arg1, %mul3A_216 : i32
    %add3A_218 = arith.constant 0 : i32
    %add3A_219 = arith.addi %mul3A_217, %add3A_218 : i32
    %mul3A_220 = arith.constant 32 : i32
    %mul3A_221 = arith.muli %add3A_219, %mul3A_220 : i32
    %add3A_222 = arith.constant 4320 : i32
    %add3A_223 = arith.addi %mul3A_2, %add3A_222 : i32
    %dma_start3A_224 = arith.constant 0 : i32
    %dma_start3A_225 = tpu.memref_slice %arg4[%add3A_223, %dma_start3A_224] : memref<147456x512xf32, #tpu.memory_space<hbm>> -> memref<32x512xf32, #tpu.memory_space<hbm>>
    %dma_start3A_226 = arith.constant 0 : i32
    %dma_start3A_227 = tpu.memref_slice %arg10[%mul3A_221, %dma_start3A_226] : memref<1536x512xf32, #tpu.memory_space<vmem_shared>> -> memref<32x512xf32, #tpu.memory_space<vmem_shared>>
    tpu.enqueue_dma source(%dma_start3A_227 : memref<32x512xf32, #tpu.memory_space<vmem_shared>>) target(%dma_start3A_225 : memref<32x512xf32, #tpu.memory_space<hbm>>) target_semaphore(%arg19 : memref<!tpu.dma_semaphore, #tpu.memory_space<semaphore_mem>>)
    %dma_start3A_228 = arith.constant 4448 : i32
    %dma_start3A_229 = tpu.memref_slice %arg5[%dma_start3A_228] : memref<4608xi32, #tpu.memory_space<vmem>> -> memref<32xi32, #tpu.memory_space<vmem>>
    %dma_start3A_230 = arith.constant 0 : i32
    %dma_start3A_231 = arith.constant 0 : i32
    %dma_start3A_232 = tpu.memref_slice %arg3[%dma_start3A_230, %dma_start3A_231] : memref<8192x512xf32, #tpu.memory_space<hbm>> -> memref<8192x512xf32, #tpu.memory_space<hbm>>
    tpu.enqueue_indirect_dma source(%dma_start3A_232 : memref<8192x512xf32, #tpu.memory_space<hbm>>) target(%arg9 : memref<32x512xf32, #tpu.memory_space<vmem>>) offsets(%dma_start3A_229 : memref<32xi32, #tpu.memory_space<vmem>>) semaphore(%arg14 : memref<!tpu.dma_semaphore, #tpu.memory_space<semaphore_mem>>)
    %dma_wait3A_233 = arith.constant 4384 : i32
    %dma_wait3A_234 = tpu.memref_slice %arg5[%dma_wait3A_233] : memref<4608xi32, #tpu.memory_space<vmem>> -> memref<32xi32, #tpu.memory_space<vmem>>
    %dma_wait3A_235 = arith.constant 0 : i32
    %dma_wait3A_236 = arith.constant 0 : i32
    %dma_wait3A_237 = tpu.memref_slice %arg3[%dma_wait3A_235, %dma_wait3A_236] : memref<8192x512xf32, #tpu.memory_space<hbm>> -> memref<8192x512xf32, #tpu.memory_space<hbm>>
    tpu.wait_indirect_dma semaphore(%arg12 : memref<!tpu.dma_semaphore, #tpu.memory_space<semaphore_mem>>) src(%dma_wait3A_237 : memref<8192x512xf32, #tpu.memory_space<hbm>>) dst(%arg7 : memref<32x512xf32, #tpu.memory_space<vmem>>)
    %mul3A_238 = arith.constant 3 : i32
    %mul3A_239 = arith.muli %arg1, %mul3A_238 : i32
    %add3A_240 = arith.constant 2 : i32
    %add3A_241 = arith.addi %mul3A_239, %add3A_240 : i32
    %mul3A_242 = arith.constant 32 : i32
    %mul3A_243 = arith.muli %add3A_241, %mul3A_242 : i32
    %add3A_244 = arith.constant 4288 : i32
    %add3A_245 = arith.addi %mul3A_2, %add3A_244 : i32
    %dma_wait3A_246 = arith.constant 0 : i32
    %dma_wait3A_247 = tpu.memref_slice %arg4[%add3A_245, %dma_wait3A_246] : memref<147456x512xf32, #tpu.memory_space<hbm>> -> memref<32x512xf32, #tpu.memory_space<hbm>>
    %dma_wait3A_248 = arith.constant 0 : i32
    %dma_wait3A_249 = tpu.memref_slice %arg10[%mul3A_243, %dma_wait3A_248] : memref<1536x512xf32, #tpu.memory_space<vmem_shared>> -> memref<32x512xf32, #tpu.memory_space<vmem_shared>>
    tpu.wait_dma2 semaphore(%arg21 : memref<!tpu.dma_semaphore, #tpu.memory_space<semaphore_mem>>) src(%dma_wait3A_249 : memref<32x512xf32, #tpu.memory_space<vmem_shared>>) dst(%dma_wait3A_247 : memref<32x512xf32, #tpu.memory_space<hbm>>)
    %mul3A_250 = arith.constant 3 : i32
    %mul3A_251 = arith.muli %arg1, %mul3A_250 : i32
    %add3A_252 = arith.constant 2 : i32
    %add3A_253 = arith.addi %mul3A_251, %add3A_252 : i32
    %mul3A_254 = arith.constant 32 : i32
    %mul3A_255 = arith.muli %add3A_253, %mul3A_254 : i32
    %dma_start3A_256 = arith.constant 0 : i32
    %dma_start3A_257 = tpu.memref_slice %arg10[%mul3A_255, %dma_start3A_256] : memref<1536x512xf32, #tpu.memory_space<vmem_shared>> -> memref<32x512xf32, #tpu.memory_space<vmem_shared>>
    %dma_start3A_258 = arith.constant 0 : i32
    %dma_start3A_259 = tpu.memref_slice %arg10[%mul3A_255, %dma_start3A_258] : memref<1536x512xf32, #tpu.memory_space<vmem_shared>> -> memref<32x512xf32, #tpu.memory_space<vmem_shared>>
    tpu.enqueue_dma source(%arg7 : memref<32x512xf32, #tpu.memory_space<vmem>>) target(%dma_start3A_259 : memref<32x512xf32, #tpu.memory_space<vmem_shared>>) target_semaphore(%arg16 : memref<!tpu.dma_semaphore, #tpu.memory_space<semaphore_mem>>)
    %mul3A_260 = arith.constant 3 : i32
    %mul3A_261 = arith.muli %arg1, %mul3A_260 : i32
    %add3A_262 = arith.constant 1 : i32
    %add3A_263 = arith.addi %mul3A_261, %add3A_262 : i32
    %mul3A_264 = arith.constant 32 : i32
    %mul3A_265 = arith.muli %add3A_263, %mul3A_264 : i32
    %dma_wait3A_266 = arith.constant 0 : i32
    %dma_wait3A_267 = tpu.memref_slice %arg10[%mul3A_265, %dma_wait3A_266] : memref<1536x512xf32, #tpu.memory_space<vmem_shared>> -> memref<32x512xf32, #tpu.memory_space<vmem_shared>>
    %dma_wait3A_268 = arith.constant 0 : i32
    %dma_wait3A_269 = tpu.memref_slice %arg10[%mul3A_265, %dma_wait3A_268] : memref<1536x512xf32, #tpu.memory_space<vmem_shared>> -> memref<32x512xf32, #tpu.memory_space<vmem_shared>>
    tpu.wait_dma2 semaphore(%arg15 : memref<!tpu.dma_semaphore, #tpu.memory_space<semaphore_mem>>) src(%arg6 : memref<32x512xf32, #tpu.memory_space<vmem>>) dst(%dma_wait3A_269 : memref<32x512xf32, #tpu.memory_space<vmem_shared>>)
    %mul3A_270 = arith.constant 3 : i32
    %mul3A_271 = arith.muli %arg1, %mul3A_270 : i32
    %add3A_272 = arith.constant 1 : i32
    %add3A_273 = arith.addi %mul3A_271, %add3A_272 : i32
    %mul3A_274 = arith.constant 32 : i32
    %mul3A_275 = arith.muli %add3A_273, %mul3A_274 : i32
    %add3A_276 = arith.constant 4352 : i32
    %add3A_277 = arith.addi %mul3A_2, %add3A_276 : i32
    %dma_start3A_278 = arith.constant 0 : i32
    %dma_start3A_279 = tpu.memref_slice %arg4[%add3A_277, %dma_start3A_278] : memref<147456x512xf32, #tpu.memory_space<hbm>> -> memref<32x512xf32, #tpu.memory_space<hbm>>
    %dma_start3A_280 = arith.constant 0 : i32
    %dma_start3A_281 = tpu.memref_slice %arg10[%mul3A_275, %dma_start3A_280] : memref<1536x512xf32, #tpu.memory_space<vmem_shared>> -> memref<32x512xf32, #tpu.memory_space<vmem_shared>>
    tpu.enqueue_dma source(%dma_start3A_281 : memref<32x512xf32, #tpu.memory_space<vmem_shared>>) target(%dma_start3A_279 : memref<32x512xf32, #tpu.memory_space<hbm>>) target_semaphore(%arg20 : memref<!tpu.dma_semaphore, #tpu.memory_space<semaphore_mem>>)
    %dma_start3A_282 = arith.constant 4480 : i32
    %dma_start3A_283 = tpu.memref_slice %arg5[%dma_start3A_282] : memref<4608xi32, #tpu.memory_space<vmem>> -> memref<32xi32, #tpu.memory_space<vmem>>
    %dma_start3A_284 = arith.constant 0 : i32
    %dma_start3A_285 = arith.constant 0 : i32
    %dma_start3A_286 = tpu.memref_slice %arg3[%dma_start3A_284, %dma_start3A_285] : memref<8192x512xf32, #tpu.memory_space<hbm>> -> memref<8192x512xf32, #tpu.memory_space<hbm>>
    tpu.enqueue_indirect_dma source(%dma_start3A_286 : memref<8192x512xf32, #tpu.memory_space<hbm>>) target(%arg6 : memref<32x512xf32, #tpu.memory_space<vmem>>) offsets(%dma_start3A_283 : memref<32xi32, #tpu.memory_space<vmem>>) semaphore(%arg11 : memref<!tpu.dma_semaphore, #tpu.memory_space<semaphore_mem>>)
    %dma_wait3A_287 = arith.constant 4416 : i32
    %dma_wait3A_288 = tpu.memref_slice %arg5[%dma_wait3A_287] : memref<4608xi32, #tpu.memory_space<vmem>> -> memref<32xi32, #tpu.memory_space<vmem>>
    %dma_wait3A_289 = arith.constant 0 : i32
    %dma_wait3A_290 = arith.constant 0 : i32
    %dma_wait3A_291 = tpu.memref_slice %arg3[%dma_wait3A_289, %dma_wait3A_290] : memref<8192x512xf32, #tpu.memory_space<hbm>> -> memref<8192x512xf32, #tpu.memory_space<hbm>>
    tpu.wait_indirect_dma semaphore(%arg13 : memref<!tpu.dma_semaphore, #tpu.memory_space<semaphore_mem>>) src(%dma_wait3A_291 : memref<8192x512xf32, #tpu.memory_space<hbm>>) dst(%arg8 : memref<32x512xf32, #tpu.memory_space<vmem>>)
    %mul3A_292 = arith.constant 3 : i32
    %mul3A_293 = arith.muli %arg1, %mul3A_292 : i32
    %add3A_294 = arith.constant 0 : i32
    %add3A_295 = arith.addi %mul3A_293, %add3A_294 : i32
    %mul3A_296 = arith.constant 32 : i32
    %mul3A_297 = arith.muli %add3A_295, %mul3A_296 : i32
    %add3A_298 = arith.constant 4320 : i32
    %add3A_299 = arith.addi %mul3A_2, %add3A_298 : i32
    %dma_wait3A_300 = arith.constant 0 : i32
    %dma_wait3A_301 = tpu.memref_slice %arg4[%add3A_299, %dma_wait3A_300] : memref<147456x512xf32, #tpu.memory_space<hbm>> -> memref<32x512xf32, #tpu.memory_space<hbm>>
    %dma_wait3A_302 = arith.constant 0 : i32
    %dma_wait3A_303 = tpu.memref_slice %arg10[%mul3A_297, %dma_wait3A_302] : memref<1536x512xf32, #tpu.memory_space<vmem_shared>> -> memref<32x512xf32, #tpu.memory_space<vmem_shared>>
    tpu.wait_dma2 semaphore(%arg19 : memref<!tpu.dma_semaphore, #tpu.memory_space<semaphore_mem>>) src(%dma_wait3A_303 : memref<32x512xf32, #tpu.memory_space<vmem_shared>>) dst(%dma_wait3A_301 : memref<32x512xf32, #tpu.memory_space<hbm>>)
    %mul3A_304 = arith.constant 3 : i32
    %mul3A_305 = arith.muli %arg1, %mul3A_304 : i32
    %add3A_306 = arith.constant 0 : i32
    %add3A_307 = arith.addi %mul3A_305, %add3A_306 : i32
    %mul3A_308 = arith.constant 32 : i32
    %mul3A_309 = arith.muli %add3A_307, %mul3A_308 : i32
    %dma_start3A_310 = arith.constant 0 : i32
    %dma_start3A_311 = tpu.memref_slice %arg10[%mul3A_309, %dma_start3A_310] : memref<1536x512xf32, #tpu.memory_space<vmem_shared>> -> memref<32x512xf32, #tpu.memory_space<vmem_shared>>
    %dma_start3A_312 = arith.constant 0 : i32
    %dma_start3A_313 = tpu.memref_slice %arg10[%mul3A_309, %dma_start3A_312] : memref<1536x512xf32, #tpu.memory_space<vmem_shared>> -> memref<32x512xf32, #tpu.memory_space<vmem_shared>>
    tpu.enqueue_dma source(%arg8 : memref<32x512xf32, #tpu.memory_space<vmem>>) target(%dma_start3A_313 : memref<32x512xf32, #tpu.memory_space<vmem_shared>>) target_semaphore(%arg17 : memref<!tpu.dma_semaphore, #tpu.memory_space<semaphore_mem>>)
    %mul3A_314 = arith.constant 3 : i32
    %mul3A_315 = arith.muli %arg1, %mul3A_314 : i32
    %add3A_316 = arith.constant 2 : i32
    %add3A_317 = arith.addi %mul3A_315, %add3A_316 : i32
    %mul3A_318 = arith.constant 32 : i32
    %mul3A_319 = arith.muli %add3A_317, %mul3A_318 : i32
    %dma_wait3A_320 = arith.constant 0 : i32
    %dma_wait3A_321 = tpu.memref_slice %arg10[%mul3A_319, %dma_wait3A_320] : memref<1536x512xf32, #tpu.memory_space<vmem_shared>> -> memref<32x512xf32, #tpu.memory_space<vmem_shared>>
    %dma_wait3A_322 = arith.constant 0 : i32
    %dma_wait3A_323 = tpu.memref_slice %arg10[%mul3A_319, %dma_wait3A_322] : memref<1536x512xf32, #tpu.memory_space<vmem_shared>> -> memref<32x512xf32, #tpu.memory_space<vmem_shared>>
    tpu.wait_dma2 semaphore(%arg16 : memref<!tpu.dma_semaphore, #tpu.memory_space<semaphore_mem>>) src(%arg7 : memref<32x512xf32, #tpu.memory_space<vmem>>) dst(%dma_wait3A_323 : memref<32x512xf32, #tpu.memory_space<vmem_shared>>)
    %mul3A_324 = arith.constant 3 : i32
    %mul3A_325 = arith.muli %arg1, %mul3A_324 : i32
    %add3A_326 = arith.constant 2 : i32
    %add3A_327 = arith.addi %mul3A_325, %add3A_326 : i32
    %mul3A_328 = arith.constant 32 : i32
    %mul3A_329 = arith.muli %add3A_327, %mul3A_328 : i32
    %add3A_330 = arith.constant 4384 : i32
    %add3A_331 = arith.addi %mul3A_2, %add3A_330 : i32
    %dma_start3A_332 = arith.constant 0 : i32
    %dma_start3A_333 = tpu.memref_slice %arg4[%add3A_331, %dma_start3A_332] : memref<147456x512xf32, #tpu.memory_space<hbm>> -> memref<32x512xf32, #tpu.memory_space<hbm>>
    %dma_start3A_334 = arith.constant 0 : i32
    %dma_start3A_335 = tpu.memref_slice %arg10[%mul3A_329, %dma_start3A_334] : memref<1536x512xf32, #tpu.memory_space<vmem_shared>> -> memref<32x512xf32, #tpu.memory_space<vmem_shared>>
    tpu.enqueue_dma source(%dma_start3A_335 : memref<32x512xf32, #tpu.memory_space<vmem_shared>>) target(%dma_start3A_333 : memref<32x512xf32, #tpu.memory_space<hbm>>) target_semaphore(%arg21 : memref<!tpu.dma_semaphore, #tpu.memory_space<semaphore_mem>>)
    %dma_start3A_336 = arith.constant 4512 : i32
    %dma_start3A_337 = tpu.memref_slice %arg5[%dma_start3A_336] : memref<4608xi32, #tpu.memory_space<vmem>> -> memref<32xi32, #tpu.memory_space<vmem>>
    %dma_start3A_338 = arith.constant 0 : i32
    %dma_start3A_339 = arith.constant 0 : i32
    %dma_start3A_340 = tpu.memref_slice %arg3[%dma_start3A_338, %dma_start3A_339] : memref<8192x512xf32, #tpu.memory_space<hbm>> -> memref<8192x512xf32, #tpu.memory_space<hbm>>
    tpu.enqueue_indirect_dma source(%dma_start3A_340 : memref<8192x512xf32, #tpu.memory_space<hbm>>) target(%arg7 : memref<32x512xf32, #tpu.memory_space<vmem>>) offsets(%dma_start3A_337 : memref<32xi32, #tpu.memory_space<vmem>>) semaphore(%arg12 : memref<!tpu.dma_semaphore, #tpu.memory_space<semaphore_mem>>)
    %dma_wait3A_341 = arith.constant 4448 : i32
    %dma_wait3A_342 = tpu.memref_slice %arg5[%dma_wait3A_341] : memref<4608xi32, #tpu.memory_space<vmem>> -> memref<32xi32, #tpu.memory_space<vmem>>
    %dma_wait3A_343 = arith.constant 0 : i32
    %dma_wait3A_344 = arith.constant 0 : i32
    %dma_wait3A_345 = tpu.memref_slice %arg3[%dma_wait3A_343, %dma_wait3A_344] : memref<8192x512xf32, #tpu.memory_space<hbm>> -> memref<8192x512xf32, #tpu.memory_space<hbm>>
    tpu.wait_indirect_dma semaphore(%arg14 : memref<!tpu.dma_semaphore, #tpu.memory_space<semaphore_mem>>) src(%dma_wait3A_345 : memref<8192x512xf32, #tpu.memory_space<hbm>>) dst(%arg9 : memref<32x512xf32, #tpu.memory_space<vmem>>)
    %mul3A_346 = arith.constant 3 : i32
    %mul3A_347 = arith.muli %arg1, %mul3A_346 : i32
    %add3A_348 = arith.constant 1 : i32
    %add3A_349 = arith.addi %mul3A_347, %add3A_348 : i32
    %mul3A_350 = arith.constant 32 : i32
    %mul3A_351 = arith.muli %add3A_349, %mul3A_350 : i32
    %add3A_352 = arith.constant 4352 : i32
    %add3A_353 = arith.addi %mul3A_2, %add3A_352 : i32
    %dma_wait3A_354 = arith.constant 0 : i32
    %dma_wait3A_355 = tpu.memref_slice %arg4[%add3A_353, %dma_wait3A_354] : memref<147456x512xf32, #tpu.memory_space<hbm>> -> memref<32x512xf32, #tpu.memory_space<hbm>>
    %dma_wait3A_356 = arith.constant 0 : i32
    %dma_wait3A_357 = tpu.memref_slice %arg10[%mul3A_351, %dma_wait3A_356] : memref<1536x512xf32, #tpu.memory_space<vmem_shared>> -> memref<32x512xf32, #tpu.memory_space<vmem_shared>>
    tpu.wait_dma2 semaphore(%arg20 : memref<!tpu.dma_semaphore, #tpu.memory_space<semaphore_mem>>) src(%dma_wait3A_357 : memref<32x512xf32, #tpu.memory_space<vmem_shared>>) dst(%dma_wait3A_355 : memref<32x512xf32, #tpu.memory_space<hbm>>)
    %mul3A_358 = arith.constant 3 : i32
    %mul3A_359 = arith.muli %arg1, %mul3A_358 : i32
    %add3A_360 = arith.constant 1 : i32
    %add3A_361 = arith.addi %mul3A_359, %add3A_360 : i32
    %mul3A_362 = arith.constant 32 : i32
    %mul3A_363 = arith.muli %add3A_361, %mul3A_362 : i32
    %dma_start3A_364 = arith.constant 0 : i32
    %dma_start3A_365 = tpu.memref_slice %arg10[%mul3A_363, %dma_start3A_364] : memref<1536x512xf32, #tpu.memory_space<vmem_shared>> -> memref<32x512xf32, #tpu.memory_space<vmem_shared>>
    %dma_start3A_366 = arith.constant 0 : i32
    %dma_start3A_367 = tpu.memref_slice %arg10[%mul3A_363, %dma_start3A_366] : memref<1536x512xf32, #tpu.memory_space<vmem_shared>> -> memref<32x512xf32, #tpu.memory_space<vmem_shared>>
    tpu.enqueue_dma source(%arg9 : memref<32x512xf32, #tpu.memory_space<vmem>>) target(%dma_start3A_367 : memref<32x512xf32, #tpu.memory_space<vmem_shared>>) target_semaphore(%arg18 : memref<!tpu.dma_semaphore, #tpu.memory_space<semaphore_mem>>)
    %mul3A_368 = arith.constant 3 : i32
    %mul3A_369 = arith.muli %arg1, %mul3A_368 : i32
    %add3A_370 = arith.constant 0 : i32
    %add3A_371 = arith.addi %mul3A_369, %add3A_370 : i32
    %mul3A_372 = arith.constant 32 : i32
    %mul3A_373 = arith.muli %add3A_371, %mul3A_372 : i32
    %dma_wait3A_374 = arith.constant 0 : i32
    %dma_wait3A_375 = tpu.memref_slice %arg10[%mul3A_373, %dma_wait3A_374] : memref<1536x512xf32, #tpu.memory_space<vmem_shared>> -> memref<32x512xf32, #tpu.memory_space<vmem_shared>>
    %dma_wait3A_376 = arith.constant 0 : i32
    %dma_wait3A_377 = tpu.memref_slice %arg10[%mul3A_373, %dma_wait3A_376] : memref<1536x512xf32, #tpu.memory_space<vmem_shared>> -> memref<32x512xf32, #tpu.memory_space<vmem_shared>>
    tpu.wait_dma2 semaphore(%arg17 : memref<!tpu.dma_semaphore, #tpu.memory_space<semaphore_mem>>) src(%arg8 : memref<32x512xf32, #tpu.memory_space<vmem>>) dst(%dma_wait3A_377 : memref<32x512xf32, #tpu.memory_space<vmem_shared>>)
    %mul3A_378 = arith.constant 3 : i32
    %mul3A_379 = arith.muli %arg1, %mul3A_378 : i32
    %add3A_380 = arith.constant 0 : i32
    %add3A_381 = arith.addi %mul3A_379, %add3A_380 : i32
    %mul3A_382 = arith.constant 32 : i32
    %mul3A_383 = arith.muli %add3A_381, %mul3A_382 : i32
    %add3A_384 = arith.constant 4416 : i32
    %add3A_385 = arith.addi %mul3A_2, %add3A_384 : i32
    %dma_start3A_386 = arith.constant 0 : i32
    %dma_start3A_387 = tpu.memref_slice %arg4[%add3A_385, %dma_start3A_386] : memref<147456x512xf32, #tpu.memory_space<hbm>> -> memref<32x512xf32, #tpu.memory_space<hbm>>
    %dma_start3A_388 = arith.constant 0 : i32
    %dma_start3A_389 = tpu.memref_slice %arg10[%mul3A_383, %dma_start3A_388] : memref<1536x512xf32, #tpu.memory_space<vmem_shared>> -> memref<32x512xf32, #tpu.memory_space<vmem_shared>>
    tpu.enqueue_dma source(%dma_start3A_389 : memref<32x512xf32, #tpu.memory_space<vmem_shared>>) target(%dma_start3A_387 : memref<32x512xf32, #tpu.memory_space<hbm>>) target_semaphore(%arg19 : memref<!tpu.dma_semaphore, #tpu.memory_space<semaphore_mem>>)
    %dma_start3A_390 = arith.constant 4544 : i32
    %dma_start3A_391 = tpu.memref_slice %arg5[%dma_start3A_390] : memref<4608xi32, #tpu.memory_space<vmem>> -> memref<32xi32, #tpu.memory_space<vmem>>
    %dma_start3A_392 = arith.constant 0 : i32
    %dma_start3A_393 = arith.constant 0 : i32
    %dma_start3A_394 = tpu.memref_slice %arg3[%dma_start3A_392, %dma_start3A_393] : memref<8192x512xf32, #tpu.memory_space<hbm>> -> memref<8192x512xf32, #tpu.memory_space<hbm>>
    tpu.enqueue_indirect_dma source(%dma_start3A_394 : memref<8192x512xf32, #tpu.memory_space<hbm>>) target(%arg8 : memref<32x512xf32, #tpu.memory_space<vmem>>) offsets(%dma_start3A_391 : memref<32xi32, #tpu.memory_space<vmem>>) semaphore(%arg13 : memref<!tpu.dma_semaphore, #tpu.memory_space<semaphore_mem>>)
    %dma_wait3A_395 = arith.constant 4480 : i32
    %dma_wait3A_396 = tpu.memref_slice %arg5[%dma_wait3A_395] : memref<4608xi32, #tpu.memory_space<vmem>> -> memref<32xi32, #tpu.memory_space<vmem>>
    %dma_wait3A_397 = arith.constant 0 : i32
    %dma_wait3A_398 = arith.constant 0 : i32
    %dma_wait3A_399 = tpu.memref_slice %arg3[%dma_wait3A_397, %dma_wait3A_398] : memref<8192x512xf32, #tpu.memory_space<hbm>> -> memref<8192x512xf32, #tpu.memory_space<hbm>>
    tpu.wait_indirect_dma semaphore(%arg11 : memref<!tpu.dma_semaphore, #tpu.memory_space<semaphore_mem>>) src(%dma_wait3A_399 : memref<8192x512xf32, #tpu.memory_space<hbm>>) dst(%arg6 : memref<32x512xf32, #tpu.memory_space<vmem>>)
    %mul3A_400 = arith.constant 3 : i32
    %mul3A_401 = arith.muli %arg1, %mul3A_400 : i32
    %add3A_402 = arith.constant 2 : i32
    %add3A_403 = arith.addi %mul3A_401, %add3A_402 : i32
    %mul3A_404 = arith.constant 32 : i32
    %mul3A_405 = arith.muli %add3A_403, %mul3A_404 : i32
    %add3A_406 = arith.constant 4384 : i32
    %add3A_407 = arith.addi %mul3A_2, %add3A_406 : i32
    %dma_wait3A_408 = arith.constant 0 : i32
    %dma_wait3A_409 = tpu.memref_slice %arg4[%add3A_407, %dma_wait3A_408] : memref<147456x512xf32, #tpu.memory_space<hbm>> -> memref<32x512xf32, #tpu.memory_space<hbm>>
    %dma_wait3A_410 = arith.constant 0 : i32
    %dma_wait3A_411 = tpu.memref_slice %arg10[%mul3A_405, %dma_wait3A_410] : memref<1536x512xf32, #tpu.memory_space<vmem_shared>> -> memref<32x512xf32, #tpu.memory_space<vmem_shared>>
    tpu.wait_dma2 semaphore(%arg21 : memref<!tpu.dma_semaphore, #tpu.memory_space<semaphore_mem>>) src(%dma_wait3A_411 : memref<32x512xf32, #tpu.memory_space<vmem_shared>>) dst(%dma_wait3A_409 : memref<32x512xf32, #tpu.memory_space<hbm>>)
    %mul3A_412 = arith.constant 3 : i32
    %mul3A_413 = arith.muli %arg1, %mul3A_412 : i32
    %add3A_414 = arith.constant 2 : i32
    %add3A_415 = arith.addi %mul3A_413, %add3A_414 : i32
    %mul3A_416 = arith.constant 32 : i32
    %mul3A_417 = arith.muli %add3A_415, %mul3A_416 : i32
    %dma_start3A_418 = arith.constant 0 : i32
    %dma_start3A_419 = tpu.memref_slice %arg10[%mul3A_417, %dma_start3A_418] : memref<1536x512xf32, #tpu.memory_space<vmem_shared>> -> memref<32x512xf32, #tpu.memory_space<vmem_shared>>
    %dma_start3A_420 = arith.constant 0 : i32
    %dma_start3A_421 = tpu.memref_slice %arg10[%mul3A_417, %dma_start3A_420] : memref<1536x512xf32, #tpu.memory_space<vmem_shared>> -> memref<32x512xf32, #tpu.memory_space<vmem_shared>>
    tpu.enqueue_dma source(%arg6 : memref<32x512xf32, #tpu.memory_space<vmem>>) target(%dma_start3A_421 : memref<32x512xf32, #tpu.memory_space<vmem_shared>>) target_semaphore(%arg15 : memref<!tpu.dma_semaphore, #tpu.memory_space<semaphore_mem>>)
    %mul3A_422 = arith.constant 3 : i32
    %mul3A_423 = arith.muli %arg1, %mul3A_422 : i32
    %add3A_424 = arith.constant 1 : i32
    %add3A_425 = arith.addi %mul3A_423, %add3A_424 : i32
    %mul3A_426 = arith.constant 32 : i32
    %mul3A_427 = arith.muli %add3A_425, %mul3A_426 : i32
    %dma_wait3A_428 = arith.constant 0 : i32
    %dma_wait3A_429 = tpu.memref_slice %arg10[%mul3A_427, %dma_wait3A_428] : memref<1536x512xf32, #tpu.memory_space<vmem_shared>> -> memref<32x512xf32, #tpu.memory_space<vmem_shared>>
    %dma_wait3A_430 = arith.constant 0 : i32
    %dma_wait3A_431 = tpu.memref_slice %arg10[%mul3A_427, %dma_wait3A_430] : memref<1536x512xf32, #tpu.memory_space<vmem_shared>> -> memref<32x512xf32, #tpu.memory_space<vmem_shared>>
    tpu.wait_dma2 semaphore(%arg18 : memref<!tpu.dma_semaphore, #tpu.memory_space<semaphore_mem>>) src(%arg9 : memref<32x512xf32, #tpu.memory_space<vmem>>) dst(%dma_wait3A_431 : memref<32x512xf32, #tpu.memory_space<vmem_shared>>)
    %mul3A_432 = arith.constant 3 : i32
    %mul3A_433 = arith.muli %arg1, %mul3A_432 : i32
    %add3A_434 = arith.constant 1 : i32
    %add3A_435 = arith.addi %mul3A_433, %add3A_434 : i32
    %mul3A_436 = arith.constant 32 : i32
    %mul3A_437 = arith.muli %add3A_435, %mul3A_436 : i32
    %add3A_438 = arith.constant 4448 : i32
    %add3A_439 = arith.addi %mul3A_2, %add3A_438 : i32
    %dma_start3A_440 = arith.constant 0 : i32
    %dma_start3A_441 = tpu.memref_slice %arg4[%add3A_439, %dma_start3A_440] : memref<147456x512xf32, #tpu.memory_space<hbm>> -> memref<32x512xf32, #tpu.memory_space<hbm>>
    %dma_start3A_442 = arith.constant 0 : i32
    %dma_start3A_443 = tpu.memref_slice %arg10[%mul3A_437, %dma_start3A_442] : memref<1536x512xf32, #tpu.memory_space<vmem_shared>> -> memref<32x512xf32, #tpu.memory_space<vmem_shared>>
    tpu.enqueue_dma source(%dma_start3A_443 : memref<32x512xf32, #tpu.memory_space<vmem_shared>>) target(%dma_start3A_441 : memref<32x512xf32, #tpu.memory_space<hbm>>) target_semaphore(%arg20 : memref<!tpu.dma_semaphore, #tpu.memory_space<semaphore_mem>>)
    %dma_start3A_444 = arith.constant 4576 : i32
    %dma_start3A_445 = tpu.memref_slice %arg5[%dma_start3A_444] : memref<4608xi32, #tpu.memory_space<vmem>> -> memref<32xi32, #tpu.memory_space<vmem>>
    %dma_start3A_446 = arith.constant 0 : i32
    %dma_start3A_447 = arith.constant 0 : i32
    %dma_start3A_448 = tpu.memref_slice %arg3[%dma_start3A_446, %dma_start3A_447] : memref<8192x512xf32, #tpu.memory_space<hbm>> -> memref<8192x512xf32, #tpu.memory_space<hbm>>
    tpu.enqueue_indirect_dma source(%dma_start3A_448 : memref<8192x512xf32, #tpu.memory_space<hbm>>) target(%arg9 : memref<32x512xf32, #tpu.memory_space<vmem>>) offsets(%dma_start3A_445 : memref<32xi32, #tpu.memory_space<vmem>>) semaphore(%arg14 : memref<!tpu.dma_semaphore, #tpu.memory_space<semaphore_mem>>)
    %dma_wait3A_449 = arith.constant 4512 : i32
    %dma_wait3A_450 = tpu.memref_slice %arg5[%dma_wait3A_449] : memref<4608xi32, #tpu.memory_space<vmem>> -> memref<32xi32, #tpu.memory_space<vmem>>
    %dma_wait3A_451 = arith.constant 0 : i32
    %dma_wait3A_452 = arith.constant 0 : i32
    %dma_wait3A_453 = tpu.memref_slice %arg3[%dma_wait3A_451, %dma_wait3A_452] : memref<8192x512xf32, #tpu.memory_space<hbm>> -> memref<8192x512xf32, #tpu.memory_space<hbm>>
    tpu.wait_indirect_dma semaphore(%arg12 : memref<!tpu.dma_semaphore, #tpu.memory_space<semaphore_mem>>) src(%dma_wait3A_453 : memref<8192x512xf32, #tpu.memory_space<hbm>>) dst(%arg7 : memref<32x512xf32, #tpu.memory_space<vmem>>)
    %mul3A_454 = arith.constant 3 : i32
    %mul3A_455 = arith.muli %arg1, %mul3A_454 : i32
    %add3A_456 = arith.constant 0 : i32
    %add3A_457 = arith.addi %mul3A_455, %add3A_456 : i32
    %mul3A_458 = arith.constant 32 : i32
    %mul3A_459 = arith.muli %add3A_457, %mul3A_458 : i32
    %add3A_460 = arith.constant 4416 : i32
    %add3A_461 = arith.addi %mul3A_2, %add3A_460 : i32
    %dma_wait3A_462 = arith.constant 0 : i32
    %dma_wait3A_463 = tpu.memref_slice %arg4[%add3A_461, %dma_wait3A_462] : memref<147456x512xf32, #tpu.memory_space<hbm>> -> memref<32x512xf32, #tpu.memory_space<hbm>>
    %dma_wait3A_464 = arith.constant 0 : i32
    %dma_wait3A_465 = tpu.memref_slice %arg10[%mul3A_459, %dma_wait3A_464] : memref<1536x512xf32, #tpu.memory_space<vmem_shared>> -> memref<32x512xf32, #tpu.memory_space<vmem_shared>>
    tpu.wait_dma2 semaphore(%arg19 : memref<!tpu.dma_semaphore, #tpu.memory_space<semaphore_mem>>) src(%dma_wait3A_465 : memref<32x512xf32, #tpu.memory_space<vmem_shared>>) dst(%dma_wait3A_463 : memref<32x512xf32, #tpu.memory_space<hbm>>)
    %mul3A_466 = arith.constant 3 : i32
    %mul3A_467 = arith.muli %arg1, %mul3A_466 : i32
    %add3A_468 = arith.constant 0 : i32
    %add3A_469 = arith.addi %mul3A_467, %add3A_468 : i32
    %mul3A_470 = arith.constant 32 : i32
    %mul3A_471 = arith.muli %add3A_469, %mul3A_470 : i32
    %dma_start3A_472 = arith.constant 0 : i32
    %dma_start3A_473 = tpu.memref_slice %arg10[%mul3A_471, %dma_start3A_472] : memref<1536x512xf32, #tpu.memory_space<vmem_shared>> -> memref<32x512xf32, #tpu.memory_space<vmem_shared>>
    %dma_start3A_474 = arith.constant 0 : i32
    %dma_start3A_475 = tpu.memref_slice %arg10[%mul3A_471, %dma_start3A_474] : memref<1536x512xf32, #tpu.memory_space<vmem_shared>> -> memref<32x512xf32, #tpu.memory_space<vmem_shared>>
    tpu.enqueue_dma source(%arg7 : memref<32x512xf32, #tpu.memory_space<vmem>>) target(%dma_start3A_475 : memref<32x512xf32, #tpu.memory_space<vmem_shared>>) target_semaphore(%arg16 : memref<!tpu.dma_semaphore, #tpu.memory_space<semaphore_mem>>)
    %mul3A_476 = arith.constant 3 : i32
    %mul3A_477 = arith.muli %arg1, %mul3A_476 : i32
    %add3A_478 = arith.constant 2 : i32
    %add3A_479 = arith.addi %mul3A_477, %add3A_478 : i32
    %mul3A_480 = arith.constant 32 : i32
    %mul3A_481 = arith.muli %add3A_479, %mul3A_480 : i32
    %dma_wait3A_482 = arith.constant 0 : i32
    %dma_wait3A_483 = tpu.memref_slice %arg10[%mul3A_481, %dma_wait3A_482] : memref<1536x512xf32, #tpu.memory_space<vmem_shared>> -> memref<32x512xf32, #tpu.memory_space<vmem_shared>>
    %dma_wait3A_484 = arith.constant 0 : i32
    %dma_wait3A_485 = tpu.memref_slice %arg10[%mul3A_481, %dma_wait3A_484] : memref<1536x512xf32, #tpu.memory_space<vmem_shared>> -> memref<32x512xf32, #tpu.memory_space<vmem_shared>>
    tpu.wait_dma2 semaphore(%arg15 : memref<!tpu.dma_semaphore, #tpu.memory_space<semaphore_mem>>) src(%arg6 : memref<32x512xf32, #tpu.memory_space<vmem>>) dst(%dma_wait3A_485 : memref<32x512xf32, #tpu.memory_space<vmem_shared>>)
    %mul3A_486 = arith.constant 3 : i32
    %mul3A_487 = arith.muli %arg1, %mul3A_486 : i32
    %add3A_488 = arith.constant 2 : i32
    %add3A_489 = arith.addi %mul3A_487, %add3A_488 : i32
    %mul3A_490 = arith.constant 32 : i32
    %mul3A_491 = arith.muli %add3A_489, %mul3A_490 : i32
    %add3A_492 = arith.constant 4480 : i32
    %add3A_493 = arith.addi %mul3A_2, %add3A_492 : i32
    %dma_start3A_494 = arith.constant 0 : i32
    %dma_start3A_495 = tpu.memref_slice %arg4[%add3A_493, %dma_start3A_494] : memref<147456x512xf32, #tpu.memory_space<hbm>> -> memref<32x512xf32, #tpu.memory_space<hbm>>
    %dma_start3A_496 = arith.constant 0 : i32
    %dma_start3A_497 = tpu.memref_slice %arg10[%mul3A_491, %dma_start3A_496] : memref<1536x512xf32, #tpu.memory_space<vmem_shared>> -> memref<32x512xf32, #tpu.memory_space<vmem_shared>>
    tpu.enqueue_dma source(%dma_start3A_497 : memref<32x512xf32, #tpu.memory_space<vmem_shared>>) target(%dma_start3A_495 : memref<32x512xf32, #tpu.memory_space<hbm>>) target_semaphore(%arg21 : memref<!tpu.dma_semaphore, #tpu.memory_space<semaphore_mem>>)
    %dma_wait3A_498 = arith.constant 4544 : i32
    %dma_wait3A_499 = tpu.memref_slice %arg5[%dma_wait3A_498] : memref<4608xi32, #tpu.memory_space<vmem>> -> memref<32xi32, #tpu.memory_space<vmem>>
    %dma_wait3A_500 = arith.constant 0 : i32
    %dma_wait3A_501 = arith.constant 0 : i32
    %dma_wait3A_502 = tpu.memref_slice %arg3[%dma_wait3A_500, %dma_wait3A_501] : memref<8192x512xf32, #tpu.memory_space<hbm>> -> memref<8192x512xf32, #tpu.memory_space<hbm>>
    tpu.wait_indirect_dma semaphore(%arg13 : memref<!tpu.dma_semaphore, #tpu.memory_space<semaphore_mem>>) src(%dma_wait3A_502 : memref<8192x512xf32, #tpu.memory_space<hbm>>) dst(%arg8 : memref<32x512xf32, #tpu.memory_space<vmem>>)
    %mul3A_503 = arith.constant 3 : i32
    %mul3A_504 = arith.muli %arg1, %mul3A_503 : i32
    %add3A_505 = arith.constant 1 : i32
    %add3A_506 = arith.addi %mul3A_504, %add3A_505 : i32
    %mul3A_507 = arith.constant 32 : i32
    %mul3A_508 = arith.muli %add3A_506, %mul3A_507 : i32
    %add3A_509 = arith.constant 4448 : i32
    %add3A_510 = arith.addi %mul3A_2, %add3A_509 : i32
    %dma_wait3A_511 = arith.constant 0 : i32
    %dma_wait3A_512 = tpu.memref_slice %arg4[%add3A_510, %dma_wait3A_511] : memref<147456x512xf32, #tpu.memory_space<hbm>> -> memref<32x512xf32, #tpu.memory_space<hbm>>
    %dma_wait3A_513 = arith.constant 0 : i32
    %dma_wait3A_514 = tpu.memref_slice %arg10[%mul3A_508, %dma_wait3A_513] : memref<1536x512xf32, #tpu.memory_space<vmem_shared>> -> memref<32x512xf32, #tpu.memory_space<vmem_shared>>
    tpu.wait_dma2 semaphore(%arg20 : memref<!tpu.dma_semaphore, #tpu.memory_space<semaphore_mem>>) src(%dma_wait3A_514 : memref<32x512xf32, #tpu.memory_space<vmem_shared>>) dst(%dma_wait3A_512 : memref<32x512xf32, #tpu.memory_space<hbm>>)
    %mul3A_515 = arith.constant 3 : i32
    %mul3A_516 = arith.muli %arg1, %mul3A_515 : i32
    %add3A_517 = arith.constant 1 : i32
    %add3A_518 = arith.addi %mul3A_516, %add3A_517 : i32
    %mul3A_519 = arith.constant 32 : i32
    %mul3A_520 = arith.muli %add3A_518, %mul3A_519 : i32
    %dma_start3A_521 = arith.constant 0 : i32
    %dma_start3A_522 = tpu.memref_slice %arg10[%mul3A_520, %dma_start3A_521] : memref<1536x512xf32, #tpu.memory_space<vmem_shared>> -> memref<32x512xf32, #tpu.memory_space<vmem_shared>>
    %dma_start3A_523 = arith.constant 0 : i32
    %dma_start3A_524 = tpu.memref_slice %arg10[%mul3A_520, %dma_start3A_523] : memref<1536x512xf32, #tpu.memory_space<vmem_shared>> -> memref<32x512xf32, #tpu.memory_space<vmem_shared>>
    tpu.enqueue_dma source(%arg8 : memref<32x512xf32, #tpu.memory_space<vmem>>) target(%dma_start3A_524 : memref<32x512xf32, #tpu.memory_space<vmem_shared>>) target_semaphore(%arg17 : memref<!tpu.dma_semaphore, #tpu.memory_space<semaphore_mem>>)
    %mul3A_525 = arith.constant 3 : i32
    %mul3A_526 = arith.muli %arg1, %mul3A_525 : i32
    %add3A_527 = arith.constant 0 : i32
    %add3A_528 = arith.addi %mul3A_526, %add3A_527 : i32
    %mul3A_529 = arith.constant 32 : i32
    %mul3A_530 = arith.muli %add3A_528, %mul3A_529 : i32
    %dma_wait3A_531 = arith.constant 0 : i32
    %dma_wait3A_532 = tpu.memref_slice %arg10[%mul3A_530, %dma_wait3A_531] : memref<1536x512xf32, #tpu.memory_space<vmem_shared>> -> memref<32x512xf32, #tpu.memory_space<vmem_shared>>
    %dma_wait3A_533 = arith.constant 0 : i32
    %dma_wait3A_534 = tpu.memref_slice %arg10[%mul3A_530, %dma_wait3A_533] : memref<1536x512xf32, #tpu.memory_space<vmem_shared>> -> memref<32x512xf32, #tpu.memory_space<vmem_shared>>
    tpu.wait_dma2 semaphore(%arg16 : memref<!tpu.dma_semaphore, #tpu.memory_space<semaphore_mem>>) src(%arg7 : memref<32x512xf32, #tpu.memory_space<vmem>>) dst(%dma_wait3A_534 : memref<32x512xf32, #tpu.memory_space<vmem_shared>>)
    %mul3A_535 = arith.constant 3 : i32
    %mul3A_536 = arith.muli %arg1, %mul3A_535 : i32
    %add3A_537 = arith.constant 0 : i32
    %add3A_538 = arith.addi %mul3A_536, %add3A_537 : i32
    %mul3A_539 = arith.constant 32 : i32
    %mul3A_540 = arith.muli %add3A_538, %mul3A_539 : i32
    %add3A_541 = arith.constant 4512 : i32
    %add3A_542 = arith.addi %mul3A_2, %add3A_541 : i32
    %dma_start3A_543 = arith.constant 0 : i32
    %dma_start3A_544 = tpu.memref_slice %arg4[%add3A_542, %dma_start3A_543] : memref<147456x512xf32, #tpu.memory_space<hbm>> -> memref<32x512xf32, #tpu.memory_space<hbm>>
    %dma_start3A_545 = arith.constant 0 : i32
    %dma_start3A_546 = tpu.memref_slice %arg10[%mul3A_540, %dma_start3A_545] : memref<1536x512xf32, #tpu.memory_space<vmem_shared>> -> memref<32x512xf32, #tpu.memory_space<vmem_shared>>
    tpu.enqueue_dma source(%dma_start3A_546 : memref<32x512xf32, #tpu.memory_space<vmem_shared>>) target(%dma_start3A_544 : memref<32x512xf32, #tpu.memory_space<hbm>>) target_semaphore(%arg19 : memref<!tpu.dma_semaphore, #tpu.memory_space<semaphore_mem>>)
    %dma_wait3A_547 = arith.constant 4576 : i32
    %dma_wait3A_548 = tpu.memref_slice %arg5[%dma_wait3A_547] : memref<4608xi32, #tpu.memory_space<vmem>> -> memref<32xi32, #tpu.memory_space<vmem>>
    %dma_wait3A_549 = arith.constant 0 : i32
    %dma_wait3A_550 = arith.constant 0 : i32
    %dma_wait3A_551 = tpu.memref_slice %arg3[%dma_wait3A_549, %dma_wait3A_550] : memref<8192x512xf32, #tpu.memory_space<hbm>> -> memref<8192x512xf32, #tpu.memory_space<hbm>>
    tpu.wait_indirect_dma semaphore(%arg14 : memref<!tpu.dma_semaphore, #tpu.memory_space<semaphore_mem>>) src(%dma_wait3A_551 : memref<8192x512xf32, #tpu.memory_space<hbm>>) dst(%arg9 : memref<32x512xf32, #tpu.memory_space<vmem>>)
    %mul3A_552 = arith.constant 3 : i32
    %mul3A_553 = arith.muli %arg1, %mul3A_552 : i32
    %add3A_554 = arith.constant 2 : i32
    %add3A_555 = arith.addi %mul3A_553, %add3A_554 : i32
    %mul3A_556 = arith.constant 32 : i32
    %mul3A_557 = arith.muli %add3A_555, %mul3A_556 : i32
    %add3A_558 = arith.constant 4480 : i32
    %add3A_559 = arith.addi %mul3A_2, %add3A_558 : i32
    %dma_wait3A_560 = arith.constant 0 : i32
    %dma_wait3A_561 = tpu.memref_slice %arg4[%add3A_559, %dma_wait3A_560] : memref<147456x512xf32, #tpu.memory_space<hbm>> -> memref<32x512xf32, #tpu.memory_space<hbm>>
    %dma_wait3A_562 = arith.constant 0 : i32
    %dma_wait3A_563 = tpu.memref_slice %arg10[%mul3A_557, %dma_wait3A_562] : memref<1536x512xf32, #tpu.memory_space<vmem_shared>> -> memref<32x512xf32, #tpu.memory_space<vmem_shared>>
    tpu.wait_dma2 semaphore(%arg21 : memref<!tpu.dma_semaphore, #tpu.memory_space<semaphore_mem>>) src(%dma_wait3A_563 : memref<32x512xf32, #tpu.memory_space<vmem_shared>>) dst(%dma_wait3A_561 : memref<32x512xf32, #tpu.memory_space<hbm>>)
    %mul3A_564 = arith.constant 3 : i32
    %mul3A_565 = arith.muli %arg1, %mul3A_564 : i32
    %add3A_566 = arith.constant 2 : i32
    %add3A_567 = arith.addi %mul3A_565, %add3A_566 : i32
    %mul3A_568 = arith.constant 32 : i32
    %mul3A_569 = arith.muli %add3A_567, %mul3A_568 : i32
    %dma_start3A_570 = arith.constant 0 : i32
    %dma_start3A_571 = tpu.memref_slice %arg10[%mul3A_569, %dma_start3A_570] : memref<1536x512xf32, #tpu.memory_space<vmem_shared>> -> memref<32x512xf32, #tpu.memory_space<vmem_shared>>
    %dma_start3A_572 = arith.constant 0 : i32
    %dma_start3A_573 = tpu.memref_slice %arg10[%mul3A_569, %dma_start3A_572] : memref<1536x512xf32, #tpu.memory_space<vmem_shared>> -> memref<32x512xf32, #tpu.memory_space<vmem_shared>>
    tpu.enqueue_dma source(%arg9 : memref<32x512xf32, #tpu.memory_space<vmem>>) target(%dma_start3A_573 : memref<32x512xf32, #tpu.memory_space<vmem_shared>>) target_semaphore(%arg18 : memref<!tpu.dma_semaphore, #tpu.memory_space<semaphore_mem>>)
    %mul3A_574 = arith.constant 3 : i32
    %mul3A_575 = arith.muli %arg1, %mul3A_574 : i32
    %add3A_576 = arith.constant 1 : i32
    %add3A_577 = arith.addi %mul3A_575, %add3A_576 : i32
    %mul3A_578 = arith.constant 32 : i32
    %mul3A_579 = arith.muli %add3A_577, %mul3A_578 : i32
    %dma_wait3A_580 = arith.constant 0 : i32
    %dma_wait3A_581 = tpu.memref_slice %arg10[%mul3A_579, %dma_wait3A_580] : memref<1536x512xf32, #tpu.memory_space<vmem_shared>> -> memref<32x512xf32, #tpu.memory_space<vmem_shared>>
    %dma_wait3A_582 = arith.constant 0 : i32
    %dma_wait3A_583 = tpu.memref_slice %arg10[%mul3A_579, %dma_wait3A_582] : memref<1536x512xf32, #tpu.memory_space<vmem_shared>> -> memref<32x512xf32, #tpu.memory_space<vmem_shared>>
    tpu.wait_dma2 semaphore(%arg17 : memref<!tpu.dma_semaphore, #tpu.memory_space<semaphore_mem>>) src(%arg8 : memref<32x512xf32, #tpu.memory_space<vmem>>) dst(%dma_wait3A_583 : memref<32x512xf32, #tpu.memory_space<vmem_shared>>)
    %mul3A_584 = arith.constant 3 : i32
    %mul3A_585 = arith.muli %arg1, %mul3A_584 : i32
    %add3A_586 = arith.constant 1 : i32
    %add3A_587 = arith.addi %mul3A_585, %add3A_586 : i32
    %mul3A_588 = arith.constant 32 : i32
    %mul3A_589 = arith.muli %add3A_587, %mul3A_588 : i32
    %add3A_590 = arith.constant 4544 : i32
    %add3A_591 = arith.addi %mul3A_2, %add3A_590 : i32
    %dma_start3A_592 = arith.constant 0 : i32
    %dma_start3A_593 = tpu.memref_slice %arg4[%add3A_591, %dma_start3A_592] : memref<147456x512xf32, #tpu.memory_space<hbm>> -> memref<32x512xf32, #tpu.memory_space<hbm>>
    %dma_start3A_594 = arith.constant 0 : i32
    %dma_start3A_595 = tpu.memref_slice %arg10[%mul3A_589, %dma_start3A_594] : memref<1536x512xf32, #tpu.memory_space<vmem_shared>> -> memref<32x512xf32, #tpu.memory_space<vmem_shared>>
    tpu.enqueue_dma source(%dma_start3A_595 : memref<32x512xf32, #tpu.memory_space<vmem_shared>>) target(%dma_start3A_593 : memref<32x512xf32, #tpu.memory_space<hbm>>) target_semaphore(%arg20 : memref<!tpu.dma_semaphore, #tpu.memory_space<semaphore_mem>>)
    %mul3A_596 = arith.constant 3 : i32
    %mul3A_597 = arith.muli %arg1, %mul3A_596 : i32
    %add3A_598 = arith.constant 2 : i32
    %add3A_599 = arith.addi %mul3A_597, %add3A_598 : i32
    %mul3A_600 = arith.constant 32 : i32
    %mul3A_601 = arith.muli %add3A_599, %mul3A_600 : i32
    %dma_wait3A_602 = arith.constant 0 : i32
    %dma_wait3A_603 = tpu.memref_slice %arg10[%mul3A_601, %dma_wait3A_602] : memref<1536x512xf32, #tpu.memory_space<vmem_shared>> -> memref<32x512xf32, #tpu.memory_space<vmem_shared>>
    %dma_wait3A_604 = arith.constant 0 : i32
    %dma_wait3A_605 = tpu.memref_slice %arg10[%mul3A_601, %dma_wait3A_604] : memref<1536x512xf32, #tpu.memory_space<vmem_shared>> -> memref<32x512xf32, #tpu.memory_space<vmem_shared>>
    tpu.wait_dma2 semaphore(%arg18 : memref<!tpu.dma_semaphore, #tpu.memory_space<semaphore_mem>>) src(%arg9 : memref<32x512xf32, #tpu.memory_space<vmem>>) dst(%dma_wait3A_605 : memref<32x512xf32, #tpu.memory_space<vmem_shared>>)
    %mul3A_606 = arith.constant 3 : i32
    %mul3A_607 = arith.muli %arg1, %mul3A_606 : i32
    %add3A_608 = arith.constant 2 : i32
    %add3A_609 = arith.addi %mul3A_607, %add3A_608 : i32
    %mul3A_610 = arith.constant 32 : i32
    %mul3A_611 = arith.muli %add3A_609, %mul3A_610 : i32
    %add3A_612 = arith.constant 4576 : i32
    %add3A_613 = arith.addi %mul3A_2, %add3A_612 : i32
    %dma_start3A_614 = arith.constant 0 : i32
    %dma_start3A_615 = tpu.memref_slice %arg4[%add3A_613, %dma_start3A_614] : memref<147456x512xf32, #tpu.memory_space<hbm>> -> memref<32x512xf32, #tpu.memory_space<hbm>>
    %dma_start3A_616 = arith.constant 0 : i32
    %dma_start3A_617 = tpu.memref_slice %arg10[%mul3A_611, %dma_start3A_616] : memref<1536x512xf32, #tpu.memory_space<vmem_shared>> -> memref<32x512xf32, #tpu.memory_space<vmem_shared>>
    tpu.enqueue_dma source(%dma_start3A_617 : memref<32x512xf32, #tpu.memory_space<vmem_shared>>) target(%dma_start3A_615 : memref<32x512xf32, #tpu.memory_space<hbm>>) target_semaphore(%arg21 : memref<!tpu.dma_semaphore, #tpu.memory_space<semaphore_mem>>)
    %mul3A_618 = arith.constant 3 : i32
    %mul3A_619 = arith.muli %arg1, %mul3A_618 : i32
    %add3A_620 = arith.constant 0 : i32
    %add3A_621 = arith.addi %mul3A_619, %add3A_620 : i32
    %mul3A_622 = arith.constant 32 : i32
    %mul3A_623 = arith.muli %add3A_621, %mul3A_622 : i32
    %add3A_624 = arith.constant 4512 : i32
    %add3A_625 = arith.addi %mul3A_2, %add3A_624 : i32
    %dma_wait3A_626 = arith.constant 0 : i32
    %dma_wait3A_627 = tpu.memref_slice %arg4[%add3A_625, %dma_wait3A_626] : memref<147456x512xf32, #tpu.memory_space<hbm>> -> memref<32x512xf32, #tpu.memory_space<hbm>>
    %dma_wait3A_628 = arith.constant 0 : i32
    %dma_wait3A_629 = tpu.memref_slice %arg10[%mul3A_623, %dma_wait3A_628] : memref<1536x512xf32, #tpu.memory_space<vmem_shared>> -> memref<32x512xf32, #tpu.memory_space<vmem_shared>>
    tpu.wait_dma2 semaphore(%arg19 : memref<!tpu.dma_semaphore, #tpu.memory_space<semaphore_mem>>) src(%dma_wait3A_629 : memref<32x512xf32, #tpu.memory_space<vmem_shared>>) dst(%dma_wait3A_627 : memref<32x512xf32, #tpu.memory_space<hbm>>)
    %mul3A_630 = arith.constant 3 : i32
    %mul3A_631 = arith.muli %arg1, %mul3A_630 : i32
    %add3A_632 = arith.constant 1 : i32
    %add3A_633 = arith.addi %mul3A_631, %add3A_632 : i32
    %mul3A_634 = arith.constant 32 : i32
    %mul3A_635 = arith.muli %add3A_633, %mul3A_634 : i32
    %add3A_636 = arith.constant 4544 : i32
    %add3A_637 = arith.addi %mul3A_2, %add3A_636 : i32
    %dma_wait3A_638 = arith.constant 0 : i32
    %dma_wait3A_639 = tpu.memref_slice %arg4[%add3A_637, %dma_wait3A_638] : memref<147456x512xf32, #tpu.memory_space<hbm>> -> memref<32x512xf32, #tpu.memory_space<hbm>>
    %dma_wait3A_640 = arith.constant 0 : i32
    %dma_wait3A_641 = tpu.memref_slice %arg10[%mul3A_635, %dma_wait3A_640] : memref<1536x512xf32, #tpu.memory_space<vmem_shared>> -> memref<32x512xf32, #tpu.memory_space<vmem_shared>>
    tpu.wait_dma2 semaphore(%arg20 : memref<!tpu.dma_semaphore, #tpu.memory_space<semaphore_mem>>) src(%dma_wait3A_641 : memref<32x512xf32, #tpu.memory_space<vmem_shared>>) dst(%dma_wait3A_639 : memref<32x512xf32, #tpu.memory_space<hbm>>)
    %mul3A_642 = arith.constant 3 : i32
    %mul3A_643 = arith.muli %arg1, %mul3A_642 : i32
    %add3A_644 = arith.constant 2 : i32
    %add3A_645 = arith.addi %mul3A_643, %add3A_644 : i32
    %mul3A_646 = arith.constant 32 : i32
    %mul3A_647 = arith.muli %add3A_645, %mul3A_646 : i32
    %add3A_648 = arith.constant 4576 : i32
    %add3A_649 = arith.addi %mul3A_2, %add3A_648 : i32
    %dma_wait3A_650 = arith.constant 0 : i32
    %dma_wait3A_651 = tpu.memref_slice %arg4[%add3A_649, %dma_wait3A_650] : memref<147456x512xf32, #tpu.memory_space<hbm>> -> memref<32x512xf32, #tpu.memory_space<hbm>>
    %dma_wait3A_652 = arith.constant 0 : i32
    %dma_wait3A_653 = tpu.memref_slice %arg10[%mul3A_647, %dma_wait3A_652] : memref<1536x512xf32, #tpu.memory_space<vmem_shared>> -> memref<32x512xf32, #tpu.memory_space<vmem_shared>>
    tpu.wait_dma2 semaphore(%arg21 : memref<!tpu.dma_semaphore, #tpu.memory_space<semaphore_mem>>) src(%dma_wait3A_653 : memref<32x512xf32, #tpu.memory_space<vmem_shared>>) dst(%dma_wait3A_651 : memref<32x512xf32, #tpu.memory_space<hbm>>)
    return
  }
}

</mosaic_0001>

<sc_bundles>
// kernel: kernel.3.cloned.1.call-start
scs
__scs_entry_jumppad:
0x0: {  	(pc) =	sbr.rel $0x88, $3  }
0x1: {  	(tag) =	ssettag $0x0;
	lr =	simm.s32 $0x1  }
0x2: {  	[smem:$0x3F9F] =	sst lr;
	_ =	strace $0xD0000000  }
0x3: {  	_ = 	snop  }
0x4: {  	_ = 	snop  }
0x5: {  	_ = 	snop  }
0x6: {  	_ = 	snop  }
0x7: {  	_ = 	snop  }
__scs_overlays_trampoline_lowered:
0x8: {  	[smem:$0x3FAE] =	sst s0  }
0x9: {  	[smem:$0x3FAF] =	sst s1  }
0xa: {  	[smem:$0x3FB0] =	sst s2  }
0xb: {  	[smem:$0x3FB1] =	sst s3  }
0xc: {  	[smem:$0x3FB2] =	sst s4  }
0xd: {  	[smem:$0x3FB3] =	sst s5  }
0xe: {  	[smem:$0x3FB4] =	sst s6  }
0xf: {  	[smem:$0x3FB5] =	sst s7  }
0x10: {  	[smem:$0x3FB6] =	sst s8  }
0x11: {  	[smem:$0x3FB7] =	sst s9;
	s0 =	simm.s32 @!p0 $0x0  }
0x12: {  	s1 =	sld [smem:$0x3F9D];
	s0 =	simm.s32 @p0 $0x1  }
0x13: {  	[smem:$0x3FB8] =	sst s0;
	s0 =	simm.s32 @!p1 $0x0  }
0x14: {  	s2 =	sld [smem:$0x3F9C];
	s0 =	simm.s32 @p1 $0x1  }
0x15: {  	[smem:$0x3FB9] =	sst s0;
	s0 =	simm.s32 @!p2 $0x0  }
0x16: {  	s3 =	sld [smem:$0x3FDB];
	s0 =	simm.s32 @p2 $0x1  }
0x17: {  	s4 =	simm.s32 $0x1BF5;
	[smem:$0x3FBB] =	sst s0  }
0x18: {  	s0 =	sld [smem:$0x3F9E];
	_ =	swait.ge [sflag:s4], $0x0  }
0x19: {  	s7 =	sld [smem:$0x3F9F]  }
0x1a: {  	s8 =	sadd.s32 $0xFFFFE003, lr  }
0x1b: {  	s9 =	sadd.s32 $0xFFFFFEF7, lr;
	s5 =	simm.s32 $0xFFFFFFFF;
	p2 =	slt.u32 s8, $0xFFFFF086  }
0x1c: {  	p1 =	slt.u32 s9, $0xF7A;
	s5 =	simm.s32 @!p2 $0x0  }
0x1d: {  	s5 =	simm.s32 @p1 $0x1;
	p0 =	seq.s32 s7, s2  }
0x1e: {  	s7 =	smul.u32 @!p0 $0xF7A, s2;
	p2 =	seq.s32 @!p0 s5, $0x0  }
0x1f: {  	s9 =	smul.u32 $0xF7A, s1;
	s8 =	simm.s32 @!p0 $0x1BF5;
	p2 =	por !p2, p0  }
0x20: {  	[sflag:s8] =	ssyncset.s32 @!p0 $0xFFFFF086;
	s6 =	sadd.s32 @!p0 s3, s7;
	s7 =	simm.s32 @!p0 $0x108  }
0x21: {  	s3 =	sadd.s32 s3, s9;
	s6 =	sadd.s32 @!p0 $0x88, s6;
	s7 =	simm.s32 @p2 $0x1082  }
0x22: {  	[simem:s7], [sflag:s8] =	dma.local @!p0 [hbm:s6], $0xF7A  }
0x23: {  	s9 =	sor.u32 $0xD0000000, s2;
	s6 =	simm.s32 $0x108;
	_ =	swait.ge @!p0 [sflag:s8], $0x0  }
0x24: {  	s3 =	sadd.s32 $0x88, s3;
	s6 =	simm.s32 @!p1 $0x1082;
	[sflag:s4] =	ssyncset.s32 $0xFFFFF086  }
0x25: {  	[simem:s6], [sflag:s4] =	dma.local [hbm:s3], $0xF7A  }
0x26: {  	[smem:$0x3F9F] =	sst s1;
	(tag) =	ssettag s2;
	_ =	strace s9  }
0x27: {  	s1 =	sld [smem:$0x3FAF]  }
0x28: {  	s2 =	sld [smem:$0x3FB0]  }
0x29: {  	s4 =	sld [smem:$0x3FB2]  }
0x2a: {  	p0 =	seq.s32 s5, $0x0;
	s5 =	sld [smem:$0x3FB3]  }
0x2b: {  	s6 =	sld [smem:$0x3FB4]  }
0x2c: {  	s7 =	sld [smem:$0x3FB5]  }
0x2d: {  	s3 =	simm.s32 $0x108;
	s8 =	sld [smem:$0x3FB6]  }
0x2e: {  	s3 =	simm.s32 @!p0 $0x1082;
	s9 =	sld [smem:$0x3FB7]  }
0x2f: {  	lr =	sadd.s32 s0, s3;
	s0 =	sld [smem:$0x3FAE]  }
0x30: {  	s3 =	sld [smem:$0x3FB1]  }
0x31: {  	[smem:$0x3FBA] =	sst s10  }
0x32: {  	s10 =	sld [smem:$0x3FB8];
	_ =	sdelay $0x3  }
0x33: {  	p0 =	seq.s32 s10, $0x1;
	s10 =	sld [smem:$0x3FBA];
	_ =	sdelay $0x3  }
0x34: {  	[smem:$0x3FBA] =	sst s10  }
0x35: {  	s10 =	sld [smem:$0x3FB9];
	_ =	sdelay $0x3  }
0x36: {  	p1 =	seq.s32 s10, $0x1;
	s10 =	sld [smem:$0x3FBA];
	_ =	sdelay $0x3  }
0x37: {  	[smem:$0x3FBA] =	sst s10  }
0x38: {  	s10 =	sld [smem:$0x3FBB]  }
0x39: {  	_ = 	snop;
	(pc) =	sbr.ind lr, $3  }
0x3a: {  	_ = 	snop  }
0x3b: {  	_ = 	snop  }
0x3c: {  	p2 =	seq.s32 s10, $0x1;
	s10 =	sld [smem:$0x3FBA]  }
0x3d: {  	_ =	shalt  }
0x3e: {  	_ =	shalt  }
0x3f: {  	_ =	shalt  }
0x40: {  	_ =	shalt  }
0x41: {  	_ =	shalt  }
0x42: {  	_ =	shalt  }
0x43: {  	_ =	shalt  }
0x44: {  	_ =	shalt  }
0x45: {  	_ =	shalt  }
0x46: {  	_ =	shalt  }
0x47: {  	_ =	shalt  }
0x48: {  	_ =	shalt  }
0x49: {  	_ =	shalt  }
0x4a: {  	_ =	shalt  }
0x4b: {  	_ =	shalt  }
0x4c: {  	_ =	shalt  }
0x4d: {  	_ =	shalt  }
0x4e: {  	_ =	shalt  }
0x4f: {  	_ =	shalt  }
0x50: {  	_ =	shalt  }
0x51: {  	_ =	shalt  }
0x52: {  	_ =	shalt  }
0x53: {  	_ =	shalt  }
0x54: {  	_ =	shalt  }
0x55: {  	_ =	shalt  }
0x56: {  	_ =	shalt  }
0x57: {  	_ =	shalt  }
0x58: {  	_ =	shalt  }
0x59: {  	_ =	shalt  }
0x5a: {  	_ =	shalt  }
0x5b: {  	_ =	shalt  }
0x5c: {  	_ =	shalt  }
0x5d: {  	_ =	shalt  }
0x5e: {  	_ =	shalt  }
0x5f: {  	_ =	shalt  }
0x60: {  	_ =	shalt  }
0x61: {  	_ =	shalt  }
0x62: {  	_ =	shalt  }
0x63: {  	_ =	shalt  }
0x64: {  	_ =	shalt  }
0x65: {  	_ =	shalt  }
0x66: {  	_ =	shalt  }
0x67: {  	_ =	shalt  }
0x68: {  	_ =	shalt  }
0x69: {  	_ =	shalt  }
0x6a: {  	_ =	shalt  }
0x6b: {  	_ =	shalt  }
0x6c: {  	_ =	shalt  }
0x6d: {  	_ =	shalt  }
0x6e: {  	_ =	shalt  }
0x6f: {  	_ =	shalt  }
0x70: {  	_ =	shalt  }
0x71: {  	_ =	shalt  }
0x72: {  	_ =	shalt  }
0x73: {  	_ =	shalt  }
0x74: {  	_ =	shalt  }
0x75: {  	_ =	shalt  }
0x76: {  	_ =	shalt  }
0x77: {  	_ =	shalt  }
0x78: {  	_ =	shalt  }
0x79: {  	_ =	shalt  }
0x7a: {  	_ =	shalt  }
0x7b: {  	_ =	shalt  }
0x7c: {  	_ =	shalt  }
0x7d: {  	_ =	shalt  }
0x7e: {  	_ =	shalt  }
0x7f: {  	_ =	shalt  }
0x80: {  	_ =	shalt  }
0x81: {  	_ =	shalt  }
0x82: {  	_ =	shalt  }
0x83: {  	_ =	shalt  }
0x84: {  	_ =	shalt  }
0x85: {  	_ =	shalt  }
0x86: {  	_ =	shalt  }
0x87: {  	_ =	shalt  }
.Lfunc_end0:
.L_simem_size_0:
called_computation_lowered:
.L_overlay_start_0:
0x88: {  	s2 =	sld [smem:$0x3FD9]  }
0x89: {  	s3 =	sld [smem:$0x3FFE];
	_ =	sdelay $0x1  }
0x8a: {  	s1 =	srdreg.scid  }
0x8b: {  	s0 =	sand.u32 $0x1, s1  }
0x8c: {  	s17 =	sshll.u32 s0, $0xA;
	s2 =	sadd.s32 s3, s2  }
0x8d: {  	s2 =	sadd.s32 s2, s17  }
0x8e: {  	[smem:$0x3FC6] =	sst s2  }
0x8f: {  	_ = 	snop  }
0x90: {  	s2 =	sld [smem:$0x3FC8]  }
0x91: {  	s18 =	sld [smem:$0x3FD0];
	(tm) =	ssettm $0x1  }
0x92: {  	s4 =	sld [smem:$0x3FFB];
	_ =	sdelay $0x3  }
0x93: {  	_ =	strace s4  }
0x94: {  	s4 =	sld [smem:$0x3FFC];
	_ =	sdelay $0x3  }
0x95: {  	_ =	strace s4  }
0x96: {  	s4 =	sld [smem:$0x3FFD];
	_ =	sdelay $0x3  }
0x97: {  	_ =	strace s4  }
0x98: {  	_ =	strace $0x8FFFFFFF  }
0x99: {  	s19 =	sld [smem:$0x3FDB];
	_ =	sdelay $0x1  }
0x9a: {  	s5 =	simm.s32 $_scs_section_size  }
0x9b: {  	s6 =	simm.s32 $_size__tile_overlayer_lowered;
	s7 =	simm.s32 $_tile_overlayer_lowered  }
0x9c: {  	s22 =	simm.s32 $0x1BFF;
	s21 =	sshll.u32 s7, $0x1;
	s4 =	sadd.s32 s5, s19  }
0x9d: {  	s8 =	simm.s32 $0x0;
	s20 =	sshll.u32 s6, $0x1;
	s6 =	sadd.s32 s21, s4  }
0x9e: {  	[timem:s8], [sflag:s22] =	dma.local [hbm:s6], s20  }
0x9f: {  	_ =	swait.ge [sflag:s22], s20  }
0xa0: {  	s5 =	ssub.s32 $0x0, s20;
	[sflag:s22] =	ssyncset.done $0x0  }
0xa1: {  	[sflag:s22] =	ssyncadd.s32 s5;
	_ =	sdelay $0x1  }
0xa2: {  	s23 =	simm.s32 $0x1B8B  }
0xa3: {  	_ =	swait.ge [sflag:s23], $0x1  }
0xa4: {  	[sflag:s23] =	ssyncset.done $0x0  }
0xa5: {  	s25 =	simm.s32 $0x1B8E;
	s24 =	sld [smem:$0x3FFE];
	[sflag:s23] =	ssyncadd.s32 $0xFFFFFFFF  }
0xa6: {  	s26 =	simm.s32 $execute0_lowered;
	[smem:$0x3FD2] =	sst s25  }
0xa7: {  	s6 =	sshll.u32 s26, $0x1;
	_ =	strace $0x80000046;
	[dreg:$0x1] =	wrdreg $0xFFFFFFFF  }
0xa8: {  	s28 =	simm.s32 $_size_execute0_lowered;
	s4 =	sadd.s32 s4, s6;
	[dreg:$0x0] =	wrdreg $0x0  }
0xa9: {  	s6 =	sshll.u32 s28, $0x1;
	[dreg:$0x2] =	wrdreg s4  }
0xaa: {  	[dreg:$0x3] =	wrdreg s6  }
0xab: {  	[dreg:$0x4] =	wrdreg $0xC0  }
0xac: {  	_ =	task [dreg:s8], $0x5FFFF  }
0xad: {  	[dreg:$0x1] =	wrdreg $0xFFFFFFFF  }
0xae: {  	[dreg:$0x0] =	wrdreg $0x60  }
0xaf: {  	[dreg:$0x2] =	wrdreg s24  }
0xb0: {  	[dreg:$0x3] =	wrdreg s2  }
0xb1: {  	[dreg:$0x4] =	wrdreg s18  }
0xb2: {  	[dreg:$0x5] =	wrdreg $0x112000  }
0xb3: {  	[dreg:$0x6] =	wrdreg $0x9  }
0xb4: {  	_ =	task.clear_ibuf [dreg:s8], $0x7FFFF;
	_ =	strace $0x90000046  }
0xb5: {  	s29 =	simm.s32 $0x9;
	_ =	strace $0x80000048  }
0xb6: {  	_ =	swait.ge [sflag:s29], $0x1  }
0xb7: {  	[sflag:s29] =	ssyncadd.s32 $0xFFFFFFFF  }
0xb8: {  	_ =	strace $0x90000048  }
0xb9: {  	_ =	sfence  }
0xba: {  	s30 =	sld [smem:$0x0];
	_ =	sdelay $0x2  }
0xbb: {  	s31 =	sshll.u32 s1, $0xD;
	s1 =	sshrl.u32 s1, $0x2  }
0xbc: {  	s3 =	sand.u32 $0x4000, s31;
	s1 =	sadd.s32 s1, s30  }
0xbd: {  	s0 =	sor.u32 s3, s0;
	s1 =	sshll.u32 s1, $0x11  }
0xbe: {  	s0 =	sor.u32 s1, s0  }
0xbf: {  	s0 =	sadd.s32 $0x8F2B, s0  }
0xc0: {  	[sflag:s0] =	ssyncadd.remote.s32 $0x1  }
0xc1: {  	_ =	sfence.sel $0xFFFF  }
0xc2: {  	[dreg:$0x0] =	wrdreg $0xFFFFFFFF;
	(pc) =	sbr.abs _section_cstart, $3  }
0xc3: {  	[dreg:$0x1] =	wrdreg $0xFFFFFFFF  }
0xc4: {  	_ =	task.clear_ibuf [dreg:s8], $0x2FFFF;
	_ =	strace $0x9FFFFFFF  }
0xc5: {  	(tm) =	ssettm $0x7FFFFFFF  }
tec
execute0_lowered:
.L_overlay_start_1:
0x0: {  	(tag) =	ssettag $0x1  }
0x1: {  	s0 =	rddreg [dreg:$0x0]  }
0x2: {  	s1 =	rddreg [dreg:$0x1]  }
0x3: {  	s2 =	rddreg [dreg:$0x2]  }
0x4: {  	s3 =	srdreg.scid;
	s12 =	stileid.u32  }
0x5: {  	s4 =	rddreg [dreg:$0x3];
	s29 =	simm.s32 $0xBA00;
	s8 =	sand.u32 $0x1, s3  }
0x6: {  	s5 =	sshll.u32 s12, $0x1;
	s3 =	simm.s32 $0x0;
	s10 =	smul.u32 $0x30000, s12  }
0x7: {  	s5 =	sor.u32 s8, s5;
	[smem:$0x7FF] =	sst s3;
	s7 =	ssub.s32 $0x2, s8  }
0x8: {  	s6 =	smul.u32 $0x1200, s5;
	_ =	strace $0x80000047;
	s13 =	sshrl.u32 s10, $0x2  }
0x9: {  	s9 =	sshrl.u32 s7, $0x1;
	s14 =	smul.u32 $0x48000, s5;
	s15 =	sadd.s32 s13, s4  }
0xa: {  	s11 =	ssub.s32 s7, s9;
	s4 =	sadd.s32 $0x4000, s15;
	[dreg:$0x14] =	wrdreg s15  }
0xb: {  	s9 =	smul.u32 $0x240000, s5;
	s17 =	sadd.s32 s2, s14;
	[dreg:$0x15] =	wrdreg s4  }
0xc: {  	s6 =	sshrl.u32 s6, $0x3;
	s31 =	smax.u32 s11, $0x1;
	[dreg:$0x7] =	wrdreg s17  }
0xd: {  	s0 =	sadd.s32 s6, s0;
	s6 =	sadd.s32 $0x8000, s15;
	[dreg:$0x13] =	wrdreg s31  }
0xe: {  	s16 =	sshrl.u32 s9, $0x3;
	s0 =	sadd.s32 $0x400, s0;
	[dreg:$0x16] =	wrdreg s6  }
0xf: {  	s4 =	sadd.s32 $0x800, s17;
	[dreg:$0x6] =	wrdreg s0;
	s0 =	sadd.s32 s2, s16  }
0x10: {  	s30 =	simm.s32 $0x10A00;
	[dreg:$0x8] =	wrdreg s4;
	s18 =	sadd.s32 $0x43000, s0  }
0x11: {  	s21 =	smul.u32 $0x90000, s12;
	s19 =	sadd.s32 $0x43800, s0;
	[dreg:$0x9] =	wrdreg s18  }
0x12: {  	s12 =	simm.s32 $0x10200;
	s20 =	sadd.s32 $0x44000, s0;
	[dreg:$0xa] =	wrdreg s19  }
0x13: {  	s8 =	smul.u32 $0x48000, s8;
	s22 =	sadd.s32 $0x44800, s0;
	[dreg:$0xb] =	wrdreg s20  }
0x14: {  	s5 =	sadd.s32 $0x100, s1;
	s23 =	sadd.s32 $0x45000, s0;
	[dreg:$0xc] =	wrdreg s22  }
0x15: {  	s7 =	simm.s32 $0xB200;
	s24 =	sadd.s32 $0x45800, s0;
	[dreg:$0xd] =	wrdreg s23  }
0x16: {  	s17 =	simm.s32 $0x4;
	s25 =	sadd.s32 $0x46000, s0;
	[dreg:$0xe] =	wrdreg s24  }
0x17: {  	s4 =	simm.s32 $0xEA00;
	s26 =	sadd.s32 $0x46800, s0;
	[dreg:$0xf] =	wrdreg s25  }
0x18: {  	s2 =	sadd.s32 s21, s2;
	s28 =	sadd.s32 $0x47000, s0;
	[dreg:$0x10] =	wrdreg s26  }
0x19: {  	s16 =	simm.s32 $0xC200;
	s0 =	sadd.s32 $0x47800, s0;
	[dreg:$0x11] =	wrdreg s28  }
0x1a: {  	s21 =	simm.s32 $0xDA00;
	s2 =	sadd.s32 s8, s2;
	[dreg:$0x12] =	wrdreg s0  }
0x1b: {  	v2 =	vlaneseq.u32;
	s8 =	simm.s32 $0xF200;
	[dreg:$0x5] =	wrdreg s2;
	s24 =	simm.s32 $0xCA00  }
0x1c: {  	vm0 =	vmmov $0xffff;
	v1 =	vshrl.u32 v2, $0x3;
	s20 =	simm.s32 $0xD200;
	s22 =	simm.s32 $0xE200;
	s26 =	simm.s32 $0xFA00  }
0x1d: {  	v0 =	vand.u32 $0x7, v2;
	v2 =	vor.u32 $0x8, v2;
	v1 =	vmul.u32 $0x8, v1;
	s19 =	simm.s32 $0x9;
	s25 =	simm.s32 $0xB;
	s2 =	simm.s32 $0x0  }
.LBB2_1:
0x1e: {  	[dreg:$0x17] =	wrdreg s2  }
0x1f: {  	s0 =	rddreg [dreg:$0x6];
	s18 =	simm.s32 $0xC  }
0x20: {  	[tilespmem:s3], [sflag:$0xC] =	stream.linear.gather [hbm4b:s0+s3], $0x1200, $0x38;
	[tilespmem:$0x1D200] =	vst v63  }
0x21: {  	_ =	swait.ge [sflag:s18], $0x1200  }
0x22: {  	[sflag:s18] =	ssyncset.done $0x0  }
0x23: {  	[sflag:s18] =	ssyncadd.s32 $0xFFFFEE00  }
0x24: {  	v3 =	vld [tilespmem:$0x0];
	_ =	sdelay $0x4  }
0x25: {  	v4 =	vshll.u32 v3, $0x2  }
0x26: {  	v3 =	vand.u32 $0x7, v3;
	v4 =	vand.u32 $0xFFFFFFE0, v4  }
0x27: {  	v3 =	vor.u32 v3, v4  }
0x28: {  	v4 =	vperm.xlane v3, v0;
	_ =	sdelay $0x1  }
0x29: {  	v4 =	vadd.s32 v1, v4;
	_ =	sdelay $0x1  }
0x2a: {  	v3 =	vperm.xlane v3, v2;
	_ =	sdelay $0x1  }
0x2b: {  	s2 =	simm.s32 $0x1200;
	v3 =	vadd.s32 v1, v3  }
0x2c: {  	[tilespmem:s2], [sflag:$0x1] =	stream.indirect_vreg.gather [hbm4b:s1+s3], $0x80, v4, vm0, $0xb8;
	[tilespmem:$0x1D200] =	vst v63  }
0x2d: {  	s10 =	simm.s32 $0x1A00  }
0x2e: {  	[tilespmem:s10], [sflag:$0x1] =	stream.indirect_vreg.gather [hbm4b:s5+s3], $0x80, v4, vm0, $0xb8;
	[tilespmem:$0x1D200] =	vst v63  }
0x2f: {  	s23 =	simm.s32 $0x2200  }
0x30: {  	[tilespmem:s23], [sflag:$0x1] =	stream.indirect_vreg.gather [hbm4b:s1+s3], $0x80, v3, vm0, $0xb8;
	[tilespmem:$0x1D200] =	vst v63  }
0x31: {  	s28 =	simm.s32 $0x2A00  }
0x32: {  	[tilespmem:s28], [sflag:$0x1] =	stream.indirect_vreg.gather [hbm4b:s5+s3], $0x80, v3, vm0, $0xb8;
	[tilespmem:$0x1D200] =	vst v63  }
0x33: {  	v3 =	vld [tilespmem:$0x10];
	_ =	sdelay $0x4  }
0x34: {  	v53 =	vshll.u32 v3, $0x2  }
0x35: {  	v3 =	vand.u32 $0x7, v3;
	v4 =	vand.u32 $0xFFFFFFE0, v53  }
0x36: {  	v3 =	vor.u32 v3, v4  }
0x37: {  	v4 =	vperm.xlane v3, v0;
	_ =	sdelay $0x1  }
0x38: {  	v4 =	vadd.s32 v1, v4;
	_ =	sdelay $0x1  }
0x39: {  	v3 =	vperm.xlane v3, v2;
	_ =	sdelay $0x1  }
0x3a: {  	s13 =	simm.s32 $0x3200;
	v3 =	vadd.s32 v1, v3  }
0x3b: {  	[tilespmem:s13], [sflag:$0x1] =	stream.indirect_vreg.gather [hbm4b:s1+s3], $0x80, v4, vm0, $0xb8;
	[tilespmem:$0x1D200] =	vst v63  }
0x3c: {  	s14 =	simm.s32 $0x3A00  }
0x3d: {  	[tilespmem:s14], [sflag:$0x1] =	stream.indirect_vreg.gather [hbm4b:s5+s3], $0x80, v4, vm0, $0xb8;
	[tilespmem:$0x1D200] =	vst v63  }
0x3e: {  	s28 =	simm.s32 $0x4200  }
0x3f: {  	[tilespmem:s28], [sflag:$0x1] =	stream.indirect_vreg.gather [hbm4b:s1+s3], $0x80, v3, vm0, $0xb8;
	[tilespmem:$0x1D200] =	vst v63  }
0x40: {  	s18 =	simm.s32 $0x4A00  }
0x41: {  	[tilespmem:s18], [sflag:$0x1] =	stream.indirect_vreg.gather [hbm4b:s5+s3], $0x80, v3, vm0, $0xb8;
	[tilespmem:$0x1D200] =	vst v63  }
0x42: {  	v3 =	vld [tilespmem:$0x20];
	_ =	sdelay $0x4  }
0x43: {  	v54 =	vshll.u32 v3, $0x2  }
0x44: {  	v3 =	vand.u32 $0x7, v3;
	v4 =	vand.u32 $0xFFFFFFE0, v54  }
0x45: {  	v3 =	vor.u32 v3, v4  }
0x46: {  	v4 =	vperm.xlane v3, v0;
	_ =	sdelay $0x1  }
0x47: {  	v4 =	vadd.s32 v1, v4;
	_ =	sdelay $0x1  }
0x48: {  	v3 =	vperm.xlane v3, v2;
	_ =	sdelay $0x1  }
0x49: {  	s15 =	simm.s32 $0x5200;
	v3 =	vadd.s32 v1, v3  }
0x4a: {  	[tilespmem:s15], [sflag:$0x2] =	stream.indirect_vreg.gather [hbm4b:s1+s3], $0x80, v4, vm0, $0xb8;
	[tilespmem:$0x1D200] =	vst v63  }
0x4b: {  	s9 =	simm.s32 $0x5A00  }
0x4c: {  	[tilespmem:s9], [sflag:$0x2] =	stream.indirect_vreg.gather [hbm4b:s5+s3], $0x80, v4, vm0, $0xb8;
	[tilespmem:$0x1D200] =	vst v63  }
0x4d: {  	s23 =	simm.s32 $0x6200  }
0x4e: {  	[tilespmem:s23], [sflag:$0x2] =	stream.indirect_vreg.gather [hbm4b:s1+s3], $0x80, v3, vm0, $0xb8;
	[tilespmem:$0x1D200] =	vst v63  }
0x4f: {  	s31 =	simm.s32 $0x6A00  }
0x50: {  	[tilespmem:s31], [sflag:$0x2] =	stream.indirect_vreg.gather [hbm4b:s5+s3], $0x80, v3, vm0, $0xb8;
	[tilespmem:$0x1D200] =	vst v63  }
0x51: {  	v3 =	vld [tilespmem:$0x30];
	_ =	sdelay $0x4  }
0x52: {  	v55 =	vshll.u32 v3, $0x2  }
0x53: {  	v3 =	vand.u32 $0x7, v3;
	v4 =	vand.u32 $0xFFFFFFE0, v55  }
0x54: {  	v3 =	vor.u32 v3, v4  }
0x55: {  	v4 =	vperm.xlane v3, v0;
	_ =	sdelay $0x1  }
0x56: {  	v4 =	vadd.s32 v1, v4;
	_ =	sdelay $0x1  }
0x57: {  	v3 =	vperm.xlane v3, v2;
	_ =	sdelay $0x1  }
0x58: {  	s6 =	simm.s32 $0x7200;
	v3 =	vadd.s32 v1, v3  }
0x59: {  	[tilespmem:s6], [sflag:$0x2] =	stream.indirect_vreg.gather [hbm4b:s1+s3], $0x80, v4, vm0, $0xb8;
	[tilespmem:$0x1D200] =	vst v63  }
0x5a: {  	s11 =	simm.s32 $0x7A00  }
0x5b: {  	[tilespmem:s11], [sflag:$0x2] =	stream.indirect_vreg.gather [hbm4b:s5+s3], $0x80, v4, vm0, $0xb8;
	[tilespmem:$0x1D200] =	vst v63  }
0x5c: {  	s6 =	simm.s32 $0x8200  }
0x5d: {  	[tilespmem:s6], [sflag:$0x2] =	stream.indirect_vreg.gather [hbm4b:s1+s3], $0x80, v3, vm0, $0xb8;
	[tilespmem:$0x1D200] =	vst v63  }
0x5e: {  	s11 =	simm.s32 $0x8A00  }
0x5f: {  	[tilespmem:s11], [sflag:$0x2] =	stream.indirect_vreg.gather [hbm4b:s5+s3], $0x80, v3, vm0, $0xb8;
	[tilespmem:$0x1D200] =	vst v63  }
0x60: {  	v3 =	vld [tilespmem:$0x40];
	_ =	sdelay $0x4  }
0x61: {  	v56 =	vshll.u32 v3, $0x2  }
0x62: {  	v3 =	vand.u32 $0x7, v3;
	v4 =	vand.u32 $0xFFFFFFE0, v56  }
0x63: {  	v3 =	vor.u32 v3, v4  }
0x64: {  	v4 =	vperm.xlane v3, v0;
	_ =	sdelay $0x1  }
0x65: {  	v4 =	vadd.s32 v1, v4;
	_ =	sdelay $0x1  }
0x66: {  	v3 =	vperm.xlane v3, v2;
	_ =	sdelay $0x1  }
0x67: {  	s11 =	simm.s32 $0x9200;
	v3 =	vadd.s32 v1, v3  }
0x68: {  	[tilespmem:s11], [sflag:$0x3] =	stream.indirect_vreg.gather [hbm4b:s1+s3], $0x80, v4, vm0, $0xb8;
	[tilespmem:$0x1D200] =	vst v63  }
0x69: {  	s6 =	simm.s32 $0x9A00  }
0x6a: {  	[tilespmem:s6], [sflag:$0x3] =	stream.indirect_vreg.gather [hbm4b:s5+s3], $0x80, v4, vm0, $0xb8;
	[tilespmem:$0x1D200] =	vst v63  }
0x6b: {  	s6 =	simm.s32 $0xA200  }
0x6c: {  	[tilespmem:s6], [sflag:$0x3] =	stream.indirect_vreg.gather [hbm4b:s1+s3], $0x80, v3, vm0, $0xb8;
	[tilespmem:$0x1D200] =	vst v63  }
0x6d: {  	s6 =	simm.s32 $0xAA00  }
0x6e: {  	[tilespmem:s6], [sflag:$0x3] =	stream.indirect_vreg.gather [hbm4b:s5+s3], $0x80, v3, vm0, $0xb8;
	[tilespmem:$0x1D200] =	vst v63  }
0x6f: {  	v3 =	vld [tilespmem:$0x50];
	_ =	sdelay $0x4  }
0x70: {  	v57 =	vshll.u32 v3, $0x2  }
0x71: {  	v3 =	vand.u32 $0x7, v3;
	v4 =	vand.u32 $0xFFFFFFE0, v57  }
0x72: {  	v3 =	vor.u32 v3, v4  }
0x73: {  	v4 =	vperm.xlane v3, v0;
	_ =	sdelay $0x1  }
0x74: {  	v4 =	vadd.s32 v1, v4;
	_ =	sdelay $0x1  }
0x75: {  	v3 =	vperm.xlane v3, v2;
	_ =	sdelay $0x1  }
0x76: {  	v3 =	vadd.s32 v1, v3  }
0x77: {  	[tilespmem:s7], [sflag:$0x3] =	stream.indirect_vreg.gather [hbm4b:s1+s3], $0x80, v4, vm0, $0xb8;
	[tilespmem:$0x1D200] =	vst v63  }
0x78: {  	_ = 	snop  }
0x79: {  	[tilespmem:s29], [sflag:$0x3] =	stream.indirect_vreg.gather [hbm4b:s5+s3], $0x80, v4, vm0, $0xb8;
	[tilespmem:$0x1D200] =	vst v63  }
0x7a: {  	_ = 	snop  }
0x7b: {  	[tilespmem:s16], [sflag:$0x3] =	stream.indirect_vreg.gather [hbm4b:s1+s3], $0x80, v3, vm0, $0xb8;
	[tilespmem:$0x1D200] =	vst v63  }
0x7c: {  	s7 =	simm.s32 $0x1  }
0x7d: {  	[tilespmem:s24], [sflag:$0x3] =	stream.indirect_vreg.gather [hbm4b:s5+s3], $0x80, v3, vm0, $0xb8;
	[tilespmem:$0x1D200] =	vst v63  }
0x7e: {  	_ =	swait.ge [sflag:s7], $0x4000  }
0x7f: {  	[sflag:s7] =	ssyncset.done $0x0  }
0x80: {  	s16 =	rddreg [dreg:$0x14];
	[sflag:s7] =	ssyncadd.s32 $0xFFFFC000  }
0x81: {  	[spmem:s16] =	stream.linear.scatter [tilespmem:s2], [sflag:$0x5], $0x4000, $0x38;
	[tilespmem:$0x1D200] =	vst v63  }
0x82: {  	v3 =	vld [tilespmem:$0x60];
	_ =	sdelay $0x4  }
0x83: {  	v58 =	vshll.u32 v3, $0x2  }
0x84: {  	v3 =	vand.u32 $0x7, v3;
	v4 =	vand.u32 $0xFFFFFFE0, v58  }
0x85: {  	v3 =	vor.u32 v3, v4  }
0x86: {  	v4 =	vperm.xlane v3, v0;
	_ =	sdelay $0x1  }
0x87: {  	v4 =	vadd.s32 v1, v4;
	_ =	sdelay $0x1  }
0x88: {  	v3 =	vperm.xlane v3, v2;
	_ =	sdelay $0x1  }
0x89: {  	v3 =	vadd.s32 v1, v3  }
0x8a: {  	[tilespmem:s20], [sflag:$0x4] =	stream.indirect_vreg.gather [hbm4b:s1+s3], $0x80, v4, vm0, $0xb8;
	[tilespmem:$0x1D200] =	vst v63  }
0x8b: {  	_ = 	snop  }
0x8c: {  	[tilespmem:s21], [sflag:$0x4] =	stream.indirect_vreg.gather [hbm4b:s5+s3], $0x80, v4, vm0, $0xb8;
	[tilespmem:$0x1D200] =	vst v63  }
0x8d: {  	_ = 	snop  }
0x8e: {  	[tilespmem:s22], [sflag:$0x4] =	stream.indirect_vreg.gather [hbm4b:s1+s3], $0x80, v3, vm0, $0xb8;
	[tilespmem:$0x1D200] =	vst v63  }
0x8f: {  	_ = 	snop  }
0x90: {  	[tilespmem:s4], [sflag:$0x4] =	stream.indirect_vreg.gather [hbm4b:s5+s3], $0x80, v3, vm0, $0xb8;
	[tilespmem:$0x1D200] =	vst v63  }
0x91: {  	v3 =	vld [tilespmem:$0x70];
	_ =	sdelay $0x4  }
0x92: {  	v59 =	vshll.u32 v3, $0x2  }
0x93: {  	v3 =	vand.u32 $0x7, v3;
	v4 =	vand.u32 $0xFFFFFFE0, v59  }
0x94: {  	v3 =	vor.u32 v3, v4  }
0x95: {  	v4 =	vperm.xlane v3, v0;
	_ =	sdelay $0x1  }
0x96: {  	v4 =	vadd.s32 v1, v4;
	_ =	sdelay $0x1  }
0x97: {  	v3 =	vperm.xlane v3, v2;
	_ =	sdelay $0x1  }
0x98: {  	v3 =	vadd.s32 v1, v3  }
0x99: {  	[tilespmem:s8], [sflag:$0x4] =	stream.indirect_vreg.gather [hbm4b:s1+s3], $0x80, v4, vm0, $0xb8;
	[tilespmem:$0x1D200] =	vst v63  }
0x9a: {  	_ = 	snop  }
0x9b: {  	[tilespmem:s26], [sflag:$0x4] =	stream.indirect_vreg.gather [hbm4b:s5+s3], $0x80, v4, vm0, $0xb8;
	[tilespmem:$0x1D200] =	vst v63  }
0x9c: {  	_ = 	snop  }
0x9d: {  	[tilespmem:s12], [sflag:$0x4] =	stream.indirect_vreg.gather [hbm4b:s1+s3], $0x80, v3, vm0, $0xb8;
	[tilespmem:$0x1D200] =	vst v63  }
0x9e: {  	s20 =	simm.s32 $0x2  }
0x9f: {  	[tilespmem:s30], [sflag:$0x4] =	stream.indirect_vreg.gather [hbm4b:s5+s3], $0x80, v3, vm0, $0xb8;
	[tilespmem:$0x1D200] =	vst v63  }
0xa0: {  	s26 =	stileid.u32;
	_ =	swait.ge [sflag:s20], $0x4000  }
0xa1: {  	s24 =	simm.s32 $0x5;
	s29 =	sshll.u32 s26, $0x6;
	[sflag:s20] =	ssyncset.done $0x0  }
0xa2: {  	s0 =	sor.u32 $0x1C09, s29;
	s21 =	rddreg [dreg:$0x15];
	[sflag:s20] =	ssyncadd.s32 $0xFFFFC000  }
0xa3: {  	[spmem:s21] =	stream.linear.scatter [tilespmem:s15], [sflag:$0x6], $0x4000, $0x38;
	[tilespmem:$0x1D200] =	vst v63  }
0xa4: {  	s6 =	sshrl.u32 s16, $0x3;
	_ =	swait.ge [sflag:s24], $0x4000;
	[dreg:$0x18] =	wrdreg s0  }
0xa5: {  	[dreg:$0x19] =	wrdreg s6;
	[sflag:s24] =	ssyncset.done $0x0  }
0xa6: {  	s7 =	rddreg [dreg:$0x7];
	[sflag:s24] =	ssyncadd.s32 $0xFFFFC000  }
0xa7: {  	[hbm:s7], [sflag:s0] =	dma.local [spmem:s6], $0x800  }
0xa8: {  	v3 =	vld [tilespmem:$0x80];
	_ =	sdelay $0x4  }
0xa9: {  	v60 =	vshll.u32 v3, $0x2  }
0xaa: {  	v3 =	vand.u32 $0x7, v3;
	v4 =	vand.u32 $0xFFFFFFE0, v60  }
0xab: {  	v3 =	vor.u32 v3, v4  }
0xac: {  	v4 =	vperm.xlane v3, v0;
	_ =	sdelay $0x1  }
0xad: {  	v4 =	vadd.s32 v1, v4;
	_ =	sdelay $0x1  }
0xae: {  	v3 =	vperm.xlane v3, v2;
	_ =	sdelay $0x1  }
0xaf: {  	v3 =	vadd.s32 v1, v3  }
0xb0: {  	[tilespmem:s2], [sflag:$0x1] =	stream.indirect_vreg.gather [hbm4b:s1+s3], $0x80, v4, vm0, $0xb8;
	[tilespmem:$0x1D200] =	vst v63  }
0xb1: {  	_ = 	snop  }
0xb2: {  	[tilespmem:s10], [sflag:$0x1] =	stream.indirect_vreg.gather [hbm4b:s5+s3], $0x80, v4, vm0, $0xb8;
	[tilespmem:$0x1D200] =	vst v63  }
0xb3: {  	s10 =	simm.s32 $0x2200  }
0xb4: {  	[tilespmem:s10], [sflag:$0x1] =	stream.indirect_vreg.gather [hbm4b:s1+s3], $0x80, v3, vm0, $0xb8;
	[tilespmem:$0x1D200] =	vst v63  }
0xb5: {  	s12 =	simm.s32 $0x2A00  }
0xb6: {  	[tilespmem:s12], [sflag:$0x1] =	stream.indirect_vreg.gather [hbm4b:s5+s3], $0x80, v3, vm0, $0xb8;
	[tilespmem:$0x1D200] =	vst v63  }
0xb7: {  	v3 =	vld [tilespmem:$0x90];
	_ =	sdelay $0x4  }
0xb8: {  	v61 =	vshll.u32 v3, $0x2  }
0xb9: {  	v3 =	vand.u32 $0x7, v3;
	v4 =	vand.u32 $0xFFFFFFE0, v61  }
0xba: {  	v3 =	vor.u32 v3, v4  }
0xbb: {  	v4 =	vperm.xlane v3, v0;
	_ =	sdelay $0x1  }
0xbc: {  	v4 =	vadd.s32 v1, v4;
	_ =	sdelay $0x1  }
0xbd: {  	v3 =	vperm.xlane v3, v2;
	_ =	sdelay $0x1  }
0xbe: {  	v3 =	vadd.s32 v1, v3  }
0xbf: {  	[tilespmem:s13], [sflag:$0x1] =	stream.indirect_vreg.gather [hbm4b:s1+s3], $0x80, v4, vm0, $0xb8;
	[tilespmem:$0x1D200] =	vst v63  }
0xc0: {  	_ = 	snop  }
0xc1: {  	[tilespmem:s14], [sflag:$0x1] =	stream.indirect_vreg.gather [hbm4b:s5+s3], $0x80, v4, vm0, $0xb8;
	[tilespmem:$0x1D200] =	vst v63  }
0xc2: {  	_ = 	snop  }
0xc3: {  	[tilespmem:s28], [sflag:$0x1] =	stream.indirect_vreg.gather [hbm4b:s1+s3], $0x80, v3, vm0, $0xb8;
	[tilespmem:$0x1D200] =	vst v63  }
0xc4: {  	s14 =	simm.s32 $0x3  }
0xc5: {  	[tilespmem:s18], [sflag:$0x1] =	stream.indirect_vreg.gather [hbm4b:s5+s3], $0x80, v3, vm0, $0xb8;
	[tilespmem:$0x1D200] =	vst v63  }
0xc6: {  	_ =	swait.ge [sflag:s14], $0x4000  }
0xc7: {  	[sflag:s14] =	ssyncset.done $0x0  }
0xc8: {  	s18 =	simm.s32 $0x6;
	s16 =	rddreg [dreg:$0x16];
	[sflag:s14] =	ssyncadd.s32 $0xFFFFC000  }
0xc9: {  	[spmem:s16] =	stream.linear.scatter [tilespmem:s11], [sflag:$0x7], $0x4000, $0x38;
	[tilespmem:$0x1D200] =	vst v63  }
0xca: {  	s20 =	sor.u32 $0x1C0A, s29;
	_ =	swait.ge [sflag:s18], $0x4000;
	[dreg:$0x1c] =	wrdreg s29  }
0xcb: {  	s21 =	sshrl.u32 s21, $0x3;
	[dreg:$0x1a] =	wrdreg s20  }
0xcc: {  	[dreg:$0x1b] =	wrdreg s21;
	[sflag:s18] =	ssyncset.done $0x0  }
0xcd: {  	s22 =	rddreg [dreg:$0x8];
	[sflag:s18] =	ssyncadd.s32 $0xFFFFC000  }
0xce: {  	[hbm:s22], [sflag:s20] =	dma.local [spmem:s21], $0x800  }
0xcf: {  	v3 =	vld [tilespmem:$0xA0];
	_ =	sdelay $0x4  }
0xd0: {  	v62 =	vshll.u32 v3, $0x2  }
0xd1: {  	v3 =	vand.u32 $0x7, v3;
	v4 =	vand.u32 $0xFFFFFFE0, v62  }
0xd2: {  	v3 =	vor.u32 v3, v4  }
0xd3: {  	v4 =	vperm.xlane v3, v0;
	_ =	sdelay $0x1  }
0xd4: {  	v4 =	vadd.s32 v1, v4;
	_ =	sdelay $0x1  }
0xd5: {  	v3 =	vperm.xlane v3, v2;
	_ =	sdelay $0x1  }
0xd6: {  	v3 =	vadd.s32 v1, v3  }
0xd7: {  	[tilespmem:s15], [sflag:$0x2] =	stream.indirect_vreg.gather [hbm4b:s1+s3], $0x80, v4, vm0, $0xb8;
	[tilespmem:$0x1D200] =	vst v63  }
0xd8: {  	_ = 	snop  }
0xd9: {  	[tilespmem:s9], [sflag:$0x2] =	stream.indirect_vreg.gather [hbm4b:s5+s3], $0x80, v4, vm0, $0xb8;
	[tilespmem:$0x1D200] =	vst v63  }
0xda: {  	_ = 	snop  }
0xdb: {  	[tilespmem:s23], [sflag:$0x2] =	stream.indirect_vreg.gather [hbm4b:s1+s3], $0x80, v3, vm0, $0xb8;
	[tilespmem:$0x1D200] =	vst v63  }
0xdc: {  	_ = 	snop  }
0xdd: {  	[tilespmem:s31], [sflag:$0x2] =	stream.indirect_vreg.gather [hbm4b:s5+s3], $0x80, v3, vm0, $0xb8;
	[tilespmem:$0x1D200] =	vst v63  }
0xde: {  	v3 =	vld [tilespmem:$0xB0];
	_ =	sdelay $0x4  }
0xdf: {  	v63 =	vshll.u32 v3, $0x2  }
0xe0: {  	v3 =	vand.u32 $0x7, v3;
	v4 =	vand.u32 $0xFFFFFFE0, v63  }
0xe1: {  	v3 =	vor.u32 v3, v4  }
0xe2: {  	v4 =	vperm.xlane v3, v0;
	_ =	sdelay $0x1  }
0xe3: {  	v4 =	vadd.s32 v1, v4;
	_ =	sdelay $0x1  }
0xe4: {  	v3 =	vperm.xlane v3, v2;
	_ =	sdelay $0x1  }
0xe5: {  	s24 =	simm.s32 $0x7200;
	v3 =	vadd.s32 v1, v3  }
0xe6: {  	[tilespmem:s24], [sflag:$0x2] =	stream.indirect_vreg.gather [hbm4b:s1+s3], $0x80, v4, vm0, $0xb8;
	[tilespmem:$0x1D200] =	vst v63  }
0xe7: {  	s26 =	simm.s32 $0x7A00  }
0xe8: {  	[tilespmem:s26], [sflag:$0x2] =	stream.indirect_vreg.gather [hbm4b:s5+s3], $0x80, v4, vm0, $0xb8;
	[tilespmem:$0x1D200] =	vst v63  }
0xe9: {  	s28 =	simm.s32 $0x8200  }
0xea: {  	[tilespmem:s28], [sflag:$0x2] =	stream.indirect_vreg.gather [hbm4b:s1+s3], $0x80, v3, vm0, $0xb8;
	[tilespmem:$0x1D200] =	vst v63  }
0xeb: {  	s30 =	simm.s32 $0x120;
	s29 =	simm.s32 $0x8A00;
	s31 =	simm.s32 $0x0  }
0xec: {  	[tilespmem:s29], [sflag:$0x2] =	stream.indirect_vreg.gather [hbm4b:s5+s3], $0x80, v3, vm0, $0xb8;
	[tilespmem:$0x1D200] =	vst v63  }
.LBB2_2:
0xed: {  	_ =	swait.ge [sflag:s17], $0x4000  }
0xee: {  	[sflag:s17] =	ssyncset.done $0x0  }
0xef: {  	[sflag:s17] =	ssyncadd.s32 $0xFFFFC000  }
0xf0: {  	_ =	swait.ge [sflag:s19], $0x800  }
0xf1: {  	s16 =	simm.s32 $0xD200;
	[sflag:s19] =	ssyncset.done $0x0  }
0xf2: {  	s23 =	simm.s32 $0x7;
	s7 =	rddreg [dreg:$0x14];
	[sflag:s19] =	ssyncadd.s32 $0xFFFFF800  }
0xf3: {  	[spmem:s7] =	stream.linear.scatter [tilespmem:s16], [sflag:$0x8], $0x4000, $0x38;
	[tilespmem:$0x1D200] =	vst v63  }
0xf4: {  	_ =	swait.ge [sflag:s23], $0x4000  }
0xf5: {  	s0 =	rddreg [dreg:$0x5]  }
0xf6: {  	[sflag:s23] =	ssyncset.done $0x0;
	s2 =	rddreg [dreg:$0x1c]  }
0xf7: {  	s20 =	rddreg [dreg:$0x16];
	[sflag:s23] =	ssyncadd.s32 $0xFFFFC000;
	s0 =	sadd.s32 s31, s0  }
0xf8: {  	s18 =	sor.u32 $0x1C0B, s2;
	s28 =	sshrl.u32 s20, $0x3;
	s29 =	sadd.s32 $0x1000, s0  }
0xf9: {  	[hbm:s29], [sflag:s18] =	dma.local [spmem:s28], $0x800  }
0xfa: {  	v3 =	vld [tilespmem:s30+$0xFFFFFFA0];
	_ =	sdelay $0x4  }
0xfb: {  	v4 =	vshll.u32 v3, $0x2  }
0xfc: {  	v3 =	vand.u32 $0x7, v3;
	v4 =	vand.u32 $0xFFFFFFE0, v4  }
0xfd: {  	v3 =	vor.u32 v3, v4  }
0xfe: {  	v4 =	vperm.xlane v3, v0;
	_ =	sdelay $0x1  }
0xff: {  	v4 =	vadd.s32 v1, v4;
	_ =	sdelay $0x1  }
0x100: {  	v3 =	vperm.xlane v3, v2;
	_ =	sdelay $0x1  }
0x101: {  	s21 =	simm.s32 $0x9200;
	v3 =	vadd.s32 v1, v3  }
0x102: {  	[tilespmem:s21], [sflag:$0x3] =	stream.indirect_vreg.gather [hbm4b:s1+s3], $0x80, v4, vm0, $0xb8;
	[tilespmem:$0x1D200] =	vst v63  }
0x103: {  	s12 =	simm.s32 $0x9A00  }
0x104: {  	[tilespmem:s12], [sflag:$0x3] =	stream.indirect_vreg.gather [hbm4b:s5+s3], $0x80, v4, vm0, $0xb8;
	[tilespmem:$0x1D200] =	vst v63  }
0x105: {  	s13 =	simm.s32 $0xA200  }
0x106: {  	[tilespmem:s13], [sflag:$0x3] =	stream.indirect_vreg.gather [hbm4b:s1+s3], $0x80, v3, vm0, $0xb8;
	[tilespmem:$0x1D200] =	vst v63  }
0x107: {  	s14 =	simm.s32 $0xAA00  }
0x108: {  	[tilespmem:s14], [sflag:$0x3] =	stream.indirect_vreg.gather [hbm4b:s5+s3], $0x80, v3, vm0, $0xb8;
	[tilespmem:$0x1D200] =	vst v63  }
0x109: {  	v3 =	vld [tilespmem:s30+$0xFFFFFFB0];
	_ =	sdelay $0x4  }
0x10a: {  	v41 =	vshll.u32 v3, $0x2  }
0x10b: {  	v3 =	vand.u32 $0x7, v3;
	v4 =	vand.u32 $0xFFFFFFE0, v41  }
0x10c: {  	v3 =	vor.u32 v3, v4  }
0x10d: {  	v4 =	vperm.xlane v3, v0;
	_ =	sdelay $0x1  }
0x10e: {  	v4 =	vadd.s32 v1, v4;
	_ =	sdelay $0x1  }
0x10f: {  	v3 =	vperm.xlane v3, v2;
	_ =	sdelay $0x1  }
0x110: {  	s15 =	simm.s32 $0xB200;
	v3 =	vadd.s32 v1, v3  }
0x111: {  	[tilespmem:s15], [sflag:$0x3] =	stream.indirect_vreg.gather [hbm4b:s1+s3], $0x80, v4, vm0, $0xb8;
	[tilespmem:$0x1D200] =	vst v63  }
0x112: {  	s17 =	simm.s32 $0xBA00  }
0x113: {  	[tilespmem:s17], [sflag:$0x3] =	stream.indirect_vreg.gather [hbm4b:s5+s3], $0x80, v4, vm0, $0xb8;
	[tilespmem:$0x1D200] =	vst v63  }
0x114: {  	s22 =	simm.s32 $0xC200  }
0x115: {  	[tilespmem:s22], [sflag:$0x3] =	stream.indirect_vreg.gather [hbm4b:s1+s3], $0x80, v3, vm0, $0xb8;
	[tilespmem:$0x1D200] =	vst v63  }
0x116: {  	s24 =	simm.s32 $0xCA00;
	s14 =	simm.s32 $0x1  }
0x117: {  	[tilespmem:s24], [sflag:$0x3] =	stream.indirect_vreg.gather [hbm4b:s5+s3], $0x80, v3, vm0, $0xb8;
	[tilespmem:$0x1D200] =	vst v63  }
0x118: {  	_ =	swait.ge [sflag:s14], $0x4000  }
0x119: {  	[sflag:s14] =	ssyncset.done $0x0  }
0x11a: {  	s10 =	simm.s32 $0xA;
	[sflag:s14] =	ssyncadd.s32 $0xFFFFC000  }
0x11b: {  	_ =	swait.ge [sflag:s10], $0x800  }
0x11c: {  	s8 =	simm.s32 $0x1200;
	[sflag:s10] =	ssyncset.done $0x0  }
0x11d: {  	s15 =	simm.s32 $0x8;
	s22 =	rddreg [dreg:$0x15];
	[sflag:s10] =	ssyncadd.s32 $0xFFFFF800  }
0x11e: {  	[spmem:s22] =	stream.linear.scatter [tilespmem:s8], [sflag:$0x5], $0x4000, $0x38;
	[tilespmem:$0x1D200] =	vst v63  }
0x11f: {  	_ =	swait.ge [sflag:s15], $0x4000  }
0x120: {  	[sflag:s15] =	ssyncset.done $0x0;
	s4 =	rddreg [dreg:$0x18]  }
0x121: {  	s29 =	sadd.s32 $0x1800, s0;
	s24 =	rddreg [dreg:$0x19];
	[sflag:s15] =	ssyncadd.s32 $0xFFFFC000  }
0x122: {  	[hbm:s29], [sflag:s4] =	dma.local [spmem:s24], $0x800  }
0x123: {  	v3 =	vld [tilespmem:s30+$0xFFFFFFC0];
	_ =	sdelay $0x4  }
0x124: {  	v42 =	vshll.u32 v3, $0x2  }
0x125: {  	v3 =	vand.u32 $0x7, v3;
	v4 =	vand.u32 $0xFFFFFFE0, v42  }
0x126: {  	v3 =	vor.u32 v3, v4  }
0x127: {  	v4 =	vperm.xlane v3, v0;
	_ =	sdelay $0x1  }
0x128: {  	v4 =	vadd.s32 v1, v4;
	_ =	sdelay $0x1  }
0x129: {  	v3 =	vperm.xlane v3, v2;
	_ =	sdelay $0x1  }
0x12a: {  	v3 =	vadd.s32 v1, v3  }
0x12b: {  	[tilespmem:s16], [sflag:$0x4] =	stream.indirect_vreg.gather [hbm4b:s1+s3], $0x80, v4, vm0, $0xb8;
	[tilespmem:$0x1D200] =	vst v63  }
0x12c: {  	s26 =	simm.s32 $0xDA00  }
0x12d: {  	[tilespmem:s26], [sflag:$0x4] =	stream.indirect_vreg.gather [hbm4b:s5+s3], $0x80, v4, vm0, $0xb8;
	[tilespmem:$0x1D200] =	vst v63  }
0x12e: {  	s6 =	simm.s32 $0xE200  }
0x12f: {  	[tilespmem:s6], [sflag:$0x4] =	stream.indirect_vreg.gather [hbm4b:s1+s3], $0x80, v3, vm0, $0xb8;
	[tilespmem:$0x1D200] =	vst v63  }
0x130: {  	s9 =	simm.s32 $0xEA00  }
0x131: {  	[tilespmem:s9], [sflag:$0x4] =	stream.indirect_vreg.gather [hbm4b:s5+s3], $0x80, v3, vm0, $0xb8;
	[tilespmem:$0x1D200] =	vst v63  }
0x132: {  	v3 =	vld [tilespmem:s30+$0xFFFFFFD0];
	_ =	sdelay $0x4  }
0x133: {  	v43 =	vshll.u32 v3, $0x2  }
0x134: {  	v3 =	vand.u32 $0x7, v3;
	v4 =	vand.u32 $0xFFFFFFE0, v43  }
0x135: {  	v3 =	vor.u32 v3, v4  }
0x136: {  	v4 =	vperm.xlane v3, v0;
	_ =	sdelay $0x1  }
0x137: {  	v4 =	vadd.s32 v1, v4;
	_ =	sdelay $0x1  }
0x138: {  	v3 =	vperm.xlane v3, v2;
	_ =	sdelay $0x1  }
0x139: {  	s11 =	simm.s32 $0xF200;
	v3 =	vadd.s32 v1, v3  }
0x13a: {  	[tilespmem:s11], [sflag:$0x4] =	stream.indirect_vreg.gather [hbm4b:s1+s3], $0x80, v4, vm0, $0xb8;
	[tilespmem:$0x1D200] =	vst v63  }
0x13b: {  	s12 =	simm.s32 $0xFA00  }
0x13c: {  	[tilespmem:s12], [sflag:$0x4] =	stream.indirect_vreg.gather [hbm4b:s5+s3], $0x80, v4, vm0, $0xb8;
	[tilespmem:$0x1D200] =	vst v63  }
0x13d: {  	s13 =	simm.s32 $0x10200  }
0x13e: {  	[tilespmem:s13], [sflag:$0x4] =	stream.indirect_vreg.gather [hbm4b:s1+s3], $0x80, v3, vm0, $0xb8;
	[tilespmem:$0x1D200] =	vst v63  }
0x13f: {  	s17 =	simm.s32 $0x10A00;
	s9 =	simm.s32 $0x2  }
0x140: {  	[tilespmem:s17], [sflag:$0x4] =	stream.indirect_vreg.gather [hbm4b:s5+s3], $0x80, v3, vm0, $0xb8;
	[tilespmem:$0x1D200] =	vst v63  }
0x141: {  	_ =	swait.ge [sflag:s9], $0x4000  }
0x142: {  	[sflag:s9] =	ssyncset.done $0x0  }
0x143: {  	[sflag:s9] =	ssyncadd.s32 $0xFFFFC000  }
0x144: {  	_ =	swait.ge [sflag:s25], $0x800  }
0x145: {  	[sflag:s25] =	ssyncset.done $0x0  }
0x146: {  	s11 =	simm.s32 $0x5;
	s12 =	simm.s32 $0x5200;
	[sflag:s25] =	ssyncadd.s32 $0xFFFFF800  }
0x147: {  	[spmem:s20] =	stream.linear.scatter [tilespmem:s12], [sflag:$0x6], $0x4000, $0x38;
	[tilespmem:$0x1D200] =	vst v63  }
0x148: {  	_ =	swait.ge [sflag:s11], $0x4000  }
0x149: {  	[sflag:s11] =	ssyncset.done $0x0;
	s6 =	rddreg [dreg:$0x1a]  }
0x14a: {  	s29 =	sadd.s32 $0x2000, s0;
	s13 =	rddreg [dreg:$0x1b];
	[sflag:s11] =	ssyncadd.s32 $0xFFFFC000  }
0x14b: {  	[hbm:s29], [sflag:s6] =	dma.local [spmem:s13], $0x800  }
0x14c: {  	v3 =	vld [tilespmem:s30+$0xFFFFFFE0];
	_ =	sdelay $0x4  }
0x14d: {  	v44 =	vshll.u32 v3, $0x2  }
0x14e: {  	v3 =	vand.u32 $0x7, v3;
	v4 =	vand.u32 $0xFFFFFFE0, v44  }
0x14f: {  	v3 =	vor.u32 v3, v4  }
0x150: {  	v4 =	vperm.xlane v3, v0;
	_ =	sdelay $0x1  }
0x151: {  	v4 =	vadd.s32 v1, v4;
	_ =	sdelay $0x1  }
0x152: {  	v3 =	vperm.xlane v3, v2;
	_ =	sdelay $0x1  }
0x153: {  	v3 =	vadd.s32 v1, v3  }
0x154: {  	[tilespmem:s8], [sflag:$0x1] =	stream.indirect_vreg.gather [hbm4b:s1+s3], $0x80, v4, vm0, $0xb8;
	[tilespmem:$0x1D200] =	vst v63  }
0x155: {  	s25 =	simm.s32 $0x1A00  }
0x156: {  	[tilespmem:s25], [sflag:$0x1] =	stream.indirect_vreg.gather [hbm4b:s5+s3], $0x80, v4, vm0, $0xb8;
	[tilespmem:$0x1D200] =	vst v63  }
0x157: {  	s26 =	simm.s32 $0x2200  }
0x158: {  	[tilespmem:s26], [sflag:$0x1] =	stream.indirect_vreg.gather [hbm4b:s1+s3], $0x80, v3, vm0, $0xb8;
	[tilespmem:$0x1D200] =	vst v63  }
0x159: {  	s17 =	simm.s32 $0x2A00  }
0x15a: {  	[tilespmem:s17], [sflag:$0x1] =	stream.indirect_vreg.gather [hbm4b:s5+s3], $0x80, v3, vm0, $0xb8;
	[tilespmem:$0x1D200] =	vst v63  }
0x15b: {  	v3 =	vld [tilespmem:s30+$0xFFFFFFF0];
	_ =	sdelay $0x4  }
0x15c: {  	v45 =	vshll.u32 v3, $0x2  }
0x15d: {  	v3 =	vand.u32 $0x7, v3;
	v4 =	vand.u32 $0xFFFFFFE0, v45  }
0x15e: {  	v3 =	vor.u32 v3, v4  }
0x15f: {  	v4 =	vperm.xlane v3, v0;
	_ =	sdelay $0x1  }
0x160: {  	v4 =	vadd.s32 v1, v4;
	_ =	sdelay $0x1  }
0x161: {  	v3 =	vperm.xlane v3, v2;
	_ =	sdelay $0x1  }
0x162: {  	s25 =	simm.s32 $0x3200;
	v3 =	vadd.s32 v1, v3  }
0x163: {  	[tilespmem:s25], [sflag:$0x1] =	stream.indirect_vreg.gather [hbm4b:s1+s3], $0x80, v4, vm0, $0xb8;
	[tilespmem:$0x1D200] =	vst v63  }
0x164: {  	s26 =	simm.s32 $0x3A00  }
0x165: {  	[tilespmem:s26], [sflag:$0x1] =	stream.indirect_vreg.gather [hbm4b:s5+s3], $0x80, v4, vm0, $0xb8;
	[tilespmem:$0x1D200] =	vst v63  }
0x166: {  	s17 =	simm.s32 $0x4200  }
0x167: {  	[tilespmem:s17], [sflag:$0x1] =	stream.indirect_vreg.gather [hbm4b:s1+s3], $0x80, v3, vm0, $0xb8;
	[tilespmem:$0x1D200] =	vst v63  }
0x168: {  	s25 =	simm.s32 $0x4A00  }
0x169: {  	[tilespmem:s25], [sflag:$0x1] =	stream.indirect_vreg.gather [hbm4b:s5+s3], $0x80, v3, vm0, $0xb8;
	[tilespmem:$0x1D200] =	vst v63  }
0x16a: {  	s25 =	simm.s32 $0x3  }
0x16b: {  	_ =	swait.ge [sflag:s25], $0x4000  }
0x16c: {  	[sflag:s25] =	ssyncset.done $0x0  }
0x16d: {  	[sflag:s25] =	ssyncadd.s32 $0xFFFFC000  }
0x16e: {  	_ =	swait.ge [sflag:s19], $0x800  }
0x16f: {  	[sflag:s19] =	ssyncset.done $0x0  }
0x170: {  	s17 =	simm.s32 $0x6;
	[sflag:s19] =	ssyncadd.s32 $0xFFFFF800  }
0x171: {  	[spmem:s7] =	stream.linear.scatter [tilespmem:s21], [sflag:$0x7], $0x4000, $0x38;
	[tilespmem:$0x1D200] =	vst v63  }
0x172: {  	_ =	swait.ge [sflag:s17], $0x4000  }
0x173: {  	[sflag:s17] =	ssyncset.done $0x0  }
0x174: {  	s29 =	sadd.s32 $0x2800, s0;
	[sflag:s17] =	ssyncadd.s32 $0xFFFFC000  }
0x175: {  	[hbm:s29], [sflag:s18] =	dma.local [spmem:s28], $0x800  }
0x176: {  	v3 =	vld [tilespmem:s30+$0x0];
	_ =	sdelay $0x4  }
0x177: {  	v46 =	vshll.u32 v3, $0x2  }
0x178: {  	v3 =	vand.u32 $0x7, v3;
	v4 =	vand.u32 $0xFFFFFFE0, v46  }
0x179: {  	v3 =	vor.u32 v3, v4  }
0x17a: {  	v4 =	vperm.xlane v3, v0;
	_ =	sdelay $0x1  }
0x17b: {  	v4 =	vadd.s32 v1, v4;
	_ =	sdelay $0x1  }
0x17c: {  	v3 =	vperm.xlane v3, v2;
	_ =	sdelay $0x1  }
0x17d: {  	v3 =	vadd.s32 v1, v3  }
0x17e: {  	[tilespmem:s12], [sflag:$0x2] =	stream.indirect_vreg.gather [hbm4b:s1+s3], $0x80, v4, vm0, $0xb8;
	[tilespmem:$0x1D200] =	vst v63  }
0x17f: {  	s29 =	simm.s32 $0x5A00  }
0x180: {  	[tilespmem:s29], [sflag:$0x2] =	stream.indirect_vreg.gather [hbm4b:s5+s3], $0x80, v4, vm0, $0xb8;
	[tilespmem:$0x1D200] =	vst v63  }
0x181: {  	s29 =	simm.s32 $0x6200  }
0x182: {  	[tilespmem:s29], [sflag:$0x2] =	stream.indirect_vreg.gather [hbm4b:s1+s3], $0x80, v3, vm0, $0xb8;
	[tilespmem:$0x1D200] =	vst v63  }
0x183: {  	s29 =	simm.s32 $0x6A00  }
0x184: {  	[tilespmem:s29], [sflag:$0x2] =	stream.indirect_vreg.gather [hbm4b:s5+s3], $0x80, v3, vm0, $0xb8;
	[tilespmem:$0x1D200] =	vst v63  }
0x185: {  	v3 =	vld [tilespmem:s30+$0x10];
	_ =	sdelay $0x4  }
0x186: {  	v47 =	vshll.u32 v3, $0x2  }
0x187: {  	v3 =	vand.u32 $0x7, v3;
	v4 =	vand.u32 $0xFFFFFFE0, v47  }
0x188: {  	v3 =	vor.u32 v3, v4  }
0x189: {  	v4 =	vperm.xlane v3, v0;
	_ =	sdelay $0x1  }
0x18a: {  	v4 =	vadd.s32 v1, v4;
	_ =	sdelay $0x1  }
0x18b: {  	v3 =	vperm.xlane v3, v2;
	_ =	sdelay $0x1  }
0x18c: {  	s29 =	simm.s32 $0x7200;
	v3 =	vadd.s32 v1, v3  }
0x18d: {  	[tilespmem:s29], [sflag:$0x2] =	stream.indirect_vreg.gather [hbm4b:s1+s3], $0x80, v4, vm0, $0xb8;
	[tilespmem:$0x1D200] =	vst v63  }
0x18e: {  	s29 =	simm.s32 $0x7A00  }
0x18f: {  	[tilespmem:s29], [sflag:$0x2] =	stream.indirect_vreg.gather [hbm4b:s5+s3], $0x80, v4, vm0, $0xb8;
	[tilespmem:$0x1D200] =	vst v63  }
0x190: {  	s29 =	simm.s32 $0x8200  }
0x191: {  	[tilespmem:s29], [sflag:$0x2] =	stream.indirect_vreg.gather [hbm4b:s1+s3], $0x80, v3, vm0, $0xb8;
	[tilespmem:$0x1D200] =	vst v63  }
0x192: {  	s19 =	simm.s32 $0x4;
	s29 =	simm.s32 $0x8A00  }
0x193: {  	[tilespmem:s29], [sflag:$0x2] =	stream.indirect_vreg.gather [hbm4b:s5+s3], $0x80, v3, vm0, $0xb8;
	[tilespmem:$0x1D200] =	vst v63  }
0x194: {  	_ =	swait.ge [sflag:s19], $0x4000  }
0x195: {  	[sflag:s19] =	ssyncset.done $0x0  }
0x196: {  	[sflag:s19] =	ssyncadd.s32 $0xFFFFC000  }
0x197: {  	_ =	swait.ge [sflag:s10], $0x800  }
0x198: {  	[sflag:s10] =	ssyncset.done $0x0  }
0x199: {  	[sflag:s10] =	ssyncadd.s32 $0xFFFFF800  }
0x19a: {  	[spmem:s22] =	stream.linear.scatter [tilespmem:s16], [sflag:$0x8], $0x4000, $0x38;
	[tilespmem:$0x1D200] =	vst v63  }
0x19b: {  	_ =	swait.ge [sflag:s23], $0x4000  }
0x19c: {  	[sflag:s23] =	ssyncset.done $0x0  }
0x19d: {  	s29 =	sadd.s32 $0x3000, s0;
	[sflag:s23] =	ssyncadd.s32 $0xFFFFC000  }
0x19e: {  	[hbm:s29], [sflag:s4] =	dma.local [spmem:s24], $0x800  }
0x19f: {  	v3 =	vld [tilespmem:s30+$0x20];
	_ =	sdelay $0x4  }
0x1a0: {  	v48 =	vshll.u32 v3, $0x2  }
0x1a1: {  	v3 =	vand.u32 $0x7, v3;
	v4 =	vand.u32 $0xFFFFFFE0, v48  }
0x1a2: {  	v3 =	vor.u32 v3, v4  }
0x1a3: {  	v4 =	vperm.xlane v3, v0;
	_ =	sdelay $0x1  }
0x1a4: {  	v4 =	vadd.s32 v1, v4;
	_ =	sdelay $0x1  }
0x1a5: {  	v3 =	vperm.xlane v3, v2;
	_ =	sdelay $0x1  }
0x1a6: {  	v3 =	vadd.s32 v1, v3  }
0x1a7: {  	[tilespmem:s21], [sflag:$0x3] =	stream.indirect_vreg.gather [hbm4b:s1+s3], $0x80, v4, vm0, $0xb8;
	[tilespmem:$0x1D200] =	vst v63  }
0x1a8: {  	s29 =	simm.s32 $0x9A00  }
0x1a9: {  	[tilespmem:s29], [sflag:$0x3] =	stream.indirect_vreg.gather [hbm4b:s5+s3], $0x80, v4, vm0, $0xb8;
	[tilespmem:$0x1D200] =	vst v63  }
0x1aa: {  	s29 =	simm.s32 $0xA200  }
0x1ab: {  	[tilespmem:s29], [sflag:$0x3] =	stream.indirect_vreg.gather [hbm4b:s1+s3], $0x80, v3, vm0, $0xb8;
	[tilespmem:$0x1D200] =	vst v63  }
0x1ac: {  	s29 =	simm.s32 $0xAA00  }
0x1ad: {  	[tilespmem:s29], [sflag:$0x3] =	stream.indirect_vreg.gather [hbm4b:s5+s3], $0x80, v3, vm0, $0xb8;
	[tilespmem:$0x1D200] =	vst v63  }
0x1ae: {  	v3 =	vld [tilespmem:s30+$0x30];
	_ =	sdelay $0x4  }
0x1af: {  	v49 =	vshll.u32 v3, $0x2  }
0x1b0: {  	v3 =	vand.u32 $0x7, v3;
	v4 =	vand.u32 $0xFFFFFFE0, v49  }
0x1b1: {  	v3 =	vor.u32 v3, v4  }
0x1b2: {  	v4 =	vperm.xlane v3, v0;
	_ =	sdelay $0x1  }
0x1b3: {  	v4 =	vadd.s32 v1, v4;
	_ =	sdelay $0x1  }
0x1b4: {  	v3 =	vperm.xlane v3, v2;
	_ =	sdelay $0x1  }
0x1b5: {  	s29 =	simm.s32 $0xB200;
	v3 =	vadd.s32 v1, v3  }
0x1b6: {  	[tilespmem:s29], [sflag:$0x3] =	stream.indirect_vreg.gather [hbm4b:s1+s3], $0x80, v4, vm0, $0xb8;
	[tilespmem:$0x1D200] =	vst v63  }
0x1b7: {  	s29 =	simm.s32 $0xBA00  }
0x1b8: {  	[tilespmem:s29], [sflag:$0x3] =	stream.indirect_vreg.gather [hbm4b:s5+s3], $0x80, v4, vm0, $0xb8;
	[tilespmem:$0x1D200] =	vst v63  }
0x1b9: {  	s29 =	simm.s32 $0xC200  }
0x1ba: {  	[tilespmem:s29], [sflag:$0x3] =	stream.indirect_vreg.gather [hbm4b:s1+s3], $0x80, v3, vm0, $0xb8;
	[tilespmem:$0x1D200] =	vst v63  }
0x1bb: {  	s29 =	simm.s32 $0xCA00  }
0x1bc: {  	[tilespmem:s29], [sflag:$0x3] =	stream.indirect_vreg.gather [hbm4b:s5+s3], $0x80, v3, vm0, $0xb8;
	[tilespmem:$0x1D200] =	vst v63  }
0x1bd: {  	_ =	swait.ge [sflag:s14], $0x4000  }
0x1be: {  	[sflag:s14] =	ssyncset.done $0x0  }
0x1bf: {  	s26 =	simm.s32 $0xB;
	[sflag:s14] =	ssyncadd.s32 $0xFFFFC000  }
0x1c0: {  	_ =	swait.ge [sflag:s26], $0x800  }
0x1c1: {  	[sflag:s26] =	ssyncset.done $0x0  }
0x1c2: {  	[sflag:s26] =	ssyncadd.s32 $0xFFFFF800  }
0x1c3: {  	[spmem:s20] =	stream.linear.scatter [tilespmem:s8], [sflag:$0x5], $0x4000, $0x38;
	[tilespmem:$0x1D200] =	vst v63  }
0x1c4: {  	_ =	swait.ge [sflag:s15], $0x4000  }
0x1c5: {  	[sflag:s15] =	ssyncset.done $0x0  }
0x1c6: {  	s29 =	sadd.s32 $0x3800, s0;
	[sflag:s15] =	ssyncadd.s32 $0xFFFFC000  }
0x1c7: {  	[hbm:s29], [sflag:s6] =	dma.local [spmem:s13], $0x800  }
0x1c8: {  	v3 =	vld [tilespmem:s30+$0x40];
	_ =	sdelay $0x4  }
0x1c9: {  	v50 =	vshll.u32 v3, $0x2  }
0x1ca: {  	v3 =	vand.u32 $0x7, v3;
	v4 =	vand.u32 $0xFFFFFFE0, v50  }
0x1cb: {  	v3 =	vor.u32 v3, v4  }
0x1cc: {  	v4 =	vperm.xlane v3, v0;
	_ =	sdelay $0x1  }
0x1cd: {  	v4 =	vadd.s32 v1, v4;
	_ =	sdelay $0x1  }
0x1ce: {  	v3 =	vperm.xlane v3, v2;
	_ =	sdelay $0x1  }
0x1cf: {  	v3 =	vadd.s32 v1, v3  }
0x1d0: {  	[tilespmem:s16], [sflag:$0x4] =	stream.indirect_vreg.gather [hbm4b:s1+s3], $0x80, v4, vm0, $0xb8;
	[tilespmem:$0x1D200] =	vst v63  }
0x1d1: {  	s29 =	simm.s32 $0xDA00  }
0x1d2: {  	[tilespmem:s29], [sflag:$0x4] =	stream.indirect_vreg.gather [hbm4b:s5+s3], $0x80, v4, vm0, $0xb8;
	[tilespmem:$0x1D200] =	vst v63  }
0x1d3: {  	s29 =	simm.s32 $0xE200  }
0x1d4: {  	[tilespmem:s29], [sflag:$0x4] =	stream.indirect_vreg.gather [hbm4b:s1+s3], $0x80, v3, vm0, $0xb8;
	[tilespmem:$0x1D200] =	vst v63  }
0x1d5: {  	s29 =	simm.s32 $0xEA00  }
0x1d6: {  	[tilespmem:s29], [sflag:$0x4] =	stream.indirect_vreg.gather [hbm4b:s5+s3], $0x80, v3, vm0, $0xb8;
	[tilespmem:$0x1D200] =	vst v63  }
0x1d7: {  	v3 =	vld [tilespmem:s30+$0x50];
	_ =	sdelay $0x4  }
0x1d8: {  	v51 =	vshll.u32 v3, $0x2  }
0x1d9: {  	v3 =	vand.u32 $0x7, v3;
	v4 =	vand.u32 $0xFFFFFFE0, v51  }
0x1da: {  	v3 =	vor.u32 v3, v4  }
0x1db: {  	v4 =	vperm.xlane v3, v0;
	_ =	sdelay $0x1  }
0x1dc: {  	v4 =	vadd.s32 v1, v4;
	_ =	sdelay $0x1  }
0x1dd: {  	v3 =	vperm.xlane v3, v2;
	_ =	sdelay $0x1  }
0x1de: {  	s29 =	simm.s32 $0xF200;
	v3 =	vadd.s32 v1, v3  }
0x1df: {  	[tilespmem:s29], [sflag:$0x4] =	stream.indirect_vreg.gather [hbm4b:s1+s3], $0x80, v4, vm0, $0xb8;
	[tilespmem:$0x1D200] =	vst v63  }
0x1e0: {  	s29 =	simm.s32 $0xFA00  }
0x1e1: {  	[tilespmem:s29], [sflag:$0x4] =	stream.indirect_vreg.gather [hbm4b:s5+s3], $0x80, v4, vm0, $0xb8;
	[tilespmem:$0x1D200] =	vst v63  }
0x1e2: {  	s29 =	simm.s32 $0x10200  }
0x1e3: {  	[tilespmem:s29], [sflag:$0x4] =	stream.indirect_vreg.gather [hbm4b:s1+s3], $0x80, v3, vm0, $0xb8;
	[tilespmem:$0x1D200] =	vst v63  }
0x1e4: {  	s29 =	simm.s32 $0x10A00  }
0x1e5: {  	[tilespmem:s29], [sflag:$0x4] =	stream.indirect_vreg.gather [hbm4b:s5+s3], $0x80, v3, vm0, $0xb8;
	[tilespmem:$0x1D200] =	vst v63  }
0x1e6: {  	_ =	swait.ge [sflag:s9], $0x4000  }
0x1e7: {  	[sflag:s9] =	ssyncset.done $0x0  }
0x1e8: {  	s2 =	simm.s32 $0x9;
	[sflag:s9] =	ssyncadd.s32 $0xFFFFC000  }
0x1e9: {  	_ =	swait.ge [sflag:s2], $0x800  }
0x1ea: {  	[sflag:s2] =	ssyncset.done $0x0  }
0x1eb: {  	[sflag:s2] =	ssyncadd.s32 $0xFFFFF800  }
0x1ec: {  	[spmem:s7] =	stream.linear.scatter [tilespmem:s12], [sflag:$0x6], $0x4000, $0x38;
	[tilespmem:$0x1D200] =	vst v63  }
0x1ed: {  	_ =	swait.ge [sflag:s11], $0x4000  }
0x1ee: {  	[sflag:s11] =	ssyncset.done $0x0  }
0x1ef: {  	s29 =	sadd.s32 $0x4000, s0;
	[sflag:s11] =	ssyncadd.s32 $0xFFFFC000  }
0x1f0: {  	[hbm:s29], [sflag:s18] =	dma.local [spmem:s28], $0x800  }
0x1f1: {  	v3 =	vld [tilespmem:s30+$0x60];
	_ =	sdelay $0x4  }
0x1f2: {  	v52 =	vshll.u32 v3, $0x2  }
0x1f3: {  	v3 =	vand.u32 $0x7, v3;
	v4 =	vand.u32 $0xFFFFFFE0, v52  }
0x1f4: {  	v3 =	vor.u32 v3, v4  }
0x1f5: {  	v4 =	vperm.xlane v3, v0;
	_ =	sdelay $0x1  }
0x1f6: {  	v4 =	vadd.s32 v1, v4;
	_ =	sdelay $0x1  }
0x1f7: {  	v3 =	vperm.xlane v3, v2;
	_ =	sdelay $0x1  }
0x1f8: {  	v3 =	vadd.s32 v1, v3  }
0x1f9: {  	[tilespmem:s8], [sflag:$0x1] =	stream.indirect_vreg.gather [hbm4b:s1+s3], $0x80, v4, vm0, $0xb8;
	[tilespmem:$0x1D200] =	vst v63  }
0x1fa: {  	s2 =	simm.s32 $0x1A00  }
0x1fb: {  	[tilespmem:s2], [sflag:$0x1] =	stream.indirect_vreg.gather [hbm4b:s5+s3], $0x80, v4, vm0, $0xb8;
	[tilespmem:$0x1D200] =	vst v63  }
0x1fc: {  	s29 =	simm.s32 $0x2200  }
0x1fd: {  	[tilespmem:s29], [sflag:$0x1] =	stream.indirect_vreg.gather [hbm4b:s1+s3], $0x80, v3, vm0, $0xb8;
	[tilespmem:$0x1D200] =	vst v63  }
0x1fe: {  	s29 =	simm.s32 $0x2A00  }
0x1ff: {  	[tilespmem:s29], [sflag:$0x1] =	stream.indirect_vreg.gather [hbm4b:s5+s3], $0x80, v3, vm0, $0xb8;
	[tilespmem:$0x1D200] =	vst v63  }
0x200: {  	v3 =	vld [tilespmem:s30+$0x70];
	_ =	sdelay $0x4  }
0x201: {  	v53 =	vshll.u32 v3, $0x2  }
0x202: {  	v3 =	vand.u32 $0x7, v3;
	v4 =	vand.u32 $0xFFFFFFE0, v53  }
0x203: {  	v3 =	vor.u32 v3, v4  }
0x204: {  	v4 =	vperm.xlane v3, v0;
	_ =	sdelay $0x1  }
0x205: {  	v4 =	vadd.s32 v1, v4;
	_ =	sdelay $0x1  }
0x206: {  	v3 =	vperm.xlane v3, v2;
	_ =	sdelay $0x1  }
0x207: {  	s29 =	simm.s32 $0x3200;
	v3 =	vadd.s32 v1, v3  }
0x208: {  	[tilespmem:s29], [sflag:$0x1] =	stream.indirect_vreg.gather [hbm4b:s1+s3], $0x80, v4, vm0, $0xb8;
	[tilespmem:$0x1D200] =	vst v63  }
0x209: {  	s29 =	simm.s32 $0x3A00  }
0x20a: {  	[tilespmem:s29], [sflag:$0x1] =	stream.indirect_vreg.gather [hbm4b:s5+s3], $0x80, v4, vm0, $0xb8;
	[tilespmem:$0x1D200] =	vst v63  }
0x20b: {  	s29 =	simm.s32 $0x4200  }
0x20c: {  	[tilespmem:s29], [sflag:$0x1] =	stream.indirect_vreg.gather [hbm4b:s1+s3], $0x80, v3, vm0, $0xb8;
	[tilespmem:$0x1D200] =	vst v63  }
0x20d: {  	s29 =	simm.s32 $0x4A00  }
0x20e: {  	[tilespmem:s29], [sflag:$0x1] =	stream.indirect_vreg.gather [hbm4b:s5+s3], $0x80, v3, vm0, $0xb8;
	[tilespmem:$0x1D200] =	vst v63  }
0x20f: {  	_ =	swait.ge [sflag:s25], $0x4000  }
0x210: {  	[sflag:s25] =	ssyncset.done $0x0  }
0x211: {  	[sflag:s25] =	ssyncadd.s32 $0xFFFFC000  }
0x212: {  	_ =	swait.ge [sflag:s10], $0x800  }
0x213: {  	[sflag:s10] =	ssyncset.done $0x0  }
0x214: {  	[sflag:s10] =	ssyncadd.s32 $0xFFFFF800  }
0x215: {  	[spmem:s22] =	stream.linear.scatter [tilespmem:s21], [sflag:$0x7], $0x4000, $0x38;
	[tilespmem:$0x1D200] =	vst v63  }
0x216: {  	_ =	swait.ge [sflag:s17], $0x4000  }
0x217: {  	[sflag:s17] =	ssyncset.done $0x0  }
0x218: {  	s29 =	sadd.s32 $0x4800, s0;
	[sflag:s17] =	ssyncadd.s32 $0xFFFFC000  }
0x219: {  	[hbm:s29], [sflag:s4] =	dma.local [spmem:s24], $0x800  }
0x21a: {  	v3 =	vld [tilespmem:s30+$0x80];
	_ =	sdelay $0x4  }
0x21b: {  	v54 =	vshll.u32 v3, $0x2  }
0x21c: {  	v3 =	vand.u32 $0x7, v3;
	v4 =	vand.u32 $0xFFFFFFE0, v54  }
0x21d: {  	v3 =	vor.u32 v3, v4  }
0x21e: {  	v4 =	vperm.xlane v3, v0;
	_ =	sdelay $0x1  }
0x21f: {  	v4 =	vadd.s32 v1, v4;
	_ =	sdelay $0x1  }
0x220: {  	v3 =	vperm.xlane v3, v2;
	_ =	sdelay $0x1  }
0x221: {  	v3 =	vadd.s32 v1, v3  }
0x222: {  	[tilespmem:s12], [sflag:$0x2] =	stream.indirect_vreg.gather [hbm4b:s1+s3], $0x80, v4, vm0, $0xb8;
	[tilespmem:$0x1D200] =	vst v63  }
0x223: {  	s29 =	simm.s32 $0x5A00  }
0x224: {  	[tilespmem:s29], [sflag:$0x2] =	stream.indirect_vreg.gather [hbm4b:s5+s3], $0x80, v4, vm0, $0xb8;
	[tilespmem:$0x1D200] =	vst v63  }
0x225: {  	s29 =	simm.s32 $0x6200  }
0x226: {  	[tilespmem:s29], [sflag:$0x2] =	stream.indirect_vreg.gather [hbm4b:s1+s3], $0x80, v3, vm0, $0xb8;
	[tilespmem:$0x1D200] =	vst v63  }
0x227: {  	s29 =	simm.s32 $0x6A00  }
0x228: {  	[tilespmem:s29], [sflag:$0x2] =	stream.indirect_vreg.gather [hbm4b:s5+s3], $0x80, v3, vm0, $0xb8;
	[tilespmem:$0x1D200] =	vst v63  }
0x229: {  	v3 =	vld [tilespmem:s30+$0x90];
	_ =	sdelay $0x4  }
0x22a: {  	v55 =	vshll.u32 v3, $0x2  }
0x22b: {  	v3 =	vand.u32 $0x7, v3;
	v4 =	vand.u32 $0xFFFFFFE0, v55  }
0x22c: {  	v3 =	vor.u32 v3, v4  }
0x22d: {  	v4 =	vperm.xlane v3, v0;
	_ =	sdelay $0x1  }
0x22e: {  	v4 =	vadd.s32 v1, v4;
	_ =	sdelay $0x1  }
0x22f: {  	v3 =	vperm.xlane v3, v2;
	_ =	sdelay $0x1  }
0x230: {  	s29 =	simm.s32 $0x7200;
	v3 =	vadd.s32 v1, v3  }
0x231: {  	[tilespmem:s29], [sflag:$0x2] =	stream.indirect_vreg.gather [hbm4b:s1+s3], $0x80, v4, vm0, $0xb8;
	[tilespmem:$0x1D200] =	vst v63  }
0x232: {  	s29 =	simm.s32 $0x7A00  }
0x233: {  	[tilespmem:s29], [sflag:$0x2] =	stream.indirect_vreg.gather [hbm4b:s5+s3], $0x80, v4, vm0, $0xb8;
	[tilespmem:$0x1D200] =	vst v63  }
0x234: {  	s29 =	simm.s32 $0x8200  }
0x235: {  	[tilespmem:s29], [sflag:$0x2] =	stream.indirect_vreg.gather [hbm4b:s1+s3], $0x80, v3, vm0, $0xb8;
	[tilespmem:$0x1D200] =	vst v63  }
0x236: {  	s29 =	simm.s32 $0x8A00  }
0x237: {  	[tilespmem:s29], [sflag:$0x2] =	stream.indirect_vreg.gather [hbm4b:s5+s3], $0x80, v3, vm0, $0xb8;
	[tilespmem:$0x1D200] =	vst v63  }
0x238: {  	_ =	swait.ge [sflag:s19], $0x4000  }
0x239: {  	[sflag:s19] =	ssyncset.done $0x0  }
0x23a: {  	[sflag:s19] =	ssyncadd.s32 $0xFFFFC000  }
0x23b: {  	_ =	swait.ge [sflag:s26], $0x800  }
0x23c: {  	[sflag:s26] =	ssyncset.done $0x0  }
0x23d: {  	[sflag:s26] =	ssyncadd.s32 $0xFFFFF800  }
0x23e: {  	[spmem:s20] =	stream.linear.scatter [tilespmem:s16], [sflag:$0x8], $0x4000, $0x38;
	[tilespmem:$0x1D200] =	vst v63  }
0x23f: {  	_ =	swait.ge [sflag:s23], $0x4000  }
0x240: {  	[sflag:s23] =	ssyncset.done $0x0  }
0x241: {  	s29 =	sadd.s32 $0x5000, s0;
	[sflag:s23] =	ssyncadd.s32 $0xFFFFC000  }
0x242: {  	[hbm:s29], [sflag:s6] =	dma.local [spmem:s13], $0x800  }
0x243: {  	v3 =	vld [tilespmem:s30+$0xA0];
	_ =	sdelay $0x4  }
0x244: {  	v56 =	vshll.u32 v3, $0x2  }
0x245: {  	v3 =	vand.u32 $0x7, v3;
	v4 =	vand.u32 $0xFFFFFFE0, v56  }
0x246: {  	v3 =	vor.u32 v3, v4  }
0x247: {  	v4 =	vperm.xlane v3, v0;
	_ =	sdelay $0x1  }
0x248: {  	v4 =	vadd.s32 v1, v4;
	_ =	sdelay $0x1  }
0x249: {  	v3 =	vperm.xlane v3, v2;
	_ =	sdelay $0x1  }
0x24a: {  	v3 =	vadd.s32 v1, v3  }
0x24b: {  	[tilespmem:s21], [sflag:$0x3] =	stream.indirect_vreg.gather [hbm4b:s1+s3], $0x80, v4, vm0, $0xb8;
	[tilespmem:$0x1D200] =	vst v63  }
0x24c: {  	s26 =	simm.s32 $0x9A00  }
0x24d: {  	[tilespmem:s26], [sflag:$0x3] =	stream.indirect_vreg.gather [hbm4b:s5+s3], $0x80, v4, vm0, $0xb8;
	[tilespmem:$0x1D200] =	vst v63  }
0x24e: {  	s26 =	simm.s32 $0xA200  }
0x24f: {  	[tilespmem:s26], [sflag:$0x3] =	stream.indirect_vreg.gather [hbm4b:s1+s3], $0x80, v3, vm0, $0xb8;
	[tilespmem:$0x1D200] =	vst v63  }
0x250: {  	s26 =	simm.s32 $0xAA00  }
0x251: {  	[tilespmem:s26], [sflag:$0x3] =	stream.indirect_vreg.gather [hbm4b:s5+s3], $0x80, v3, vm0, $0xb8;
	[tilespmem:$0x1D200] =	vst v63  }
0x252: {  	v3 =	vld [tilespmem:s30+$0xB0];
	_ =	sdelay $0x4  }
0x253: {  	v57 =	vshll.u32 v3, $0x2  }
0x254: {  	v3 =	vand.u32 $0x7, v3;
	v4 =	vand.u32 $0xFFFFFFE0, v57  }
0x255: {  	v3 =	vor.u32 v3, v4  }
0x256: {  	v4 =	vperm.xlane v3, v0;
	_ =	sdelay $0x1  }
0x257: {  	v4 =	vadd.s32 v1, v4;
	_ =	sdelay $0x1  }
0x258: {  	v3 =	vperm.xlane v3, v2;
	_ =	sdelay $0x1  }
0x259: {  	s26 =	simm.s32 $0xB200;
	v3 =	vadd.s32 v1, v3  }
0x25a: {  	[tilespmem:s26], [sflag:$0x3] =	stream.indirect_vreg.gather [hbm4b:s1+s3], $0x80, v4, vm0, $0xb8;
	[tilespmem:$0x1D200] =	vst v63  }
0x25b: {  	s26 =	simm.s32 $0xBA00  }
0x25c: {  	[tilespmem:s26], [sflag:$0x3] =	stream.indirect_vreg.gather [hbm4b:s5+s3], $0x80, v4, vm0, $0xb8;
	[tilespmem:$0x1D200] =	vst v63  }
0x25d: {  	s26 =	simm.s32 $0xC200  }
0x25e: {  	[tilespmem:s26], [sflag:$0x3] =	stream.indirect_vreg.gather [hbm4b:s1+s3], $0x80, v3, vm0, $0xb8;
	[tilespmem:$0x1D200] =	vst v63  }
0x25f: {  	s26 =	simm.s32 $0xCA00  }
0x260: {  	[tilespmem:s26], [sflag:$0x3] =	stream.indirect_vreg.gather [hbm4b:s5+s3], $0x80, v3, vm0, $0xb8;
	[tilespmem:$0x1D200] =	vst v63  }
0x261: {  	_ =	swait.ge [sflag:s14], $0x4000  }
0x262: {  	[sflag:s14] =	ssyncset.done $0x0  }
0x263: {  	s19 =	simm.s32 $0x9;
	[sflag:s14] =	ssyncadd.s32 $0xFFFFC000  }
0x264: {  	_ =	swait.ge [sflag:s19], $0x800  }
0x265: {  	[sflag:s19] =	ssyncset.done $0x0  }
0x266: {  	[sflag:s19] =	ssyncadd.s32 $0xFFFFF800  }
0x267: {  	[spmem:s7] =	stream.linear.scatter [tilespmem:s8], [sflag:$0x5], $0x4000, $0x38;
	[tilespmem:$0x1D200] =	vst v63  }
0x268: {  	_ =	swait.ge [sflag:s15], $0x4000  }
0x269: {  	[sflag:s15] =	ssyncset.done $0x0  }
0x26a: {  	s29 =	sadd.s32 $0x5800, s0;
	[sflag:s15] =	ssyncadd.s32 $0xFFFFC000  }
0x26b: {  	[hbm:s29], [sflag:s18] =	dma.local [spmem:s28], $0x800  }
0x26c: {  	v3 =	vld [tilespmem:s30+$0xC0];
	_ =	sdelay $0x4  }
0x26d: {  	v58 =	vshll.u32 v3, $0x2  }
0x26e: {  	v3 =	vand.u32 $0x7, v3;
	v4 =	vand.u32 $0xFFFFFFE0, v58  }
0x26f: {  	v3 =	vor.u32 v3, v4  }
0x270: {  	v4 =	vperm.xlane v3, v0;
	_ =	sdelay $0x1  }
0x271: {  	v4 =	vadd.s32 v1, v4;
	_ =	sdelay $0x1  }
0x272: {  	v3 =	vperm.xlane v3, v2;
	_ =	sdelay $0x1  }
0x273: {  	v3 =	vadd.s32 v1, v3  }
0x274: {  	[tilespmem:s16], [sflag:$0x4] =	stream.indirect_vreg.gather [hbm4b:s1+s3], $0x80, v4, vm0, $0xb8;
	[tilespmem:$0x1D200] =	vst v63  }
0x275: {  	s23 =	simm.s32 $0xDA00  }
0x276: {  	[tilespmem:s23], [sflag:$0x4] =	stream.indirect_vreg.gather [hbm4b:s5+s3], $0x80, v4, vm0, $0xb8;
	[tilespmem:$0x1D200] =	vst v63  }
0x277: {  	s26 =	simm.s32 $0xE200  }
0x278: {  	[tilespmem:s26], [sflag:$0x4] =	stream.indirect_vreg.gather [hbm4b:s1+s3], $0x80, v3, vm0, $0xb8;
	[tilespmem:$0x1D200] =	vst v63  }
0x279: {  	s14 =	simm.s32 $0xEA00  }
0x27a: {  	[tilespmem:s14], [sflag:$0x4] =	stream.indirect_vreg.gather [hbm4b:s5+s3], $0x80, v3, vm0, $0xb8;
	[tilespmem:$0x1D200] =	vst v63  }
0x27b: {  	v3 =	vld [tilespmem:s30+$0xD0];
	_ =	sdelay $0x4  }
0x27c: {  	v59 =	vshll.u32 v3, $0x2  }
0x27d: {  	v3 =	vand.u32 $0x7, v3;
	v4 =	vand.u32 $0xFFFFFFE0, v59  }
0x27e: {  	v3 =	vor.u32 v3, v4  }
0x27f: {  	v4 =	vperm.xlane v3, v0;
	_ =	sdelay $0x1  }
0x280: {  	v4 =	vadd.s32 v1, v4;
	_ =	sdelay $0x1  }
0x281: {  	v3 =	vperm.xlane v3, v2;
	_ =	sdelay $0x1  }
0x282: {  	s15 =	simm.s32 $0xF200;
	v3 =	vadd.s32 v1, v3  }
0x283: {  	[tilespmem:s15], [sflag:$0x4] =	stream.indirect_vreg.gather [hbm4b:s1+s3], $0x80, v4, vm0, $0xb8;
	[tilespmem:$0x1D200] =	vst v63  }
0x284: {  	s16 =	simm.s32 $0xFA00  }
0x285: {  	[tilespmem:s16], [sflag:$0x4] =	stream.indirect_vreg.gather [hbm4b:s5+s3], $0x80, v4, vm0, $0xb8;
	[tilespmem:$0x1D200] =	vst v63  }
0x286: {  	s23 =	simm.s32 $0x10200  }
0x287: {  	[tilespmem:s23], [sflag:$0x4] =	stream.indirect_vreg.gather [hbm4b:s1+s3], $0x80, v3, vm0, $0xb8;
	[tilespmem:$0x1D200] =	vst v63  }
0x288: {  	s26 =	simm.s32 $0x10A00  }
0x289: {  	[tilespmem:s26], [sflag:$0x4] =	stream.indirect_vreg.gather [hbm4b:s5+s3], $0x80, v3, vm0, $0xb8;
	[tilespmem:$0x1D200] =	vst v63  }
0x28a: {  	_ =	swait.ge [sflag:s9], $0x4000  }
0x28b: {  	[sflag:s9] =	ssyncset.done $0x0  }
0x28c: {  	[sflag:s9] =	ssyncadd.s32 $0xFFFFC000  }
0x28d: {  	_ =	swait.ge [sflag:s10], $0x800  }
0x28e: {  	[sflag:s10] =	ssyncset.done $0x0  }
0x28f: {  	[sflag:s10] =	ssyncadd.s32 $0xFFFFF800  }
0x290: {  	[spmem:s22] =	stream.linear.scatter [tilespmem:s12], [sflag:$0x6], $0x4000, $0x38;
	[tilespmem:$0x1D200] =	vst v63  }
0x291: {  	_ =	swait.ge [sflag:s11], $0x4000  }
0x292: {  	[sflag:s11] =	ssyncset.done $0x0  }
0x293: {  	s29 =	sadd.s32 $0x6000, s0;
	[sflag:s11] =	ssyncadd.s32 $0xFFFFC000  }
0x294: {  	[hbm:s29], [sflag:s4] =	dma.local [spmem:s24], $0x800  }
0x295: {  	v3 =	vld [tilespmem:s30+$0xE0];
	_ =	sdelay $0x4  }
0x296: {  	v60 =	vshll.u32 v3, $0x2  }
0x297: {  	v3 =	vand.u32 $0x7, v3;
	v4 =	vand.u32 $0xFFFFFFE0, v60  }
0x298: {  	v3 =	vor.u32 v3, v4  }
0x299: {  	v4 =	vperm.xlane v3, v0;
	_ =	sdelay $0x1  }
0x29a: {  	v4 =	vadd.s32 v1, v4;
	_ =	sdelay $0x1  }
0x29b: {  	v3 =	vperm.xlane v3, v2;
	_ =	sdelay $0x1  }
0x29c: {  	v3 =	vadd.s32 v1, v3  }
0x29d: {  	[tilespmem:s8], [sflag:$0x1] =	stream.indirect_vreg.gather [hbm4b:s1+s3], $0x80, v4, vm0, $0xb8;
	[tilespmem:$0x1D200] =	vst v63  }
0x29e: {  	_ = 	snop  }
0x29f: {  	[tilespmem:s2], [sflag:$0x1] =	stream.indirect_vreg.gather [hbm4b:s5+s3], $0x80, v4, vm0, $0xb8;
	[tilespmem:$0x1D200] =	vst v63  }
0x2a0: {  	s9 =	simm.s32 $0x2200  }
0x2a1: {  	[tilespmem:s9], [sflag:$0x1] =	stream.indirect_vreg.gather [hbm4b:s1+s3], $0x80, v3, vm0, $0xb8;
	[tilespmem:$0x1D200] =	vst v63  }
0x2a2: {  	s10 =	simm.s32 $0x2A00  }
0x2a3: {  	[tilespmem:s10], [sflag:$0x1] =	stream.indirect_vreg.gather [hbm4b:s5+s3], $0x80, v3, vm0, $0xb8;
	[tilespmem:$0x1D200] =	vst v63  }
0x2a4: {  	v3 =	vld [tilespmem:s30+$0xF0];
	_ =	sdelay $0x4  }
0x2a5: {  	v61 =	vshll.u32 v3, $0x2  }
0x2a6: {  	v3 =	vand.u32 $0x7, v3;
	v4 =	vand.u32 $0xFFFFFFE0, v61  }
0x2a7: {  	v3 =	vor.u32 v3, v4  }
0x2a8: {  	v4 =	vperm.xlane v3, v0;
	_ =	sdelay $0x1  }
0x2a9: {  	v4 =	vadd.s32 v1, v4;
	_ =	sdelay $0x1  }
0x2aa: {  	v3 =	vperm.xlane v3, v2;
	_ =	sdelay $0x1  }
0x2ab: {  	s11 =	simm.s32 $0x3200;
	v3 =	vadd.s32 v1, v3  }
0x2ac: {  	[tilespmem:s11], [sflag:$0x1] =	stream.indirect_vreg.gather [hbm4b:s1+s3], $0x80, v4, vm0, $0xb8;
	[tilespmem:$0x1D200] =	vst v63  }
0x2ad: {  	s14 =	simm.s32 $0x3A00  }
0x2ae: {  	[tilespmem:s14], [sflag:$0x1] =	stream.indirect_vreg.gather [hbm4b:s5+s3], $0x80, v4, vm0, $0xb8;
	[tilespmem:$0x1D200] =	vst v63  }
0x2af: {  	s15 =	simm.s32 $0x4200  }
0x2b0: {  	[tilespmem:s15], [sflag:$0x1] =	stream.indirect_vreg.gather [hbm4b:s1+s3], $0x80, v3, vm0, $0xb8;
	[tilespmem:$0x1D200] =	vst v63  }
0x2b1: {  	s16 =	simm.s32 $0x4A00  }
0x2b2: {  	[tilespmem:s16], [sflag:$0x1] =	stream.indirect_vreg.gather [hbm4b:s5+s3], $0x80, v3, vm0, $0xb8;
	[tilespmem:$0x1D200] =	vst v63  }
0x2b3: {  	_ =	swait.ge [sflag:s25], $0x4000  }
0x2b4: {  	[sflag:s25] =	ssyncset.done $0x0  }
0x2b5: {  	[sflag:s25] =	ssyncadd.s32 $0xFFFFC000;
	s25 =	simm.s32 $0xB  }
0x2b6: {  	_ =	swait.ge [sflag:s25], $0x800  }
0x2b7: {  	[sflag:s25] =	ssyncset.done $0x0  }
0x2b8: {  	[sflag:s25] =	ssyncadd.s32 $0xFFFFF800  }
0x2b9: {  	[spmem:s20] =	stream.linear.scatter [tilespmem:s21], [sflag:$0x7], $0x4000, $0x38;
	[tilespmem:$0x1D200] =	vst v63  }
0x2ba: {  	_ =	swait.ge [sflag:s17], $0x4000  }
0x2bb: {  	[sflag:s17] =	ssyncset.done $0x0  }
0x2bc: {  	s0 =	sadd.s32 $0x6800, s0;
	[sflag:s17] =	ssyncadd.s32 $0xFFFFC000  }
0x2bd: {  	[hbm:s0], [sflag:s6] =	dma.local [spmem:s13], $0x800  }
0x2be: {  	v3 =	vld [tilespmem:s30+$0x100];
	_ =	sdelay $0x4  }
0x2bf: {  	v62 =	vshll.u32 v3, $0x2  }
0x2c0: {  	v3 =	vand.u32 $0x7, v3;
	v4 =	vand.u32 $0xFFFFFFE0, v62  }
0x2c1: {  	v3 =	vor.u32 v3, v4  }
0x2c2: {  	v4 =	vperm.xlane v3, v0;
	_ =	sdelay $0x1  }
0x2c3: {  	v4 =	vadd.s32 v1, v4;
	_ =	sdelay $0x1  }
0x2c4: {  	v3 =	vperm.xlane v3, v2;
	_ =	sdelay $0x1  }
0x2c5: {  	v3 =	vadd.s32 v1, v3  }
0x2c6: {  	[tilespmem:s12], [sflag:$0x2] =	stream.indirect_vreg.gather [hbm4b:s1+s3], $0x80, v4, vm0, $0xb8;
	[tilespmem:$0x1D200] =	vst v63  }
0x2c7: {  	s8 =	simm.s32 $0x5A00  }
0x2c8: {  	[tilespmem:s8], [sflag:$0x2] =	stream.indirect_vreg.gather [hbm4b:s5+s3], $0x80, v4, vm0, $0xb8;
	[tilespmem:$0x1D200] =	vst v63  }
0x2c9: {  	s9 =	simm.s32 $0x6200  }
0x2ca: {  	[tilespmem:s9], [sflag:$0x2] =	stream.indirect_vreg.gather [hbm4b:s1+s3], $0x80, v3, vm0, $0xb8;
	[tilespmem:$0x1D200] =	vst v63  }
0x2cb: {  	s10 =	simm.s32 $0x6A00  }
0x2cc: {  	[tilespmem:s10], [sflag:$0x2] =	stream.indirect_vreg.gather [hbm4b:s5+s3], $0x80, v3, vm0, $0xb8;
	[tilespmem:$0x1D200] =	vst v63  }
0x2cd: {  	v3 =	vld [tilespmem:s30+$0x110];
	_ =	sdelay $0x4  }
0x2ce: {  	v63 =	vshll.u32 v3, $0x2  }
0x2cf: {  	v3 =	vand.u32 $0x7, v3;
	v4 =	vand.u32 $0xFFFFFFE0, v63  }
0x2d0: {  	v3 =	vor.u32 v3, v4  }
0x2d1: {  	v4 =	vperm.xlane v3, v0;
	_ =	sdelay $0x1  }
0x2d2: {  	v4 =	vadd.s32 v1, v4  }
0x2d3: {  	p0 =	sne.s32 s31, $0x3C000;
	s31 =	sadd.s32 $0x6000, s31  }
0x2d4: {  	s7 =	simm.s32 $0x2200;
	s23 =	simm.s32 $0x3200;
	s26 =	simm.s32 $0x4A00  }
0x2d5: {  	s22 =	simm.s32 $0x3A00;
	s29 =	simm.s32 $0x1A00;
	s24 =	simm.s32 $0x2A00;
	v3 =	vperm.xlane v3, v2  }
0x2d6: {  	s4 =	simm.s32 $0x4200;
	s2 =	simm.s32 $0x6200;
	s11 =	simm.s32 $0x7200  }
0x2d7: {  	v3 =	vadd.s32 v1, v3;
	[tilespmem:s11], [sflag:$0x2] =	stream.indirect_vreg.gather [hbm4b:s1+s3], $0x80, v4, vm0, $0xb8;
	[tilespmem:$0x1D200] =	vst v63  }
0x2d8: {  	s14 =	simm.s32 $0x8200;
	s15 =	simm.s32 $0x8A00;
	s13 =	simm.s32 $0x7A00  }
0x2d9: {  	[tilespmem:s13], [sflag:$0x2] =	stream.indirect_vreg.gather [hbm4b:s5+s3], $0x80, v4, vm0, $0xb8;
	[tilespmem:$0x1D200] =	vst v63  }
.Ltmp0:
0x2da: {  	s16 =	simm.s32 $0x6A00;
	s20 =	simm.s32 $0x7A00;
	(pc) =	sbr.rel @p0 .LBB2_2-.Ltmp0, $4  }
0x2db: {  	s21 =	simm.s32 $0x8200;
	s17 =	simm.s32 $0x4;
	s12 =	simm.s32 $0x5A00  }
0x2dc: {  	[tilespmem:s14], [sflag:$0x2] =	stream.indirect_vreg.gather [hbm4b:s1+s3], $0x80, v3, vm0, $0xb8;
	[tilespmem:$0x1D200] =	vst v63  }
0x2dd: {  	s8 =	simm.s32 $0x8A00;
	s9 =	simm.s32 $0x7200;
	s30 =	sadd.s32 $0x180, s30  }
0x2de: {  	[tilespmem:s15], [sflag:$0x2] =	stream.indirect_vreg.gather [hbm4b:s5+s3], $0x80, v3, vm0, $0xb8;
	[tilespmem:$0x1D200] =	vst v63  }
0x2df: {  	_ =	swait.ge [sflag:s17], $0x4000  }
0x2e0: {  	[sflag:s17] =	ssyncset.done $0x0  }
0x2e1: {  	[sflag:s17] =	ssyncadd.s32 $0xFFFFC000  }
0x2e2: {  	_ =	swait.ge [sflag:s19], $0x800  }
0x2e3: {  	s0 =	simm.s32 $0xD200;
	[sflag:s19] =	ssyncset.done $0x0  }
0x2e4: {  	s15 =	simm.s32 $0x7;
	s6 =	rddreg [dreg:$0x14];
	[sflag:s19] =	ssyncadd.s32 $0xFFFFF800  }
0x2e5: {  	[spmem:s6] =	stream.linear.scatter [tilespmem:s0], [sflag:$0x8], $0x4000, $0x38;
	[tilespmem:$0x1D200] =	vst v63  }
0x2e6: {  	_ =	swait.ge [sflag:s15], $0x4000  }
0x2e7: {  	[sflag:s15] =	ssyncset.done $0x0  }
0x2e8: {  	s31 =	rddreg [dreg:$0x9];
	[sflag:s15] =	ssyncadd.s32 $0xFFFFC000  }
0x2e9: {  	[hbm:s31], [sflag:s18] =	dma.local [spmem:s28], $0x800  }
0x2ea: {  	v3 =	vld [tilespmem:$0x1140];
	_ =	sdelay $0x4  }
0x2eb: {  	v4 =	vshll.u32 v3, $0x2  }
0x2ec: {  	v3 =	vand.u32 $0x7, v3;
	v4 =	vand.u32 $0xFFFFFFE0, v4  }
0x2ed: {  	v3 =	vor.u32 v3, v4  }
0x2ee: {  	v4 =	vperm.xlane v3, v0;
	_ =	sdelay $0x1  }
0x2ef: {  	v4 =	vadd.s32 v1, v4;
	_ =	sdelay $0x1  }
0x2f0: {  	v3 =	vperm.xlane v3, v2;
	_ =	sdelay $0x1  }
0x2f1: {  	s10 =	simm.s32 $0x9200;
	v3 =	vadd.s32 v1, v3  }
0x2f2: {  	[tilespmem:s10], [sflag:$0x3] =	stream.indirect_vreg.gather [hbm4b:s1+s3], $0x80, v4, vm0, $0xb8;
	[tilespmem:$0x1D200] =	vst v63  }
0x2f3: {  	s11 =	simm.s32 $0x9A00  }
0x2f4: {  	[tilespmem:s11], [sflag:$0x3] =	stream.indirect_vreg.gather [hbm4b:s5+s3], $0x80, v4, vm0, $0xb8;
	[tilespmem:$0x1D200] =	vst v63  }
0x2f5: {  	s13 =	simm.s32 $0xA200  }
0x2f6: {  	[tilespmem:s13], [sflag:$0x3] =	stream.indirect_vreg.gather [hbm4b:s1+s3], $0x80, v3, vm0, $0xb8;
	[tilespmem:$0x1D200] =	vst v63  }
0x2f7: {  	s14 =	simm.s32 $0xAA00  }
0x2f8: {  	[tilespmem:s14], [sflag:$0x3] =	stream.indirect_vreg.gather [hbm4b:s5+s3], $0x80, v3, vm0, $0xb8;
	[tilespmem:$0x1D200] =	vst v63  }
0x2f9: {  	v3 =	vld [tilespmem:$0x1150];
	_ =	sdelay $0x4  }
0x2fa: {  	v53 =	vshll.u32 v3, $0x2  }
0x2fb: {  	v3 =	vand.u32 $0x7, v3;
	v4 =	vand.u32 $0xFFFFFFE0, v53  }
0x2fc: {  	v3 =	vor.u32 v3, v4  }
0x2fd: {  	v4 =	vperm.xlane v3, v0;
	_ =	sdelay $0x1  }
0x2fe: {  	v4 =	vadd.s32 v1, v4;
	_ =	sdelay $0x1  }
0x2ff: {  	v3 =	vperm.xlane v3, v2;
	_ =	sdelay $0x1  }
0x300: {  	s15 =	simm.s32 $0xB200;
	v3 =	vadd.s32 v1, v3  }
0x301: {  	[tilespmem:s15], [sflag:$0x3] =	stream.indirect_vreg.gather [hbm4b:s1+s3], $0x80, v4, vm0, $0xb8;
	[tilespmem:$0x1D200] =	vst v63  }
0x302: {  	s31 =	simm.s32 $0xBA00  }
0x303: {  	[tilespmem:s31], [sflag:$0x3] =	stream.indirect_vreg.gather [hbm4b:s5+s3], $0x80, v4, vm0, $0xb8;
	[tilespmem:$0x1D200] =	vst v63  }
0x304: {  	s10 =	simm.s32 $0xC200  }
0x305: {  	[tilespmem:s10], [sflag:$0x3] =	stream.indirect_vreg.gather [hbm4b:s1+s3], $0x80, v3, vm0, $0xb8;
	[tilespmem:$0x1D200] =	vst v63  }
0x306: {  	s30 =	simm.s32 $0x1;
	s11 =	simm.s32 $0xCA00  }
0x307: {  	[tilespmem:s11], [sflag:$0x3] =	stream.indirect_vreg.gather [hbm4b:s5+s3], $0x80, v3, vm0, $0xb8;
	[tilespmem:$0x1D200] =	vst v63  }
0x308: {  	_ =	swait.ge [sflag:s30], $0x4000  }
0x309: {  	[sflag:s30] =	ssyncset.done $0x0  }
0x30a: {  	s10 =	simm.s32 $0xA;
	[sflag:s30] =	ssyncadd.s32 $0xFFFFC000  }
0x30b: {  	_ =	swait.ge [sflag:s10], $0x800  }
0x30c: {  	s15 =	simm.s32 $0x8;
	[sflag:s10] =	ssyncset.done $0x0  }
0x30d: {  	s11 =	simm.s32 $0x1200;
	s13 =	rddreg [dreg:$0x15];
	[sflag:s10] =	ssyncadd.s32 $0xFFFFF800  }
0x30e: {  	[spmem:s13] =	stream.linear.scatter [tilespmem:s11], [sflag:$0x5], $0x4000, $0x38;
	[tilespmem:$0x1D200] =	vst v63  }
0x30f: {  	_ =	swait.ge [sflag:s15], $0x4000  }
0x310: {  	s14 =	rddreg [dreg:$0xa]  }
0x311: {  	[sflag:s15] =	ssyncset.done $0x0;
	s31 =	rddreg [dreg:$0x18]  }
0x312: {  	s13 =	rddreg [dreg:$0x19];
	[sflag:s15] =	ssyncadd.s32 $0xFFFFC000  }
0x313: {  	[hbm:s14], [sflag:s31] =	dma.local [spmem:s13], $0x800  }
0x314: {  	v3 =	vld [tilespmem:$0x1160];
	_ =	sdelay $0x4  }
0x315: {  	v54 =	vshll.u32 v3, $0x2  }
0x316: {  	v3 =	vand.u32 $0x7, v3;
	v4 =	vand.u32 $0xFFFFFFE0, v54  }
0x317: {  	v3 =	vor.u32 v3, v4  }
0x318: {  	v4 =	vperm.xlane v3, v0;
	_ =	sdelay $0x1  }
0x319: {  	v4 =	vadd.s32 v1, v4;
	_ =	sdelay $0x1  }
0x31a: {  	v3 =	vperm.xlane v3, v2;
	_ =	sdelay $0x1  }
0x31b: {  	s17 =	smov.u32 s6;
	s6 =	simm.s32 $0xD200;
	v3 =	vadd.s32 v1, v3  }
0x31c: {  	[tilespmem:s6], [sflag:$0x4] =	stream.indirect_vreg.gather [hbm4b:s1+s3], $0x80, v4, vm0, $0xb8;
	[tilespmem:$0x1D200] =	vst v63  }
0x31d: {  	s6 =	simm.s32 $0xDA00  }
0x31e: {  	[tilespmem:s6], [sflag:$0x4] =	stream.indirect_vreg.gather [hbm4b:s5+s3], $0x80, v4, vm0, $0xb8;
	[tilespmem:$0x1D200] =	vst v63  }
0x31f: {  	s11 =	simm.s32 $0xE200  }
0x320: {  	[tilespmem:s11], [sflag:$0x4] =	stream.indirect_vreg.gather [hbm4b:s1+s3], $0x80, v3, vm0, $0xb8;
	[tilespmem:$0x1D200] =	vst v63  }
0x321: {  	s13 =	simm.s32 $0xEA00  }
0x322: {  	[tilespmem:s13], [sflag:$0x4] =	stream.indirect_vreg.gather [hbm4b:s5+s3], $0x80, v3, vm0, $0xb8;
	[tilespmem:$0x1D200] =	vst v63  }
0x323: {  	v3 =	vld [tilespmem:$0x1170];
	_ =	sdelay $0x4  }
0x324: {  	v55 =	vshll.u32 v3, $0x2  }
0x325: {  	v3 =	vand.u32 $0x7, v3;
	v4 =	vand.u32 $0xFFFFFFE0, v55  }
0x326: {  	v3 =	vor.u32 v3, v4  }
0x327: {  	v4 =	vperm.xlane v3, v0;
	_ =	sdelay $0x1  }
0x328: {  	v4 =	vadd.s32 v1, v4;
	_ =	sdelay $0x1  }
0x329: {  	v3 =	vperm.xlane v3, v2;
	_ =	sdelay $0x1  }
0x32a: {  	s14 =	simm.s32 $0xF200;
	v3 =	vadd.s32 v1, v3  }
0x32b: {  	[tilespmem:s14], [sflag:$0x4] =	stream.indirect_vreg.gather [hbm4b:s1+s3], $0x80, v4, vm0, $0xb8;
	[tilespmem:$0x1D200] =	vst v63  }
0x32c: {  	s31 =	simm.s32 $0xFA00  }
0x32d: {  	[tilespmem:s31], [sflag:$0x4] =	stream.indirect_vreg.gather [hbm4b:s5+s3], $0x80, v4, vm0, $0xb8;
	[tilespmem:$0x1D200] =	vst v63  }
0x32e: {  	s6 =	simm.s32 $0x10200  }
0x32f: {  	[tilespmem:s6], [sflag:$0x4] =	stream.indirect_vreg.gather [hbm4b:s1+s3], $0x80, v3, vm0, $0xb8;
	[tilespmem:$0x1D200] =	vst v63  }
0x330: {  	s11 =	simm.s32 $0x10A00;
	s31 =	simm.s32 $0x2  }
0x331: {  	[tilespmem:s11], [sflag:$0x4] =	stream.indirect_vreg.gather [hbm4b:s5+s3], $0x80, v3, vm0, $0xb8;
	[tilespmem:$0x1D200] =	vst v63  }
0x332: {  	_ =	swait.ge [sflag:s31], $0x4000  }
0x333: {  	[sflag:s31] =	ssyncset.done $0x0  }
0x334: {  	[sflag:s31] =	ssyncadd.s32 $0xFFFFC000  }
0x335: {  	_ =	swait.ge [sflag:s25], $0x800  }
0x336: {  	s13 =	simm.s32 $0x5200;
	[sflag:s25] =	ssyncset.done $0x0  }
0x337: {  	s11 =	simm.s32 $0x5;
	s14 =	rddreg [dreg:$0x16];
	[sflag:s25] =	ssyncadd.s32 $0xFFFFF800  }
0x338: {  	[spmem:s14] =	stream.linear.scatter [tilespmem:s13], [sflag:$0x6], $0x4000, $0x38;
	[tilespmem:$0x1D200] =	vst v63  }
0x339: {  	_ =	swait.ge [sflag:s11], $0x4000  }
0x33a: {  	s25 =	rddreg [dreg:$0xb]  }
0x33b: {  	[sflag:s11] =	ssyncset.done $0x0;
	s6 =	rddreg [dreg:$0x1a]  }
0x33c: {  	s13 =	rddreg [dreg:$0x1b];
	[sflag:s11] =	ssyncadd.s32 $0xFFFFC000  }
0x33d: {  	[hbm:s25], [sflag:s6] =	dma.local [spmem:s13], $0x800  }
0x33e: {  	v3 =	vld [tilespmem:$0x1180];
	_ =	sdelay $0x4  }
0x33f: {  	v56 =	vshll.u32 v3, $0x2  }
0x340: {  	v3 =	vand.u32 $0x7, v3;
	v4 =	vand.u32 $0xFFFFFFE0, v56  }
0x341: {  	v3 =	vor.u32 v3, v4  }
0x342: {  	v4 =	vperm.xlane v3, v0;
	_ =	sdelay $0x1  }
0x343: {  	v4 =	vadd.s32 v1, v4;
	_ =	sdelay $0x1  }
0x344: {  	v3 =	vperm.xlane v3, v2;
	_ =	sdelay $0x1  }
0x345: {  	s25 =	simm.s32 $0x1200;
	v3 =	vadd.s32 v1, v3  }
0x346: {  	[tilespmem:s25], [sflag:$0x1] =	stream.indirect_vreg.gather [hbm4b:s1+s3], $0x80, v4, vm0, $0xb8;
	[tilespmem:$0x1D200] =	vst v63  }
0x347: {  	_ = 	snop  }
0x348: {  	[tilespmem:s29], [sflag:$0x1] =	stream.indirect_vreg.gather [hbm4b:s5+s3], $0x80, v4, vm0, $0xb8;
	[tilespmem:$0x1D200] =	vst v63  }
0x349: {  	_ = 	snop  }
0x34a: {  	[tilespmem:s7], [sflag:$0x1] =	stream.indirect_vreg.gather [hbm4b:s1+s3], $0x80, v3, vm0, $0xb8;
	[tilespmem:$0x1D200] =	vst v63  }
0x34b: {  	_ = 	snop  }
0x34c: {  	[tilespmem:s24], [sflag:$0x1] =	stream.indirect_vreg.gather [hbm4b:s5+s3], $0x80, v3, vm0, $0xb8;
	[tilespmem:$0x1D200] =	vst v63  }
0x34d: {  	v3 =	vld [tilespmem:$0x1190];
	_ =	sdelay $0x4  }
0x34e: {  	v57 =	vshll.u32 v3, $0x2  }
0x34f: {  	v3 =	vand.u32 $0x7, v3;
	v4 =	vand.u32 $0xFFFFFFE0, v57  }
0x350: {  	v3 =	vor.u32 v3, v4  }
0x351: {  	v4 =	vperm.xlane v3, v0;
	_ =	sdelay $0x1  }
0x352: {  	v4 =	vadd.s32 v1, v4;
	_ =	sdelay $0x1  }
0x353: {  	v3 =	vperm.xlane v3, v2;
	_ =	sdelay $0x1  }
0x354: {  	v3 =	vadd.s32 v1, v3  }
0x355: {  	[tilespmem:s23], [sflag:$0x1] =	stream.indirect_vreg.gather [hbm4b:s1+s3], $0x80, v4, vm0, $0xb8;
	[tilespmem:$0x1D200] =	vst v63  }
0x356: {  	_ = 	snop  }
0x357: {  	[tilespmem:s22], [sflag:$0x1] =	stream.indirect_vreg.gather [hbm4b:s5+s3], $0x80, v4, vm0, $0xb8;
	[tilespmem:$0x1D200] =	vst v63  }
0x358: {  	_ = 	snop  }
0x359: {  	[tilespmem:s4], [sflag:$0x1] =	stream.indirect_vreg.gather [hbm4b:s1+s3], $0x80, v3, vm0, $0xb8;
	[tilespmem:$0x1D200] =	vst v63  }
0x35a: {  	s25 =	simm.s32 $0x3  }
0x35b: {  	[tilespmem:s26], [sflag:$0x1] =	stream.indirect_vreg.gather [hbm4b:s5+s3], $0x80, v3, vm0, $0xb8;
	[tilespmem:$0x1D200] =	vst v63  }
0x35c: {  	_ =	swait.ge [sflag:s25], $0x4000  }
0x35d: {  	[sflag:s25] =	ssyncset.done $0x0  }
0x35e: {  	[sflag:s25] =	ssyncadd.s32 $0xFFFFC000  }
0x35f: {  	_ =	swait.ge [sflag:s19], $0x800  }
0x360: {  	[sflag:s19] =	ssyncset.done $0x0  }
0x361: {  	s7 =	simm.s32 $0x9200;
	[sflag:s19] =	ssyncadd.s32 $0xFFFFF800  }
0x362: {  	[spmem:s17] =	stream.linear.scatter [tilespmem:s7], [sflag:$0x7], $0x4000, $0x38;
	[tilespmem:$0x1D200] =	vst v63  }
0x363: {  	s17 =	simm.s32 $0x6  }
0x364: {  	_ =	swait.ge [sflag:s17], $0x4000  }
0x365: {  	[sflag:s17] =	ssyncset.done $0x0  }
0x366: {  	s24 =	rddreg [dreg:$0xc];
	[sflag:s17] =	ssyncadd.s32 $0xFFFFC000  }
0x367: {  	[hbm:s24], [sflag:s18] =	dma.local [spmem:s28], $0x800  }
0x368: {  	v3 =	vld [tilespmem:$0x11A0];
	_ =	sdelay $0x4  }
0x369: {  	v58 =	vshll.u32 v3, $0x2  }
0x36a: {  	v3 =	vand.u32 $0x7, v3;
	v4 =	vand.u32 $0xFFFFFFE0, v58  }
0x36b: {  	v3 =	vor.u32 v3, v4  }
0x36c: {  	v4 =	vperm.xlane v3, v0;
	_ =	sdelay $0x1  }
0x36d: {  	v4 =	vadd.s32 v1, v4;
	_ =	sdelay $0x1  }
0x36e: {  	v3 =	vperm.xlane v3, v2;
	_ =	sdelay $0x1  }
0x36f: {  	s26 =	simm.s32 $0x5200;
	v3 =	vadd.s32 v1, v3  }
0x370: {  	[tilespmem:s26], [sflag:$0x2] =	stream.indirect_vreg.gather [hbm4b:s1+s3], $0x80, v4, vm0, $0xb8;
	[tilespmem:$0x1D200] =	vst v63  }
0x371: {  	_ = 	snop  }
0x372: {  	[tilespmem:s12], [sflag:$0x2] =	stream.indirect_vreg.gather [hbm4b:s5+s3], $0x80, v4, vm0, $0xb8;
	[tilespmem:$0x1D200] =	vst v63  }
0x373: {  	_ = 	snop  }
0x374: {  	[tilespmem:s2], [sflag:$0x2] =	stream.indirect_vreg.gather [hbm4b:s1+s3], $0x80, v3, vm0, $0xb8;
	[tilespmem:$0x1D200] =	vst v63  }
0x375: {  	_ = 	snop  }
0x376: {  	[tilespmem:s16], [sflag:$0x2] =	stream.indirect_vreg.gather [hbm4b:s5+s3], $0x80, v3, vm0, $0xb8;
	[tilespmem:$0x1D200] =	vst v63  }
0x377: {  	v3 =	vld [tilespmem:$0x11B0];
	_ =	sdelay $0x4  }
0x378: {  	v59 =	vshll.u32 v3, $0x2  }
0x379: {  	v3 =	vand.u32 $0x7, v3;
	v4 =	vand.u32 $0xFFFFFFE0, v59  }
0x37a: {  	v3 =	vor.u32 v3, v4  }
0x37b: {  	v4 =	vperm.xlane v3, v0;
	_ =	sdelay $0x1  }
0x37c: {  	v4 =	vadd.s32 v1, v4;
	_ =	sdelay $0x1  }
0x37d: {  	v3 =	vperm.xlane v3, v2;
	_ =	sdelay $0x1  }
0x37e: {  	v3 =	vadd.s32 v1, v3  }
0x37f: {  	[tilespmem:s9], [sflag:$0x2] =	stream.indirect_vreg.gather [hbm4b:s1+s3], $0x80, v4, vm0, $0xb8;
	[tilespmem:$0x1D200] =	vst v63  }
0x380: {  	_ = 	snop  }
0x381: {  	[tilespmem:s20], [sflag:$0x2] =	stream.indirect_vreg.gather [hbm4b:s5+s3], $0x80, v4, vm0, $0xb8;
	[tilespmem:$0x1D200] =	vst v63  }
0x382: {  	_ = 	snop  }
0x383: {  	[tilespmem:s21], [sflag:$0x2] =	stream.indirect_vreg.gather [hbm4b:s1+s3], $0x80, v3, vm0, $0xb8;
	[tilespmem:$0x1D200] =	vst v63  }
0x384: {  	s23 =	simm.s32 $0x4  }
0x385: {  	[tilespmem:s8], [sflag:$0x2] =	stream.indirect_vreg.gather [hbm4b:s5+s3], $0x80, v3, vm0, $0xb8;
	[tilespmem:$0x1D200] =	vst v63  }
0x386: {  	_ =	swait.ge [sflag:s23], $0x4000  }
0x387: {  	[sflag:s23] =	ssyncset.done $0x0  }
0x388: {  	[sflag:s23] =	ssyncadd.s32 $0xFFFFC000  }
0x389: {  	_ =	swait.ge [sflag:s10], $0x800  }
0x38a: {  	s4 =	simm.s32 $0xD200;
	[sflag:s10] =	ssyncset.done $0x0  }
0x38b: {  	s9 =	simm.s32 $0x7;
	s2 =	rddreg [dreg:$0x15];
	[sflag:s10] =	ssyncadd.s32 $0xFFFFF800  }
0x38c: {  	[spmem:s2] =	stream.linear.scatter [tilespmem:s4], [sflag:$0x8], $0x4000, $0x38;
	[tilespmem:$0x1D200] =	vst v63  }
0x38d: {  	_ =	swait.ge [sflag:s9], $0x4000  }
0x38e: {  	s12 =	rddreg [dreg:$0xd]  }
0x38f: {  	[sflag:s9] =	ssyncset.done $0x0;
	s23 =	rddreg [dreg:$0x19]  }
0x390: {  	[sflag:s9] =	ssyncadd.s32 $0xFFFFC000;
	s9 =	rddreg [dreg:$0x18]  }
0x391: {  	[hbm:s12], [sflag:s9] =	dma.local [spmem:s23], $0x800  }
0x392: {  	v3 =	vld [tilespmem:$0x11C0];
	_ =	sdelay $0x4  }
0x393: {  	v60 =	vshll.u32 v3, $0x2  }
0x394: {  	v3 =	vand.u32 $0x7, v3;
	v4 =	vand.u32 $0xFFFFFFE0, v60  }
0x395: {  	v3 =	vor.u32 v3, v4  }
0x396: {  	v4 =	vperm.xlane v3, v0;
	_ =	sdelay $0x1  }
0x397: {  	v4 =	vadd.s32 v1, v4;
	_ =	sdelay $0x1  }
0x398: {  	v3 =	vperm.xlane v3, v2;
	_ =	sdelay $0x1  }
0x399: {  	v3 =	vadd.s32 v1, v3  }
0x39a: {  	[tilespmem:s7], [sflag:$0x3] =	stream.indirect_vreg.gather [hbm4b:s1+s3], $0x80, v4, vm0, $0xb8;
	[tilespmem:$0x1D200] =	vst v63  }
0x39b: {  	s16 =	simm.s32 $0x9A00  }
0x39c: {  	[tilespmem:s16], [sflag:$0x3] =	stream.indirect_vreg.gather [hbm4b:s5+s3], $0x80, v4, vm0, $0xb8;
	[tilespmem:$0x1D200] =	vst v63  }
0x39d: {  	s21 =	simm.s32 $0xA200  }
0x39e: {  	[tilespmem:s21], [sflag:$0x3] =	stream.indirect_vreg.gather [hbm4b:s1+s3], $0x80, v3, vm0, $0xb8;
	[tilespmem:$0x1D200] =	vst v63  }
0x39f: {  	s24 =	simm.s32 $0xAA00  }
0x3a0: {  	[tilespmem:s24], [sflag:$0x3] =	stream.indirect_vreg.gather [hbm4b:s5+s3], $0x80, v3, vm0, $0xb8;
	[tilespmem:$0x1D200] =	vst v63  }
0x3a1: {  	v3 =	vld [tilespmem:$0x11D0];
	_ =	sdelay $0x4  }
0x3a2: {  	v61 =	vshll.u32 v3, $0x2  }
0x3a3: {  	v3 =	vand.u32 $0x7, v3;
	v4 =	vand.u32 $0xFFFFFFE0, v61  }
0x3a4: {  	v3 =	vor.u32 v3, v4  }
0x3a5: {  	v4 =	vperm.xlane v3, v0;
	_ =	sdelay $0x1  }
0x3a6: {  	v4 =	vadd.s32 v1, v4;
	_ =	sdelay $0x1  }
0x3a7: {  	v3 =	vperm.xlane v3, v2;
	_ =	sdelay $0x1  }
0x3a8: {  	s26 =	simm.s32 $0xB200;
	v3 =	vadd.s32 v1, v3  }
0x3a9: {  	[tilespmem:s26], [sflag:$0x3] =	stream.indirect_vreg.gather [hbm4b:s1+s3], $0x80, v4, vm0, $0xb8;
	[tilespmem:$0x1D200] =	vst v63  }
0x3aa: {  	s8 =	simm.s32 $0xBA00  }
0x3ab: {  	[tilespmem:s8], [sflag:$0x3] =	stream.indirect_vreg.gather [hbm4b:s5+s3], $0x80, v4, vm0, $0xb8;
	[tilespmem:$0x1D200] =	vst v63  }
0x3ac: {  	s12 =	simm.s32 $0xC200  }
0x3ad: {  	[tilespmem:s12], [sflag:$0x3] =	stream.indirect_vreg.gather [hbm4b:s1+s3], $0x80, v3, vm0, $0xb8;
	[tilespmem:$0x1D200] =	vst v63  }
0x3ae: {  	s21 =	simm.s32 $0xCA00  }
0x3af: {  	[tilespmem:s21], [sflag:$0x3] =	stream.indirect_vreg.gather [hbm4b:s5+s3], $0x80, v3, vm0, $0xb8;
	[tilespmem:$0x1D200] =	vst v63  }
0x3b0: {  	_ =	swait.ge [sflag:s30], $0x4000  }
0x3b1: {  	[sflag:s30] =	ssyncset.done $0x0  }
0x3b2: {  	s22 =	simm.s32 $0xB;
	[sflag:s30] =	ssyncadd.s32 $0xFFFFC000  }
0x3b3: {  	_ =	swait.ge [sflag:s22], $0x800  }
0x3b4: {  	[sflag:s22] =	ssyncset.done $0x0  }
0x3b5: {  	[sflag:s22] =	ssyncadd.s32 $0xFFFFF800;
	s22 =	simm.s32 $0x1200  }
0x3b6: {  	[spmem:s14] =	stream.linear.scatter [tilespmem:s22], [sflag:$0x5], $0x4000, $0x38;
	[tilespmem:$0x1D200] =	vst v63  }
0x3b7: {  	_ =	swait.ge [sflag:s15], $0x4000  }
0x3b8: {  	[sflag:s15] =	ssyncset.done $0x0  }
0x3b9: {  	s26 =	rddreg [dreg:$0xe];
	[sflag:s15] =	ssyncadd.s32 $0xFFFFC000  }
0x3ba: {  	[hbm:s26], [sflag:s6] =	dma.local [spmem:s13], $0x800  }
0x3bb: {  	v3 =	vld [tilespmem:$0x11E0];
	_ =	sdelay $0x4  }
0x3bc: {  	v62 =	vshll.u32 v3, $0x2  }
0x3bd: {  	v3 =	vand.u32 $0x7, v3;
	v4 =	vand.u32 $0xFFFFFFE0, v62  }
0x3be: {  	v3 =	vor.u32 v3, v4  }
0x3bf: {  	v4 =	vperm.xlane v3, v0;
	_ =	sdelay $0x1  }
0x3c0: {  	v4 =	vadd.s32 v1, v4;
	_ =	sdelay $0x1  }
0x3c1: {  	v3 =	vperm.xlane v3, v2;
	_ =	sdelay $0x1  }
0x3c2: {  	v3 =	vadd.s32 v1, v3  }
0x3c3: {  	[tilespmem:s4], [sflag:$0x4] =	stream.indirect_vreg.gather [hbm4b:s1+s3], $0x80, v4, vm0, $0xb8;
	[tilespmem:$0x1D200] =	vst v63  }
0x3c4: {  	s4 =	simm.s32 $0xDA00  }
0x3c5: {  	[tilespmem:s4], [sflag:$0x4] =	stream.indirect_vreg.gather [hbm4b:s5+s3], $0x80, v4, vm0, $0xb8;
	[tilespmem:$0x1D200] =	vst v63  }
0x3c6: {  	s8 =	simm.s32 $0xE200  }
0x3c7: {  	[tilespmem:s8], [sflag:$0x4] =	stream.indirect_vreg.gather [hbm4b:s1+s3], $0x80, v3, vm0, $0xb8;
	[tilespmem:$0x1D200] =	vst v63  }
0x3c8: {  	s12 =	simm.s32 $0xEA00  }
0x3c9: {  	[tilespmem:s12], [sflag:$0x4] =	stream.indirect_vreg.gather [hbm4b:s5+s3], $0x80, v3, vm0, $0xb8;
	[tilespmem:$0x1D200] =	vst v63  }
0x3ca: {  	v3 =	vld [tilespmem:$0x11F0];
	_ =	sdelay $0x4  }
0x3cb: {  	v63 =	vshll.u32 v3, $0x2  }
0x3cc: {  	v3 =	vand.u32 $0x7, v3;
	v4 =	vand.u32 $0xFFFFFFE0, v63  }
0x3cd: {  	v3 =	vor.u32 v3, v4  }
0x3ce: {  	v4 =	vperm.xlane v3, v0;
	_ =	sdelay $0x1  }
0x3cf: {  	v4 =	vadd.s32 v1, v4;
	_ =	sdelay $0x1  }
0x3d0: {  	v3 =	vperm.xlane v3, v2;
	_ =	sdelay $0x1  }
0x3d1: {  	s26 =	simm.s32 $0xF200;
	v3 =	vadd.s32 v1, v3  }
0x3d2: {  	[tilespmem:s26], [sflag:$0x4] =	stream.indirect_vreg.gather [hbm4b:s1+s3], $0x80, v4, vm0, $0xb8;
	[tilespmem:$0x1D200] =	vst v63  }
0x3d3: {  	s12 =	simm.s32 $0xFA00  }
0x3d4: {  	[tilespmem:s12], [sflag:$0x4] =	stream.indirect_vreg.gather [hbm4b:s5+s3], $0x80, v4, vm0, $0xb8;
	[tilespmem:$0x1D200] =	vst v63  }
0x3d5: {  	s0 =	simm.s32 $0x10200  }
0x3d6: {  	[tilespmem:s0], [sflag:$0x4] =	stream.indirect_vreg.gather [hbm4b:s1+s3], $0x80, v3, vm0, $0xb8;
	[tilespmem:$0x1D200] =	vst v63  }
0x3d7: {  	s0 =	simm.s32 $0x10A00  }
0x3d8: {  	[tilespmem:s0], [sflag:$0x4] =	stream.indirect_vreg.gather [hbm4b:s5+s3], $0x80, v3, vm0, $0xb8;
	[tilespmem:$0x1D200] =	vst v63  }
0x3d9: {  	_ =	swait.ge [sflag:s31], $0x4000  }
0x3da: {  	[sflag:s31] =	ssyncset.done $0x0  }
0x3db: {  	[sflag:s31] =	ssyncadd.s32 $0xFFFFC000  }
0x3dc: {  	_ =	swait.ge [sflag:s19], $0x800  }
0x3dd: {  	[sflag:s19] =	ssyncset.done $0x0  }
0x3de: {  	s31 =	simm.s32 $0x5200;
	s0 =	rddreg [dreg:$0x14];
	[sflag:s19] =	ssyncadd.s32 $0xFFFFF800  }
0x3df: {  	[spmem:s0] =	stream.linear.scatter [tilespmem:s31], [sflag:$0x6], $0x4000, $0x38;
	[tilespmem:$0x1D200] =	vst v63  }
0x3e0: {  	_ =	swait.ge [sflag:s11], $0x4000  }
0x3e1: {  	[sflag:s11] =	ssyncset.done $0x0  }
0x3e2: {  	s31 =	rddreg [dreg:$0xf];
	[sflag:s11] =	ssyncadd.s32 $0xFFFFC000  }
0x3e3: {  	[hbm:s31], [sflag:s18] =	dma.local [spmem:s28], $0x800  }
0x3e4: {  	_ =	swait.ge [sflag:s25], $0x4000  }
0x3e5: {  	[sflag:s25] =	ssyncset.done $0x0  }
0x3e6: {  	[sflag:s25] =	ssyncadd.s32 $0xFFFFC000  }
0x3e7: {  	_ =	swait.ge [sflag:s10], $0x800  }
0x3e8: {  	[sflag:s10] =	ssyncset.done $0x0  }
0x3e9: {  	s20 =	simm.s32 $0x9200;
	[sflag:s10] =	ssyncadd.s32 $0xFFFFF800  }
0x3ea: {  	[spmem:s2] =	stream.linear.scatter [tilespmem:s20], [sflag:$0x7], $0x4000, $0x38;
	[tilespmem:$0x1D200] =	vst v63  }
0x3eb: {  	_ =	swait.ge [sflag:s17], $0x4000  }
0x3ec: {  	[sflag:s17] =	ssyncset.done $0x0  }
0x3ed: {  	s2 =	rddreg [dreg:$0x10];
	[sflag:s17] =	ssyncadd.s32 $0xFFFFC000;
	s17 =	simm.s32 $0x4  }
0x3ee: {  	[hbm:s2], [sflag:s9] =	dma.local [spmem:s23], $0x800  }
0x3ef: {  	_ =	swait.ge [sflag:s17], $0x4000  }
0x3f0: {  	[sflag:s17] =	ssyncset.done $0x0  }
0x3f1: {  	s25 =	simm.s32 $0xB;
	[sflag:s17] =	ssyncadd.s32 $0xFFFFC000  }
0x3f2: {  	_ =	swait.ge [sflag:s25], $0x800  }
0x3f3: {  	[sflag:s25] =	ssyncset.done $0x0  }
0x3f4: {  	s11 =	simm.s32 $0x7;
	s9 =	simm.s32 $0xD200;
	[sflag:s25] =	ssyncadd.s32 $0xFFFFF800  }
0x3f5: {  	[spmem:s14] =	stream.linear.scatter [tilespmem:s9], [sflag:$0x8], $0x4000, $0x38;
	[tilespmem:$0x1D200] =	vst v63  }
0x3f6: {  	_ =	swait.ge [sflag:s11], $0x4000  }
0x3f7: {  	[sflag:s11] =	ssyncset.done $0x0  }
0x3f8: {  	s14 =	rddreg [dreg:$0x11];
	[sflag:s11] =	ssyncadd.s32 $0xFFFFC000  }
0x3f9: {  	[hbm:s14], [sflag:s6] =	dma.local [spmem:s13], $0x800  }
0x3fa: {  	_ =	swait.ge [sflag:s15], $0x4000  }
0x3fb: {  	[sflag:s15] =	ssyncset.done $0x0  }
0x3fc: {  	s23 =	rddreg [dreg:$0x12];
	[sflag:s15] =	ssyncadd.s32 $0xFFFFC000  }
0x3fd: {  	[hbm:s23], [sflag:s18] =	dma.local [spmem:s28], $0x800  }
0x3fe: {  	_ =	swait.ge [sflag:s19], $0x800  }
0x3ff: {  	[sflag:s19] =	ssyncset.done $0x0  }
0x400: {  	[sflag:s19] =	ssyncadd.s32 $0xFFFFF800  }
0x401: {  	_ =	swait.ge [sflag:s10], $0x800  }
0x402: {  	[sflag:s10] =	ssyncset.done $0x0  }
0x403: {  	[sflag:s10] =	ssyncadd.s32 $0xFFFFF800  }
0x404: {  	_ =	swait.ge [sflag:s25], $0x800  }
0x405: {  	s28 =	rddreg [dreg:$0x17]  }
0x406: {  	s31 =	rddreg [dreg:$0x13];
	s2 =	sadd.s32 $0x1, s28  }
0x407: {  	p0 =	sne.s32 s2, s31  }
.Ltmp1:
0x408: {  	s29 =	simm.s32 $0xBA00;
	s7 =	simm.s32 $0xB200;
	(pc) =	sbr.rel @p0 .LBB2_1-.Ltmp1, $4  }
0x409: {  	s16 =	simm.s32 $0xC200;
	s24 =	simm.s32 $0xCA00;
	s21 =	simm.s32 $0xDA00  }
0x40a: {  	s30 =	simm.s32 $0x10A00;
	s22 =	simm.s32 $0xE200;
	s4 =	simm.s32 $0xEA00  }
0x40b: {  	s8 =	simm.s32 $0xF200;
	s26 =	simm.s32 $0xFA00;
	[sflag:s25] =	ssyncset.done $0x0  }
0x40c: {  	s12 =	simm.s32 $0x10200;
	s20 =	simm.s32 $0xD200;
	[sflag:s25] =	ssyncadd.s32 $0xFFFFF800  }
0x40d: {  	_ =	sfence.sel $0x180000  }
0x40e: {  	[bflag:$0x0] =	sbarrier.arrive $0xFFFF  }
0x40f: {  	_ =	strace $0x90000047  }
0x410: {  	s0 =	stileid.u32;
	[bflag:$0x2] =	sbarrier.arrive $0xFFFF  }
0x411: {  	p0 =	sne.s32 s0, $0x0;
	s0 =	rddreg [dreg:$0x4]  }
0x412: {  	s0 =	sadd.s32 @!p0 $0x100000, s0  }
0x413: {  	[sflag:s0] =	ssyncadd.tile.s32 @!p0 $0x1;
	_ =	shalt  }
.Lfunc_end2:
_tile_overlayer_lowered:
.L_overlay_start_2:
0x414: {  	(tag) =	ssettag $0x2  }
0x415: {  	s0 =	rddreg [dreg:$0x0];
	s2 =	stileid.u32  }
0x416: {  	s1 =	rddreg [dreg:$0x1];
	p0 =	sne.s32 s2, $0x0  }
0x417: {  	s3 =	rddreg [dreg:$0x2];
	[bflag:$0x3] =	sbarrier.arrive $0xFFFF;
	s2 =	simm.s32 @!p0 $0x1C0C  }
0x418: {  	[timem:s3], [sflag:s2] =	dma.local @!p0 [hbm:s0], s1  }
0x419: {  	s0 =	simm.s32 @!p0 $0xC  }
0x41a: {  	_ =	swait.ge @!p0 [sflag:s0], s1  }
0x41b: {  	s1 =	ssub.s32 @!p0 $0x0, s1;
	[sflag:s0] =	ssyncset.done @!p0 $0x0  }
0x41c: {  	[sflag:s0] =	ssyncadd.s32 @!p0 s1  }
0x41d: {  	[bflag:$0x3] =	sbarrier.arrive $0xFFFF  }
0x41e: {  	_ =	shalt  }

</sc_bundles>
